<compile_context>
chip_gen: v7x
topology: tpu7x:2x2x1
jax: 0.10.2.dev20260603
libtpu: 0.0.44.dev20260713+nightly
codegen_flags: <defaults>
</compile_context>

<pallas_src>
import functools

import jax
import jax.numpy as jnp
from jax import lax
from jax.experimental import pallas as pl
from jax.experimental.pallas import tpu as pltpu
from jax.experimental.pallas import tpu_sc as plsc

N = 10000
E = 320000
D = 128
NC = 2
NS = 16
CHUNK = 128
NBUF = 3


def _make_sc_segment_sum(n_nodes, n_edges, interpret=False):
    chunks_per_core = n_edges // CHUNK // NC
    q, r = divmod(chunks_per_core, NS)
    stripe = (n_nodes // NS) // 8 * 8
    last_stripe = n_nodes - stripe * (NS - 1)

    mesh = plsc.VectorSubcoreMesh(core_axis_name="c", subcore_axis_name="s",
                                  num_cores=NC, num_subcores=NS)

    @functools.partial(
        pl.kernel,
        out_type=jax.ShapeDtypeStruct((2 * n_nodes, D), jnp.float32),
        mesh=mesh,
        scratch_types=[
            pltpu.VMEM_SHARED((n_nodes, D), jnp.float32),
            pltpu.VMEM((NBUF, CHUNK), jnp.int32),
            pltpu.VMEM((2 * NBUF, CHUNK), jnp.int32),
            pltpu.VMEM((NBUF, CHUNK, D), jnp.float32),
            pltpu.SemaphoreType.DMA((NBUF,)),
            pltpu.SemaphoreType.DMA((NBUF,)),
            pltpu.SemaphoreType.DMA((2 * NBUF,)),
            pltpu.SemaphoreType.DMA((NBUF,)),
        ],
        interpret=interpret,
    )
    def sc_seg(table, src, dst, zeros, out, agg_sh, src_i, dst_i, rows,
               gsems, isems, jsems, ssems):
        c = lax.axis_index("c")
        s = lax.axis_index("s")
        n = q + jnp.where(s < r, 1, 0)
        base = c * chunks_per_core + s * q + jnp.minimum(s, r)

        def idx_copy(j, rr, r6):
            return (
                pltpu.make_async_copy(
                    src.at[pl.ds((base + j) * CHUNK, CHUNK)], src_i.at[rr],
                    isems.at[rr]),
                pltpu.make_async_copy(
                    dst.at[pl.ds((base + j) * CHUNK, CHUNK)], dst_i.at[r6],
                    jsems.at[r6]),
            )

        def gather_copy(rr):
            return pltpu.make_async_copy(table.at[src_i.at[rr]],
                                         rows.at[rr], gsems.at[rr])

        def scatter_start(rr, r6):
            pltpu.async_copy(rows.at[rr], agg_sh.at[dst_i.at[r6]],
                             ssems.at[rr], add=True)

        def scatter_wait(rr):
            pltpu.make_async_copy(rows.at[rr], agg_sh.at[dst_i.at[0]],
                                  ssems.at[rr]).wait()

        for k in range(3):
            @pl.when(k < n)
            def _(k=k):
                for d in idx_copy(k, k % NBUF, k % (2 * NBUF)):
                    d.start()

        @pl.when(s < NS - 1)
        def _():
            pltpu.sync_copy(zeros.at[pl.ds(0, stripe)],
                            agg_sh.at[pl.ds(s * stripe, stripe)])

        @pl.when(s == NS - 1)
        def _():
            pltpu.sync_copy(zeros,
                            agg_sh.at[pl.ds((NS - 1) * stripe, last_stripe)])

        plsc.subcore_barrier()

        for d in idx_copy(0, 0, 0):
            d.wait()
        gather_copy(0).start()

        @pl.when(n > 1)
        def _():
            for d in idx_copy(1, 1, 1):
                d.wait()
            gather_copy(1).start()

        def body(j, carry):
            rr = lax.rem(j, NBUF)
            r6 = lax.rem(j, 2 * NBUF)
            gather_copy(rr).wait()
            scatter_start(rr, r6)

            @pl.when(j + 2 < n)
            def _():
                r2 = lax.rem(j + 2, NBUF)

                @pl.when(j >= 1)
                def _():
                    scatter_wait(r2)

                for d in idx_copy(j + 2, r2, lax.rem(j + 2, 2 * NBUF)):
                    d.wait()
                gather_copy(r2).start()

            @pl.when(j + 3 < n)
            def _():
                for d in idx_copy(j + 3, rr, lax.rem(j + 3, 2 * NBUF)):
                    d.start()

            return carry

        lax.fori_loop(0, n, body, jnp.int32(0))

        @pl.when(n >= 3)
        def _():
            scatter_wait(lax.rem(n - 3, NBUF))

        @pl.when(n >= 2)
        def _():
            scatter_wait(lax.rem(n - 2, NBUF))

        scatter_wait(lax.rem(n - 1, NBUF))
        plsc.subcore_barrier()

        @pl.when(s < NS - 1)
        def _():
            pltpu.sync_copy(agg_sh.at[pl.ds(s * stripe, stripe)],
                            out.at[pl.ds(c * n_nodes + s * stripe, stripe)])

        @pl.when(s == NS - 1)
        def _():
            pltpu.sync_copy(
                agg_sh.at[pl.ds((NS - 1) * stripe, last_stripe)],
                out.at[pl.ds(c * n_nodes + (NS - 1) * stripe, last_stripe)])

    return sc_seg


def _make_tc_linear(n_nodes, bn, last_layer, interpret=False):
    nb = n_nodes // bn

    def body(lo_ref, hi_ref, w_ref, b_ref, o_ref):
        a = lo_ref[...] + hi_ref[...]
        h = jnp.dot(a, w_ref[...], preferred_element_type=jnp.float32) \
            + b_ref[...]
        if last_layer:
            m = jnp.max(h, axis=-1, keepdims=True)
            e = jnp.exp(h - m)
            lse = jnp.log(jnp.sum(e, axis=-1, keepdims=True)) + m
            o_ref[...] = h - lse
        else:
            o_ref[...] = jnp.maximum(h, 0.0)

    return pl.pallas_call(
        body,
        grid=(nb,),
        in_specs=[
            pl.BlockSpec((bn, D), lambda i: (i, 0)),
            pl.BlockSpec((bn, D), lambda i: (i + nb, 0)),
            pl.BlockSpec((D, D), lambda i: (0, 0)),
            pl.BlockSpec((1, D), lambda i: (0, 0)),
        ],
        out_specs=pl.BlockSpec((bn, D), lambda i: (i, 0)),
        out_shape=jax.ShapeDtypeStruct((n_nodes, D), jnp.float32),
        interpret=interpret,
    )


def _gnn_forward(x, edge_index, weights, n_nodes, n_edges, bn=5000,
                 interpret=False):
    (W1, b1, W2, b2, W3, b3) = weights
    src = edge_index[0]
    dst = edge_index[1]
    stripe = (n_nodes // NS) // 8 * 8
    zeros = jnp.zeros((n_nodes - stripe * (NS - 1), D), jnp.float32)

    sc_seg = _make_sc_segment_sum(n_nodes, n_edges, interpret=interpret)
    tc_mid = _make_tc_linear(n_nodes, bn, last_layer=False,
                             interpret=interpret)
    tc_last = _make_tc_linear(n_nodes, bn, last_layer=True,
                              interpret=interpret)

    b1r = b1.reshape(1, D)
    b2r = b2.reshape(1, D)
    b3r = b3.reshape(1, D)

    agg = sc_seg(x, src, dst, zeros)
    h = tc_mid(agg, agg, W1, b1r)
    agg = sc_seg(h, src, dst, zeros)
    h = tc_mid(agg, agg, W2, b2r)
    agg = sc_seg(h, src, dst, zeros)
    return tc_last(agg, agg, W3, b3r)


def kernel(x, edge_index, W1, b1, W2, b2, W3, b3):
    return _gnn_forward(x, edge_index, (W1, b1, W2, b2, W3, b3), N, E)

# --- scband reference (transcript-rebuilt; emitter-appended) ---
"""Pipeline reference for scband-gnn-13761075217008 (READ-ONLY COPY).

The authoritative reference and input builder live on the scoring server;
editing this copy changes nothing except your own understanding.
"""

import jax, jax.numpy as jnp
import numpy as np

N = 10000
E = 320000
D = 128


def _conv(x, src, dst, W, b):
    # GNNConv assumed: sum-aggregate neighbor messages (scatter-add by dst), then linear
    msgs = jnp.take(x, src, axis=0)
    agg = jax.ops.segment_sum(msgs, dst, num_segments=N)
    return agg @ W + b


def setup_inputs(seed: int = 0) -> dict:
    key = jax.random.key(seed)
    ks = jax.random.split(key, 8)
    x = jax.random.normal(ks[0], (N, D), dtype=jnp.float32)
    edge_index = jax.random.randint(ks[1], (2, E), 0, N, dtype=jnp.int32)
    s = 1.0 / np.sqrt(D)
    W1 = jax.random.normal(ks[2], (D, D), dtype=jnp.float32) * s
    b1 = jnp.zeros((D,), dtype=jnp.float32)
    W2 = jax.random.normal(ks[3], (D, D), dtype=jnp.float32) * s
    b2 = jnp.zeros((D,), dtype=jnp.float32)
    W3 = jax.random.normal(ks[4], (D, D), dtype=jnp.float32) * s
    b3 = jnp.zeros((D,), dtype=jnp.float32)
    return {"x": x, "edge_index": edge_index, "W1": W1, "b1": b1, "W2": W2, "b2": b2, "W3": W3, "b3": b3}


def reference(x, edge_index, W1, b1, W2, b2, W3, b3):
    src = edge_index[0]
    dst = edge_index[1]
    # layer 1 (relu; dropout is identity in eval mode)
    h = _conv(x, src, dst, W1, b1)
    h = jax.nn.relu(h)
    # layer 2
    h = _conv(h, src, dst, W2, b2)
    h = jax.nn.relu(h)
    # final layer + log_softmax
    h = _conv(h, src, dst, W3, b3)
    return jax.nn.log_softmax(h, axis=-1)

if __name__ == "__main__":
    import jax
    _d = setup_inputs()
    print(jax.jit(kernel)(*tuple(_d.values())))

</pallas_src>

<mosaic_0001>
#map = affine_map<(d0, d1) -> (0, 0)>
#map1 = affine_map<(d0, d1) -> (0)>
module attributes {stable_mosaic.version = 14 : i64} {
  func.func @sc_seg(%arg0: i32, %arg1: i32, %arg2: memref<10000x128xf32, #tpu.memory_space<hbm>>, %arg3: memref<320000xi32, #tpu.memory_space<hbm>>, %arg4: memref<320000xi32, #tpu.memory_space<hbm>>, %arg5: memref<640x128xf32, #tpu.memory_space<hbm>>, %arg6: memref<20000x128xf32, #tpu.memory_space<hbm>>, %arg7: memref<10000x128xf32, #tpu.memory_space<vmem_shared>>, %arg8: memref<3x128xi32, #tpu.memory_space<vmem>>, %arg9: memref<6x128xi32, #tpu.memory_space<vmem>>, %arg10: memref<3x128x128xf32, #tpu.memory_space<vmem>>, %arg11: memref<3x!tpu.dma_semaphore, #tpu.memory_space<semaphore_mem>>, %arg12: memref<3x!tpu.dma_semaphore, #tpu.memory_space<semaphore_mem>>, %arg13: memref<6x!tpu.dma_semaphore, #tpu.memory_space<semaphore_mem>>, %arg14: memref<3x!tpu.dma_semaphore, #tpu.memory_space<semaphore_mem>>) attributes {dimension_semantics = [#tpu.dimension_semantics<core_parallel>, #tpu.dimension_semantics<subcore_parallel>], iteration_bounds = array<i64: 2, 16>, scalar_prefetch = 0 : i64, scratch_operands = 8 : i64, tpu.core_type = #tpu.core_type<sc_vector_subcore>, window_params = [{transform_indices = #map}, {transform_indices = #map1}, {transform_indices = #map1}, {transform_indices = #map}, {transform_indices = #map}]} {
    %lt3A = arith.constant 2 : i32
    %lt3A_0 = arith.cmpi slt, %arg1, %lt3A : i32
    %jit3A = arith.constant 1 : i32
    %jit3A_1 = arith.constant 0 : i32
    %select_n3A = arith.select %lt3A_0, %jit3A, %jit3A_1 : i32
    %add3A = arith.constant 78 : i32
    %add3A_2 = arith.addi %add3A, %select_n3A : i32
    %mul3A = arith.constant 1250 : i32
    %mul3A_3 = arith.muli %arg0, %mul3A : i32
    %mul3A_4 = arith.constant 78 : i32
    %mul3A_5 = arith.muli %arg1, %mul3A_4 : i32
    %add3A_6 = arith.addi %mul3A_3, %mul3A_5 : i32
    %min3A = arith.constant 2 : i32
    %min3A_7 = arith.minsi %arg1, %min3A : i32
    %add3A_8 = arith.addi %add3A_6, %min3A_7 : i32
    %gt3A = arith.constant 0 : i32
    %gt3A_9 = arith.cmpi sgt, %add3A_2, %gt3A : i32
    %convert_element_type3A = arith.extui %gt3A_9 : i1 to i32
    %cond3A = arith.constant 0 : i32
    %cond3A_10 = arith.cmpi ne, %convert_element_type3A, %cond3A : i32
    scf.if %cond3A_10 {
      %add3A_124 = arith.constant 0 : i32
      %add3A_125 = arith.addi %add3A_8, %add3A_124 : i32
      %mul3A_126 = arith.constant 128 : i32
      %mul3A_127 = arith.muli %add3A_125, %mul3A_126 : i32
      %add3A_128 = arith.constant 0 : i32
      %add3A_129 = arith.addi %add3A_8, %add3A_128 : i32
      %mul3A_130 = arith.constant 128 : i32
      %mul3A_131 = arith.muli %add3A_129, %mul3A_130 : i32
      %dma_start3A_132 = arith.constant 0 : i32
      %dma_start3A_133 = arith.constant 0 : i32
      %dma_start3A_134 = arith.constant 0 : i32
      %dma_start3A_135 = tpu.memref_slice %arg8[%dma_start3A_132, %dma_start3A_134] : memref<3x128xi32, #tpu.memory_space<vmem>> -> memref<1x128xi32, #tpu.memory_space<vmem>>
      %dma_start3A_136 = tpu.memref_squeeze %dma_start3A_135 : memref<1x128xi32, #tpu.memory_space<vmem>> -> memref<128xi32, #tpu.memory_space<vmem>>
      %dma_start3A_137 = tpu.memref_slice %arg3[%mul3A_127] : memref<320000xi32, #tpu.memory_space<hbm>> -> memref<128xi32, #tpu.memory_space<hbm>>
      %dma_start3A_138 = tpu.memref_slice %arg12[%dma_start3A_133] : memref<3x!tpu.dma_semaphore, #tpu.memory_space<semaphore_mem>> -> memref<1x!tpu.dma_semaphore, #tpu.memory_space<semaphore_mem>>
      %dma_start3A_139 = tpu.memref_squeeze %dma_start3A_138 : memref<1x!tpu.dma_semaphore, #tpu.memory_space<semaphore_mem>> -> memref<!tpu.dma_semaphore, #tpu.memory_space<semaphore_mem>>
      %dma_start3A_140 = arith.constant 0 : i32
      %dma_start3A_141 = tpu.memref_slice %arg8[%dma_start3A_132, %dma_start3A_140] : memref<3x128xi32, #tpu.memory_space<vmem>> -> memref<1x128xi32, #tpu.memory_space<vmem>>
      %dma_start3A_142 = tpu.memref_squeeze %dma_start3A_141 : memref<1x128xi32, #tpu.memory_space<vmem>> -> memref<128xi32, #tpu.memory_space<vmem>>
      %dma_start3A_143 = tpu.memref_slice %arg3[%mul3A_127] : memref<320000xi32, #tpu.memory_space<hbm>> -> memref<128xi32, #tpu.memory_space<hbm>>
      tpu.enqueue_dma source(%dma_start3A_143 : memref<128xi32, #tpu.memory_space<hbm>>) target(%dma_start3A_142 : memref<128xi32, #tpu.memory_space<vmem>>) target_semaphore(%dma_start3A_139 : memref<!tpu.dma_semaphore, #tpu.memory_space<semaphore_mem>>)
      %dma_start3A_144 = arith.constant 0 : i32
      %dma_start3A_145 = arith.constant 0 : i32
      %dma_start3A_146 = arith.constant 0 : i32
      %dma_start3A_147 = tpu.memref_slice %arg9[%dma_start3A_144, %dma_start3A_146] : memref<6x128xi32, #tpu.memory_space<vmem>> -> memref<1x128xi32, #tpu.memory_space<vmem>>
      %dma_start3A_148 = tpu.memref_squeeze %dma_start3A_147 : memref<1x128xi32, #tpu.memory_space<vmem>> -> memref<128xi32, #tpu.memory_space<vmem>>
      %dma_start3A_149 = tpu.memref_slice %arg4[%mul3A_131] : memref<320000xi32, #tpu.memory_space<hbm>> -> memref<128xi32, #tpu.memory_space<hbm>>
      %dma_start3A_150 = tpu.memref_slice %arg13[%dma_start3A_145] : memref<6x!tpu.dma_semaphore, #tpu.memory_space<semaphore_mem>> -> memref<1x!tpu.dma_semaphore, #tpu.memory_space<semaphore_mem>>
      %dma_start3A_151 = tpu.memref_squeeze %dma_start3A_150 : memref<1x!tpu.dma_semaphore, #tpu.memory_space<semaphore_mem>> -> memref<!tpu.dma_semaphore, #tpu.memory_space<semaphore_mem>>
      %dma_start3A_152 = arith.constant 0 : i32
      %dma_start3A_153 = tpu.memref_slice %arg9[%dma_start3A_144, %dma_start3A_152] : memref<6x128xi32, #tpu.memory_space<vmem>> -> memref<1x128xi32, #tpu.memory_space<vmem>>
      %dma_start3A_154 = tpu.memref_squeeze %dma_start3A_153 : memref<1x128xi32, #tpu.memory_space<vmem>> -> memref<128xi32, #tpu.memory_space<vmem>>
      %dma_start3A_155 = tpu.memref_slice %arg4[%mul3A_131] : memref<320000xi32, #tpu.memory_space<hbm>> -> memref<128xi32, #tpu.memory_space<hbm>>
      tpu.enqueue_dma source(%dma_start3A_155 : memref<128xi32, #tpu.memory_space<hbm>>) target(%dma_start3A_154 : memref<128xi32, #tpu.memory_space<vmem>>) target_semaphore(%dma_start3A_151 : memref<!tpu.dma_semaphore, #tpu.memory_space<semaphore_mem>>)
    } else {
    }
    %gt3A_11 = arith.constant 1 : i32
    %gt3A_12 = arith.cmpi sgt, %add3A_2, %gt3A_11 : i32
    %convert_element_type3A_13 = arith.extui %gt3A_12 : i1 to i32
    %cond3A_14 = arith.constant 0 : i32
    %cond3A_15 = arith.cmpi ne, %convert_element_type3A_13, %cond3A_14 : i32
    scf.if %cond3A_15 {
      %add3A_124 = arith.constant 1 : i32
      %add3A_125 = arith.addi %add3A_8, %add3A_124 : i32
      %mul3A_126 = arith.constant 128 : i32
      %mul3A_127 = arith.muli %add3A_125, %mul3A_126 : i32
      %add3A_128 = arith.constant 1 : i32
      %add3A_129 = arith.addi %add3A_8, %add3A_128 : i32
      %mul3A_130 = arith.constant 128 : i32
      %mul3A_131 = arith.muli %add3A_129, %mul3A_130 : i32
      %dma_start3A_132 = arith.constant 1 : i32
      %dma_start3A_133 = arith.constant 1 : i32
      %dma_start3A_134 = arith.constant 0 : i32
      %dma_start3A_135 = tpu.memref_slice %arg8[%dma_start3A_132, %dma_start3A_134] : memref<3x128xi32, #tpu.memory_space<vmem>> -> memref<1x128xi32, #tpu.memory_space<vmem>>
      %dma_start3A_136 = tpu.memref_squeeze %dma_start3A_135 : memref<1x128xi32, #tpu.memory_space<vmem>> -> memref<128xi32, #tpu.memory_space<vmem>>
      %dma_start3A_137 = tpu.memref_slice %arg3[%mul3A_127] : memref<320000xi32, #tpu.memory_space<hbm>> -> memref<128xi32, #tpu.memory_space<hbm>>
      %dma_start3A_138 = tpu.memref_slice %arg12[%dma_start3A_133] : memref<3x!tpu.dma_semaphore, #tpu.memory_space<semaphore_mem>> -> memref<1x!tpu.dma_semaphore, #tpu.memory_space<semaphore_mem>>
      %dma_start3A_139 = tpu.memref_squeeze %dma_start3A_138 : memref<1x!tpu.dma_semaphore, #tpu.memory_space<semaphore_mem>> -> memref<!tpu.dma_semaphore, #tpu.memory_space<semaphore_mem>>
      %dma_start3A_140 = arith.constant 0 : i32
      %dma_start3A_141 = tpu.memref_slice %arg8[%dma_start3A_132, %dma_start3A_140] : memref<3x128xi32, #tpu.memory_space<vmem>> -> memref<1x128xi32, #tpu.memory_space<vmem>>
      %dma_start3A_142 = tpu.memref_squeeze %dma_start3A_141 : memref<1x128xi32, #tpu.memory_space<vmem>> -> memref<128xi32, #tpu.memory_space<vmem>>
      %dma_start3A_143 = tpu.memref_slice %arg3[%mul3A_127] : memref<320000xi32, #tpu.memory_space<hbm>> -> memref<128xi32, #tpu.memory_space<hbm>>
      tpu.enqueue_dma source(%dma_start3A_143 : memref<128xi32, #tpu.memory_space<hbm>>) target(%dma_start3A_142 : memref<128xi32, #tpu.memory_space<vmem>>) target_semaphore(%dma_start3A_139 : memref<!tpu.dma_semaphore, #tpu.memory_space<semaphore_mem>>)
      %dma_start3A_144 = arith.constant 1 : i32
      %dma_start3A_145 = arith.constant 1 : i32
      %dma_start3A_146 = arith.constant 0 : i32
      %dma_start3A_147 = tpu.memref_slice %arg9[%dma_start3A_144, %dma_start3A_146] : memref<6x128xi32, #tpu.memory_space<vmem>> -> memref<1x128xi32, #tpu.memory_space<vmem>>
      %dma_start3A_148 = tpu.memref_squeeze %dma_start3A_147 : memref<1x128xi32, #tpu.memory_space<vmem>> -> memref<128xi32, #tpu.memory_space<vmem>>
      %dma_start3A_149 = tpu.memref_slice %arg4[%mul3A_131] : memref<320000xi32, #tpu.memory_space<hbm>> -> memref<128xi32, #tpu.memory_space<hbm>>
      %dma_start3A_150 = tpu.memref_slice %arg13[%dma_start3A_145] : memref<6x!tpu.dma_semaphore, #tpu.memory_space<semaphore_mem>> -> memref<1x!tpu.dma_semaphore, #tpu.memory_space<semaphore_mem>>
      %dma_start3A_151 = tpu.memref_squeeze %dma_start3A_150 : memref<1x!tpu.dma_semaphore, #tpu.memory_space<semaphore_mem>> -> memref<!tpu.dma_semaphore, #tpu.memory_space<semaphore_mem>>
      %dma_start3A_152 = arith.constant 0 : i32
      %dma_start3A_153 = tpu.memref_slice %arg9[%dma_start3A_144, %dma_start3A_152] : memref<6x128xi32, #tpu.memory_space<vmem>> -> memref<1x128xi32, #tpu.memory_space<vmem>>
      %dma_start3A_154 = tpu.memref_squeeze %dma_start3A_153 : memref<1x128xi32, #tpu.memory_space<vmem>> -> memref<128xi32, #tpu.memory_space<vmem>>
      %dma_start3A_155 = tpu.memref_slice %arg4[%mul3A_131] : memref<320000xi32, #tpu.memory_space<hbm>> -> memref<128xi32, #tpu.memory_space<hbm>>
      tpu.enqueue_dma source(%dma_start3A_155 : memref<128xi32, #tpu.memory_space<hbm>>) target(%dma_start3A_154 : memref<128xi32, #tpu.memory_space<vmem>>) target_semaphore(%dma_start3A_151 : memref<!tpu.dma_semaphore, #tpu.memory_space<semaphore_mem>>)
    } else {
    }
    %gt3A_16 = arith.constant 2 : i32
    %gt3A_17 = arith.cmpi sgt, %add3A_2, %gt3A_16 : i32
    %convert_element_type3A_18 = arith.extui %gt3A_17 : i1 to i32
    %cond3A_19 = arith.constant 0 : i32
    %cond3A_20 = arith.cmpi ne, %convert_element_type3A_18, %cond3A_19 : i32
    scf.if %cond3A_20 {
      %add3A_124 = arith.constant 2 : i32
      %add3A_125 = arith.addi %add3A_8, %add3A_124 : i32
      %mul3A_126 = arith.constant 128 : i32
      %mul3A_127 = arith.muli %add3A_125, %mul3A_126 : i32
      %add3A_128 = arith.constant 2 : i32
      %add3A_129 = arith.addi %add3A_8, %add3A_128 : i32
      %mul3A_130 = arith.constant 128 : i32
      %mul3A_131 = arith.muli %add3A_129, %mul3A_130 : i32
      %dma_start3A_132 = arith.constant 2 : i32
      %dma_start3A_133 = arith.constant 2 : i32
      %dma_start3A_134 = arith.constant 0 : i32
      %dma_start3A_135 = tpu.memref_slice %arg8[%dma_start3A_132, %dma_start3A_134] : memref<3x128xi32, #tpu.memory_space<vmem>> -> memref<1x128xi32, #tpu.memory_space<vmem>>
      %dma_start3A_136 = tpu.memref_squeeze %dma_start3A_135 : memref<1x128xi32, #tpu.memory_space<vmem>> -> memref<128xi32, #tpu.memory_space<vmem>>
      %dma_start3A_137 = tpu.memref_slice %arg3[%mul3A_127] : memref<320000xi32, #tpu.memory_space<hbm>> -> memref<128xi32, #tpu.memory_space<hbm>>
      %dma_start3A_138 = tpu.memref_slice %arg12[%dma_start3A_133] : memref<3x!tpu.dma_semaphore, #tpu.memory_space<semaphore_mem>> -> memref<1x!tpu.dma_semaphore, #tpu.memory_space<semaphore_mem>>
      %dma_start3A_139 = tpu.memref_squeeze %dma_start3A_138 : memref<1x!tpu.dma_semaphore, #tpu.memory_space<semaphore_mem>> -> memref<!tpu.dma_semaphore, #tpu.memory_space<semaphore_mem>>
      %dma_start3A_140 = arith.constant 0 : i32
      %dma_start3A_141 = tpu.memref_slice %arg8[%dma_start3A_132, %dma_start3A_140] : memref<3x128xi32, #tpu.memory_space<vmem>> -> memref<1x128xi32, #tpu.memory_space<vmem>>
      %dma_start3A_142 = tpu.memref_squeeze %dma_start3A_141 : memref<1x128xi32, #tpu.memory_space<vmem>> -> memref<128xi32, #tpu.memory_space<vmem>>
      %dma_start3A_143 = tpu.memref_slice %arg3[%mul3A_127] : memref<320000xi32, #tpu.memory_space<hbm>> -> memref<128xi32, #tpu.memory_space<hbm>>
      tpu.enqueue_dma source(%dma_start3A_143 : memref<128xi32, #tpu.memory_space<hbm>>) target(%dma_start3A_142 : memref<128xi32, #tpu.memory_space<vmem>>) target_semaphore(%dma_start3A_139 : memref<!tpu.dma_semaphore, #tpu.memory_space<semaphore_mem>>)
      %dma_start3A_144 = arith.constant 2 : i32
      %dma_start3A_145 = arith.constant 2 : i32
      %dma_start3A_146 = arith.constant 0 : i32
      %dma_start3A_147 = tpu.memref_slice %arg9[%dma_start3A_144, %dma_start3A_146] : memref<6x128xi32, #tpu.memory_space<vmem>> -> memref<1x128xi32, #tpu.memory_space<vmem>>
      %dma_start3A_148 = tpu.memref_squeeze %dma_start3A_147 : memref<1x128xi32, #tpu.memory_space<vmem>> -> memref<128xi32, #tpu.memory_space<vmem>>
      %dma_start3A_149 = tpu.memref_slice %arg4[%mul3A_131] : memref<320000xi32, #tpu.memory_space<hbm>> -> memref<128xi32, #tpu.memory_space<hbm>>
      %dma_start3A_150 = tpu.memref_slice %arg13[%dma_start3A_145] : memref<6x!tpu.dma_semaphore, #tpu.memory_space<semaphore_mem>> -> memref<1x!tpu.dma_semaphore, #tpu.memory_space<semaphore_mem>>
      %dma_start3A_151 = tpu.memref_squeeze %dma_start3A_150 : memref<1x!tpu.dma_semaphore, #tpu.memory_space<semaphore_mem>> -> memref<!tpu.dma_semaphore, #tpu.memory_space<semaphore_mem>>
      %dma_start3A_152 = arith.constant 0 : i32
      %dma_start3A_153 = tpu.memref_slice %arg9[%dma_start3A_144, %dma_start3A_152] : memref<6x128xi32, #tpu.memory_space<vmem>> -> memref<1x128xi32, #tpu.memory_space<vmem>>
      %dma_start3A_154 = tpu.memref_squeeze %dma_start3A_153 : memref<1x128xi32, #tpu.memory_space<vmem>> -> memref<128xi32, #tpu.memory_space<vmem>>
      %dma_start3A_155 = tpu.memref_slice %arg4[%mul3A_131] : memref<320000xi32, #tpu.memory_space<hbm>> -> memref<128xi32, #tpu.memory_space<hbm>>
      tpu.enqueue_dma source(%dma_start3A_155 : memref<128xi32, #tpu.memory_space<hbm>>) target(%dma_start3A_154 : memref<128xi32, #tpu.memory_space<vmem>>) target_semaphore(%dma_start3A_151 : memref<!tpu.dma_semaphore, #tpu.memory_space<semaphore_mem>>)
    } else {
    }
    %lt3A_21 = arith.constant 15 : i32
    %lt3A_22 = arith.cmpi slt, %arg1, %lt3A_21 : i32
    %convert_element_type3A_23 = arith.extui %lt3A_22 : i1 to i32
    %cond3A_24 = arith.constant 0 : i32
    %cond3A_25 = arith.cmpi ne, %convert_element_type3A_23, %cond3A_24 : i32
    scf.if %cond3A_25 {
      %mul3A_124 = arith.constant 624 : i32
      %mul3A_125 = arith.muli %arg1, %mul3A_124 : i32
      "tpu.region"() ({
        %run_scoped3A = tpu.sem_alloc : memref<!tpu.dma_semaphore, #tpu.memory_space<semaphore_mem>>
        %dma_start3A_126 = arith.constant 0 : i32
        %dma_start3A_127 = tpu.memref_slice %arg7[%mul3A_125, %dma_start3A_126] : memref<10000x128xf32, #tpu.memory_space<vmem_shared>> -> memref<624x128xf32, #tpu.memory_space<vmem_shared>>
        %dma_start3A_128 = arith.constant 0 : i32
        %dma_start3A_129 = arith.constant 0 : i32
        %dma_start3A_130 = tpu.memref_slice %arg5[%dma_start3A_128, %dma_start3A_129] : memref<640x128xf32, #tpu.memory_space<hbm>> -> memref<624x128xf32, #tpu.memory_space<hbm>>
        tpu.enqueue_dma source(%dma_start3A_130 : memref<624x128xf32, #tpu.memory_space<hbm>>) target(%dma_start3A_127 : memref<624x128xf32, #tpu.memory_space<vmem_shared>>) target_semaphore(%run_scoped3A : memref<!tpu.dma_semaphore, #tpu.memory_space<semaphore_mem>>)
        %dma_wait3A_131 = arith.constant 0 : i32
        %dma_wait3A_132 = tpu.memref_slice %arg7[%mul3A_125, %dma_wait3A_131] : memref<10000x128xf32, #tpu.memory_space<vmem_shared>> -> memref<624x128xf32, #tpu.memory_space<vmem_shared>>
        %dma_wait3A_133 = arith.constant 0 : i32
        %dma_wait3A_134 = arith.constant 0 : i32
        %dma_wait3A_135 = tpu.memref_slice %arg5[%dma_wait3A_133, %dma_wait3A_134] : memref<640x128xf32, #tpu.memory_space<hbm>> -> memref<624x128xf32, #tpu.memory_space<hbm>>
        tpu.wait_dma2 semaphore(%run_scoped3A : memref<!tpu.dma_semaphore, #tpu.memory_space<semaphore_mem>>) src(%dma_wait3A_135 : memref<624x128xf32, #tpu.memory_space<hbm>>) dst(%dma_wait3A_132 : memref<624x128xf32, #tpu.memory_space<vmem_shared>>)
        tpu.yield
      }) : () -> ()
    } else {
    }
    %eq3A = arith.constant 15 : i32
    %eq3A_26 = arith.cmpi eq, %arg1, %eq3A : i32
    %convert_element_type3A_27 = arith.extui %eq3A_26 : i1 to i32
    %cond3A_28 = arith.constant 0 : i32
    %cond3A_29 = arith.cmpi ne, %convert_element_type3A_27, %cond3A_28 : i32
    scf.if %cond3A_29 {
      "tpu.region"() ({
        %run_scoped3A = tpu.sem_alloc : memref<!tpu.dma_semaphore, #tpu.memory_space<semaphore_mem>>
        %dma_start3A_124 = arith.constant 9360 : i32
        %dma_start3A_125 = arith.constant 0 : i32
        %dma_start3A_126 = tpu.memref_slice %arg7[%dma_start3A_124, %dma_start3A_125] : memref<10000x128xf32, #tpu.memory_space<vmem_shared>> -> memref<640x128xf32, #tpu.memory_space<vmem_shared>>
        tpu.enqueue_dma source(%arg5 : memref<640x128xf32, #tpu.memory_space<hbm>>) target(%dma_start3A_126 : memref<640x128xf32, #tpu.memory_space<vmem_shared>>) target_semaphore(%run_scoped3A : memref<!tpu.dma_semaphore, #tpu.memory_space<semaphore_mem>>)
        %dma_wait3A_127 = arith.constant 9360 : i32
        %dma_wait3A_128 = arith.constant 0 : i32
        %dma_wait3A_129 = tpu.memref_slice %arg7[%dma_wait3A_127, %dma_wait3A_128] : memref<10000x128xf32, #tpu.memory_space<vmem_shared>> -> memref<640x128xf32, #tpu.memory_space<vmem_shared>>
        tpu.wait_dma2 semaphore(%run_scoped3A : memref<!tpu.dma_semaphore, #tpu.memory_space<semaphore_mem>>) src(%arg5 : memref<640x128xf32, #tpu.memory_space<hbm>>) dst(%dma_wait3A_129 : memref<640x128xf32, #tpu.memory_space<vmem_shared>>)
        tpu.yield
      }) : () -> ()
    } else {
    }
    %barrier3A = arith.constant 0 : index
    tpu.barrier barrier_id(%barrier3A)
    %add3A_30 = arith.constant 0 : i32
    %add3A_31 = arith.addi %add3A_8, %add3A_30 : i32
    %mul3A_32 = arith.constant 128 : i32
    %mul3A_33 = arith.muli %add3A_31, %mul3A_32 : i32
    %add3A_34 = arith.constant 0 : i32
    %add3A_35 = arith.addi %add3A_8, %add3A_34 : i32
    %mul3A_36 = arith.constant 128 : i32
    %mul3A_37 = arith.muli %add3A_35, %mul3A_36 : i32
    %dma_wait3A = arith.constant 0 : i32
    %dma_wait3A_38 = arith.constant 0 : i32
    %dma_wait3A_39 = arith.constant 0 : i32
    %dma_wait3A_40 = tpu.memref_slice %arg8[%dma_wait3A, %dma_wait3A_39] : memref<3x128xi32, #tpu.memory_space<vmem>> -> memref<1x128xi32, #tpu.memory_space<vmem>>
    %dma_wait3A_41 = tpu.memref_squeeze %dma_wait3A_40 : memref<1x128xi32, #tpu.memory_space<vmem>> -> memref<128xi32, #tpu.memory_space<vmem>>
    %dma_wait3A_42 = tpu.memref_slice %arg3[%mul3A_33] : memref<320000xi32, #tpu.memory_space<hbm>> -> memref<128xi32, #tpu.memory_space<hbm>>
    %dma_wait3A_43 = tpu.memref_slice %arg12[%dma_wait3A_38] : memref<3x!tpu.dma_semaphore, #tpu.memory_space<semaphore_mem>> -> memref<1x!tpu.dma_semaphore, #tpu.memory_space<semaphore_mem>>
    %dma_wait3A_44 = tpu.memref_squeeze %dma_wait3A_43 : memref<1x!tpu.dma_semaphore, #tpu.memory_space<semaphore_mem>> -> memref<!tpu.dma_semaphore, #tpu.memory_space<semaphore_mem>>
    %dma_wait3A_45 = arith.constant 0 : i32
    %dma_wait3A_46 = tpu.memref_slice %arg8[%dma_wait3A, %dma_wait3A_45] : memref<3x128xi32, #tpu.memory_space<vmem>> -> memref<1x128xi32, #tpu.memory_space<vmem>>
    %dma_wait3A_47 = tpu.memref_squeeze %dma_wait3A_46 : memref<1x128xi32, #tpu.memory_space<vmem>> -> memref<128xi32, #tpu.memory_space<vmem>>
    %dma_wait3A_48 = tpu.memref_slice %arg3[%mul3A_33] : memref<320000xi32, #tpu.memory_space<hbm>> -> memref<128xi32, #tpu.memory_space<hbm>>
    tpu.wait_dma2 semaphore(%dma_wait3A_44 : memref<!tpu.dma_semaphore, #tpu.memory_space<semaphore_mem>>) src(%dma_wait3A_48 : memref<128xi32, #tpu.memory_space<hbm>>) dst(%dma_wait3A_47 : memref<128xi32, #tpu.memory_space<vmem>>)
    %dma_wait3A_49 = arith.constant 0 : i32
    %dma_wait3A_50 = arith.constant 0 : i32
    %dma_wait3A_51 = arith.constant 0 : i32
    %dma_wait3A_52 = tpu.memref_slice %arg9[%dma_wait3A_49, %dma_wait3A_51] : memref<6x128xi32, #tpu.memory_space<vmem>> -> memref<1x128xi32, #tpu.memory_space<vmem>>
    %dma_wait3A_53 = tpu.memref_squeeze %dma_wait3A_52 : memref<1x128xi32, #tpu.memory_space<vmem>> -> memref<128xi32, #tpu.memory_space<vmem>>
    %dma_wait3A_54 = tpu.memref_slice %arg4[%mul3A_37] : memref<320000xi32, #tpu.memory_space<hbm>> -> memref<128xi32, #tpu.memory_space<hbm>>
    %dma_wait3A_55 = tpu.memref_slice %arg13[%dma_wait3A_50] : memref<6x!tpu.dma_semaphore, #tpu.memory_space<semaphore_mem>> -> memref<1x!tpu.dma_semaphore, #tpu.memory_space<semaphore_mem>>
    %dma_wait3A_56 = tpu.memref_squeeze %dma_wait3A_55 : memref<1x!tpu.dma_semaphore, #tpu.memory_space<semaphore_mem>> -> memref<!tpu.dma_semaphore, #tpu.memory_space<semaphore_mem>>
    %dma_wait3A_57 = arith.constant 0 : i32
    %dma_wait3A_58 = tpu.memref_slice %arg9[%dma_wait3A_49, %dma_wait3A_57] : memref<6x128xi32, #tpu.memory_space<vmem>> -> memref<1x128xi32, #tpu.memory_space<vmem>>
    %dma_wait3A_59 = tpu.memref_squeeze %dma_wait3A_58 : memref<1x128xi32, #tpu.memory_space<vmem>> -> memref<128xi32, #tpu.memory_space<vmem>>
    %dma_wait3A_60 = tpu.memref_slice %arg4[%mul3A_37] : memref<320000xi32, #tpu.memory_space<hbm>> -> memref<128xi32, #tpu.memory_space<hbm>>
    tpu.wait_dma2 semaphore(%dma_wait3A_56 : memref<!tpu.dma_semaphore, #tpu.memory_space<semaphore_mem>>) src(%dma_wait3A_60 : memref<128xi32, #tpu.memory_space<hbm>>) dst(%dma_wait3A_59 : memref<128xi32, #tpu.memory_space<vmem>>)
    %dma_start3A = arith.constant 0 : i32
    %dma_start3A_61 = arith.constant 0 : i32
    %dma_start3A_62 = arith.constant 0 : i32
    %dma_start3A_63 = arith.constant 0 : i32
    %dma_start3A_64 = arith.constant 0 : i32
    %dma_start3A_65 = tpu.memref_slice %arg10[%dma_start3A_61, %dma_start3A_63, %dma_start3A_64] : memref<3x128x128xf32, #tpu.memory_space<vmem>> -> memref<1x128x128xf32, #tpu.memory_space<vmem>>
    %dma_start3A_66 = tpu.memref_squeeze %dma_start3A_65 : memref<1x128x128xf32, #tpu.memory_space<vmem>> -> memref<128x128xf32, #tpu.memory_space<vmem>>
    %dma_start3A_67 = arith.constant 0 : i32
    %dma_start3A_68 = tpu.memref_slice %arg8[%dma_start3A, %dma_start3A_67] : memref<3x128xi32, #tpu.memory_space<vmem>> -> memref<1x128xi32, #tpu.memory_space<vmem>>
    %dma_start3A_69 = tpu.memref_squeeze %dma_start3A_68 : memref<1x128xi32, #tpu.memory_space<vmem>> -> memref<128xi32, #tpu.memory_space<vmem>>
    %dma_start3A_70 = arith.constant 0 : i32
    %dma_start3A_71 = arith.constant 0 : i32
    %dma_start3A_72 = tpu.memref_slice %arg2[%dma_start3A_70, %dma_start3A_71] : memref<10000x128xf32, #tpu.memory_space<hbm>> -> memref<10000x128xf32, #tpu.memory_space<hbm>>
    %dma_start3A_73 = tpu.memref_slice %arg11[%dma_start3A_62] : memref<3x!tpu.dma_semaphore, #tpu.memory_space<semaphore_mem>> -> memref<1x!tpu.dma_semaphore, #tpu.memory_space<semaphore_mem>>
    %dma_start3A_74 = tpu.memref_squeeze %dma_start3A_73 : memref<1x!tpu.dma_semaphore, #tpu.memory_space<semaphore_mem>> -> memref<!tpu.dma_semaphore, #tpu.memory_space<semaphore_mem>>
    tpu.enqueue_indirect_dma source(%dma_start3A_72 : memref<10000x128xf32, #tpu.memory_space<hbm>>) target(%dma_start3A_66 : memref<128x128xf32, #tpu.memory_space<vmem>>) offsets(%dma_start3A_69 : memref<128xi32, #tpu.memory_space<vmem>>) semaphore(%dma_start3A_74 : memref<!tpu.dma_semaphore, #tpu.memory_space<semaphore_mem>>)
    %gt3A_75 = arith.constant 1 : i32
    %gt3A_76 = arith.cmpi sgt, %add3A_2, %gt3A_75 : i32
    %convert_element_type3A_77 = arith.extui %gt3A_76 : i1 to i32
    %cond3A_78 = arith.constant 0 : i32
    %cond3A_79 = arith.cmpi ne, %convert_element_type3A_77, %cond3A_78 : i32
    scf.if %cond3A_79 {
      %add3A_124 = arith.constant 1 : i32
      %add3A_125 = arith.addi %add3A_8, %add3A_124 : i32
      %mul3A_126 = arith.constant 128 : i32
      %mul3A_127 = arith.muli %add3A_125, %mul3A_126 : i32
      %add3A_128 = arith.constant 1 : i32
      %add3A_129 = arith.addi %add3A_8, %add3A_128 : i32
      %mul3A_130 = arith.constant 128 : i32
      %mul3A_131 = arith.muli %add3A_129, %mul3A_130 : i32
      %dma_wait3A_132 = arith.constant 1 : i32
      %dma_wait3A_133 = arith.constant 1 : i32
      %dma_wait3A_134 = arith.constant 0 : i32
      %dma_wait3A_135 = tpu.memref_slice %arg8[%dma_wait3A_132, %dma_wait3A_134] : memref<3x128xi32, #tpu.memory_space<vmem>> -> memref<1x128xi32, #tpu.memory_space<vmem>>
      %dma_wait3A_136 = tpu.memref_squeeze %dma_wait3A_135 : memref<1x128xi32, #tpu.memory_space<vmem>> -> memref<128xi32, #tpu.memory_space<vmem>>
      %dma_wait3A_137 = tpu.memref_slice %arg3[%mul3A_127] : memref<320000xi32, #tpu.memory_space<hbm>> -> memref<128xi32, #tpu.memory_space<hbm>>
      %dma_wait3A_138 = tpu.memref_slice %arg12[%dma_wait3A_133] : memref<3x!tpu.dma_semaphore, #tpu.memory_space<semaphore_mem>> -> memref<1x!tpu.dma_semaphore, #tpu.memory_space<semaphore_mem>>
      %dma_wait3A_139 = tpu.memref_squeeze %dma_wait3A_138 : memref<1x!tpu.dma_semaphore, #tpu.memory_space<semaphore_mem>> -> memref<!tpu.dma_semaphore, #tpu.memory_space<semaphore_mem>>
      %dma_wait3A_140 = arith.constant 0 : i32
      %dma_wait3A_141 = tpu.memref_slice %arg8[%dma_wait3A_132, %dma_wait3A_140] : memref<3x128xi32, #tpu.memory_space<vmem>> -> memref<1x128xi32, #tpu.memory_space<vmem>>
      %dma_wait3A_142 = tpu.memref_squeeze %dma_wait3A_141 : memref<1x128xi32, #tpu.memory_space<vmem>> -> memref<128xi32, #tpu.memory_space<vmem>>
      %dma_wait3A_143 = tpu.memref_slice %arg3[%mul3A_127] : memref<320000xi32, #tpu.memory_space<hbm>> -> memref<128xi32, #tpu.memory_space<hbm>>
      tpu.wait_dma2 semaphore(%dma_wait3A_139 : memref<!tpu.dma_semaphore, #tpu.memory_space<semaphore_mem>>) src(%dma_wait3A_143 : memref<128xi32, #tpu.memory_space<hbm>>) dst(%dma_wait3A_142 : memref<128xi32, #tpu.memory_space<vmem>>)
      %dma_wait3A_144 = arith.constant 1 : i32
      %dma_wait3A_145 = arith.constant 1 : i32
      %dma_wait3A_146 = arith.constant 0 : i32
      %dma_wait3A_147 = tpu.memref_slice %arg9[%dma_wait3A_144, %dma_wait3A_146] : memref<6x128xi32, #tpu.memory_space<vmem>> -> memref<1x128xi32, #tpu.memory_space<vmem>>
      %dma_wait3A_148 = tpu.memref_squeeze %dma_wait3A_147 : memref<1x128xi32, #tpu.memory_space<vmem>> -> memref<128xi32, #tpu.memory_space<vmem>>
      %dma_wait3A_149 = tpu.memref_slice %arg4[%mul3A_131] : memref<320000xi32, #tpu.memory_space<hbm>> -> memref<128xi32, #tpu.memory_space<hbm>>
      %dma_wait3A_150 = tpu.memref_slice %arg13[%dma_wait3A_145] : memref<6x!tpu.dma_semaphore, #tpu.memory_space<semaphore_mem>> -> memref<1x!tpu.dma_semaphore, #tpu.memory_space<semaphore_mem>>
      %dma_wait3A_151 = tpu.memref_squeeze %dma_wait3A_150 : memref<1x!tpu.dma_semaphore, #tpu.memory_space<semaphore_mem>> -> memref<!tpu.dma_semaphore, #tpu.memory_space<semaphore_mem>>
      %dma_wait3A_152 = arith.constant 0 : i32
      %dma_wait3A_153 = tpu.memref_slice %arg9[%dma_wait3A_144, %dma_wait3A_152] : memref<6x128xi32, #tpu.memory_space<vmem>> -> memref<1x128xi32, #tpu.memory_space<vmem>>
      %dma_wait3A_154 = tpu.memref_squeeze %dma_wait3A_153 : memref<1x128xi32, #tpu.memory_space<vmem>> -> memref<128xi32, #tpu.memory_space<vmem>>
      %dma_wait3A_155 = tpu.memref_slice %arg4[%mul3A_131] : memref<320000xi32, #tpu.memory_space<hbm>> -> memref<128xi32, #tpu.memory_space<hbm>>
      tpu.wait_dma2 semaphore(%dma_wait3A_151 : memref<!tpu.dma_semaphore, #tpu.memory_space<semaphore_mem>>) src(%dma_wait3A_155 : memref<128xi32, #tpu.memory_space<hbm>>) dst(%dma_wait3A_154 : memref<128xi32, #tpu.memory_space<vmem>>)
      %dma_start3A_156 = arith.constant 1 : i32
      %dma_start3A_157 = arith.constant 1 : i32
      %dma_start3A_158 = arith.constant 1 : i32
      %dma_start3A_159 = arith.constant 0 : i32
      %dma_start3A_160 = arith.constant 0 : i32
      %dma_start3A_161 = tpu.memref_slice %arg10[%dma_start3A_157, %dma_start3A_159, %dma_start3A_160] : memref<3x128x128xf32, #tpu.memory_space<vmem>> -> memref<1x128x128xf32, #tpu.memory_space<vmem>>
      %dma_start3A_162 = tpu.memref_squeeze %dma_start3A_161 : memref<1x128x128xf32, #tpu.memory_space<vmem>> -> memref<128x128xf32, #tpu.memory_space<vmem>>
      %dma_start3A_163 = arith.constant 0 : i32
      %dma_start3A_164 = tpu.memref_slice %arg8[%dma_start3A_156, %dma_start3A_163] : memref<3x128xi32, #tpu.memory_space<vmem>> -> memref<1x128xi32, #tpu.memory_space<vmem>>
      %dma_start3A_165 = tpu.memref_squeeze %dma_start3A_164 : memref<1x128xi32, #tpu.memory_space<vmem>> -> memref<128xi32, #tpu.memory_space<vmem>>
      %dma_start3A_166 = arith.constant 0 : i32
      %dma_start3A_167 = arith.constant 0 : i32
      %dma_start3A_168 = tpu.memref_slice %arg2[%dma_start3A_166, %dma_start3A_167] : memref<10000x128xf32, #tpu.memory_space<hbm>> -> memref<10000x128xf32, #tpu.memory_space<hbm>>
      %dma_start3A_169 = tpu.memref_slice %arg11[%dma_start3A_158] : memref<3x!tpu.dma_semaphore, #tpu.memory_space<semaphore_mem>> -> memref<1x!tpu.dma_semaphore, #tpu.memory_space<semaphore_mem>>
      %dma_start3A_170 = tpu.memref_squeeze %dma_start3A_169 : memref<1x!tpu.dma_semaphore, #tpu.memory_space<semaphore_mem>> -> memref<!tpu.dma_semaphore, #tpu.memory_space<semaphore_mem>>
      tpu.enqueue_indirect_dma source(%dma_start3A_168 : memref<10000x128xf32, #tpu.memory_space<hbm>>) target(%dma_start3A_162 : memref<128x128xf32, #tpu.memory_space<vmem>>) offsets(%dma_start3A_165 : memref<128xi32, #tpu.memory_space<vmem>>) semaphore(%dma_start3A_170 : memref<!tpu.dma_semaphore, #tpu.memory_space<semaphore_mem>>)
    } else {
    }
    %while3A = arith.constant 0 : i32
    %while3A_80 = arith.constant 0 : i32
    %while3A_81 = arith.subi %add3A_2, %while3A_80 : i32
    %while3A_82 = arith.addi %while3A_80, %while3A_81 : i32
    %while3A_83 = arith.constant 1 : i32
    %while3A_84 = arith.divsi %while3A_81, %while3A_83 : i32
    %while3A_85 = arith.muli %while3A_84, %while3A_83 : i32
    %while3A_86 = arith.addi %while3A_80, %while3A_85 : i32
    %while3A_87 = arith.constant 1 : i32
    scf.for %while3A_124 = %while3A_80 to %while3A_86 step %while3A_87  : i32 {
      %rem3A_125 = arith.constant 3 : i32
      %rem3A_126 = arith.remsi %while3A_124, %rem3A_125 : i32
      %rem3A_127 = arith.constant 6 : i32
      %rem3A_128 = arith.remsi %while3A_124, %rem3A_127 : i32
      %dma_wait3A_129 = arith.constant 0 : i32
      %dma_wait3A_130 = arith.constant 0 : i32
      %dma_wait3A_131 = tpu.memref_slice %arg10[%rem3A_126, %dma_wait3A_129, %dma_wait3A_130] : memref<3x128x128xf32, #tpu.memory_space<vmem>> -> memref<1x128x128xf32, #tpu.memory_space<vmem>>
      %dma_wait3A_132 = tpu.memref_squeeze %dma_wait3A_131 : memref<1x128x128xf32, #tpu.memory_space<vmem>> -> memref<128x128xf32, #tpu.memory_space<vmem>>
      %dma_wait3A_133 = arith.constant 0 : i32
      %dma_wait3A_134 = tpu.memref_slice %arg8[%rem3A_126, %dma_wait3A_133] : memref<3x128xi32, #tpu.memory_space<vmem>> -> memref<1x128xi32, #tpu.memory_space<vmem>>
      %dma_wait3A_135 = tpu.memref_squeeze %dma_wait3A_134 : memref<1x128xi32, #tpu.memory_space<vmem>> -> memref<128xi32, #tpu.memory_space<vmem>>
      %dma_wait3A_136 = arith.constant 0 : i32
      %dma_wait3A_137 = arith.constant 0 : i32
      %dma_wait3A_138 = tpu.memref_slice %arg2[%dma_wait3A_136, %dma_wait3A_137] : memref<10000x128xf32, #tpu.memory_space<hbm>> -> memref<10000x128xf32, #tpu.memory_space<hbm>>
      %dma_wait3A_139 = tpu.memref_slice %arg11[%rem3A_126] : memref<3x!tpu.dma_semaphore, #tpu.memory_space<semaphore_mem>> -> memref<1x!tpu.dma_semaphore, #tpu.memory_space<semaphore_mem>>
      %dma_wait3A_140 = tpu.memref_squeeze %dma_wait3A_139 : memref<1x!tpu.dma_semaphore, #tpu.memory_space<semaphore_mem>> -> memref<!tpu.dma_semaphore, #tpu.memory_space<semaphore_mem>>
      tpu.wait_indirect_dma semaphore(%dma_wait3A_140 : memref<!tpu.dma_semaphore, #tpu.memory_space<semaphore_mem>>) src(%dma_wait3A_138 : memref<10000x128xf32, #tpu.memory_space<hbm>>) dst(%dma_wait3A_132 : memref<128x128xf32, #tpu.memory_space<vmem>>)
      %dma_start3A_141 = arith.constant 0 : i32
      %dma_start3A_142 = arith.constant 0 : i32
      %dma_start3A_143 = tpu.memref_slice %arg10[%rem3A_126, %dma_start3A_141, %dma_start3A_142] : memref<3x128x128xf32, #tpu.memory_space<vmem>> -> memref<1x128x128xf32, #tpu.memory_space<vmem>>
      %dma_start3A_144 = tpu.memref_squeeze %dma_start3A_143 : memref<1x128x128xf32, #tpu.memory_space<vmem>> -> memref<128x128xf32, #tpu.memory_space<vmem>>
      %dma_start3A_145 = arith.constant 0 : i32
      %dma_start3A_146 = tpu.memref_slice %arg9[%rem3A_128, %dma_start3A_145] : memref<6x128xi32, #tpu.memory_space<vmem>> -> memref<1x128xi32, #tpu.memory_space<vmem>>
      %dma_start3A_147 = tpu.memref_squeeze %dma_start3A_146 : memref<1x128xi32, #tpu.memory_space<vmem>> -> memref<128xi32, #tpu.memory_space<vmem>>
      %dma_start3A_148 = arith.constant 0 : i32
      %dma_start3A_149 = arith.constant 0 : i32
      %dma_start3A_150 = tpu.memref_slice %arg7[%dma_start3A_148, %dma_start3A_149] : memref<10000x128xf32, #tpu.memory_space<vmem_shared>> -> memref<10000x128xf32, #tpu.memory_space<vmem_shared>>
      %dma_start3A_151 = tpu.memref_slice %arg14[%rem3A_126] : memref<3x!tpu.dma_semaphore, #tpu.memory_space<semaphore_mem>> -> memref<1x!tpu.dma_semaphore, #tpu.memory_space<semaphore_mem>>
      %dma_start3A_152 = tpu.memref_squeeze %dma_start3A_151 : memref<1x!tpu.dma_semaphore, #tpu.memory_space<semaphore_mem>> -> memref<!tpu.dma_semaphore, #tpu.memory_space<semaphore_mem>>
      tpu.enqueue_indirect_dma source(%dma_start3A_144 : memref<128x128xf32, #tpu.memory_space<vmem>>) target(%dma_start3A_150 : memref<10000x128xf32, #tpu.memory_space<vmem_shared>>) offsets(%dma_start3A_147 : memref<128xi32, #tpu.memory_space<vmem>>) semaphore(%dma_start3A_152 : memref<!tpu.dma_semaphore, #tpu.memory_space<semaphore_mem>>) {add = true}
      %add3A_153 = arith.constant 2 : i32
      %add3A_154 = arith.addi %while3A_124, %add3A_153 : i32
      %lt3A_155 = arith.cmpi slt, %add3A_154, %add3A_2 : i32
      %convert_element_type3A_156 = arith.extui %lt3A_155 : i1 to i32
      %cond3A_157 = arith.constant 0 : i32
      %cond3A_158 = arith.cmpi ne, %convert_element_type3A_156, %cond3A_157 : i32
      scf.if %cond3A_158 {
        %add3A_165 = arith.constant 2 : i32
        %add3A_166 = arith.addi %while3A_124, %add3A_165 : i32
        %rem3A_167 = arith.constant 3 : i32
        %rem3A_168 = arith.remsi %add3A_166, %rem3A_167 : i32
        %ge3A_169 = arith.constant 1 : i32
        %ge3A_170 = arith.cmpi sge, %while3A_124, %ge3A_169 : i32
        %convert_element_type3A_171 = arith.extui %ge3A_170 : i1 to i32
        %cond3A_172 = arith.constant 0 : i32
        %cond3A_173 = arith.cmpi ne, %convert_element_type3A_171, %cond3A_172 : i32
        scf.if %cond3A_173 {
          %dma_wait3A_218 = arith.constant 0 : i32
          %dma_wait3A_219 = arith.constant 0 : i32
          %dma_wait3A_220 = arith.constant 0 : i32
          %dma_wait3A_221 = tpu.memref_slice %arg10[%rem3A_168, %dma_wait3A_219, %dma_wait3A_220] : memref<3x128x128xf32, #tpu.memory_space<vmem>> -> memref<1x128x128xf32, #tpu.memory_space<vmem>>
          %dma_wait3A_222 = tpu.memref_squeeze %dma_wait3A_221 : memref<1x128x128xf32, #tpu.memory_space<vmem>> -> memref<128x128xf32, #tpu.memory_space<vmem>>
          %dma_wait3A_223 = arith.constant 0 : i32
          %dma_wait3A_224 = tpu.memref_slice %arg9[%dma_wait3A_218, %dma_wait3A_223] : memref<6x128xi32, #tpu.memory_space<vmem>> -> memref<1x128xi32, #tpu.memory_space<vmem>>
          %dma_wait3A_225 = tpu.memref_squeeze %dma_wait3A_224 : memref<1x128xi32, #tpu.memory_space<vmem>> -> memref<128xi32, #tpu.memory_space<vmem>>
          %dma_wait3A_226 = arith.constant 0 : i32
          %dma_wait3A_227 = arith.constant 0 : i32
          %dma_wait3A_228 = tpu.memref_slice %arg7[%dma_wait3A_226, %dma_wait3A_227] : memref<10000x128xf32, #tpu.memory_space<vmem_shared>> -> memref<10000x128xf32, #tpu.memory_space<vmem_shared>>
          %dma_wait3A_229 = tpu.memref_slice %arg14[%rem3A_168] : memref<3x!tpu.dma_semaphore, #tpu.memory_space<semaphore_mem>> -> memref<1x!tpu.dma_semaphore, #tpu.memory_space<semaphore_mem>>
          %dma_wait3A_230 = tpu.memref_squeeze %dma_wait3A_229 : memref<1x!tpu.dma_semaphore, #tpu.memory_space<semaphore_mem>> -> memref<!tpu.dma_semaphore, #tpu.memory_space<semaphore_mem>>
          tpu.wait_indirect_dma semaphore(%dma_wait3A_230 : memref<!tpu.dma_semaphore, #tpu.memory_space<semaphore_mem>>) src(%dma_wait3A_222 : memref<128x128xf32, #tpu.memory_space<vmem>>) dst(%dma_wait3A_228 : memref<10000x128xf32, #tpu.memory_space<vmem_shared>>)
        } else {
        }
        %add3A_174 = arith.constant 2 : i32
        %add3A_175 = arith.addi %while3A_124, %add3A_174 : i32
        %add3A_176 = arith.constant 2 : i32
        %add3A_177 = arith.addi %while3A_124, %add3A_176 : i32
        %rem3A_178 = arith.constant 6 : i32
        %rem3A_179 = arith.remsi %add3A_177, %rem3A_178 : i32
        %add3A_180 = arith.addi %add3A_8, %add3A_175 : i32
        %mul3A_181 = arith.constant 128 : i32
        %mul3A_182 = arith.muli %add3A_180, %mul3A_181 : i32
        %add3A_183 = arith.addi %add3A_8, %add3A_175 : i32
        %mul3A_184 = arith.constant 128 : i32
        %mul3A_185 = arith.muli %add3A_183, %mul3A_184 : i32
        %dma_wait3A_186 = arith.constant 0 : i32
        %dma_wait3A_187 = tpu.memref_slice %arg8[%rem3A_168, %dma_wait3A_186] : memref<3x128xi32, #tpu.memory_space<vmem>> -> memref<1x128xi32, #tpu.memory_space<vmem>>
        %dma_wait3A_188 = tpu.memref_squeeze %dma_wait3A_187 : memref<1x128xi32, #tpu.memory_space<vmem>> -> memref<128xi32, #tpu.memory_space<vmem>>
        %dma_wait3A_189 = tpu.memref_slice %arg3[%mul3A_182] : memref<320000xi32, #tpu.memory_space<hbm>> -> memref<128xi32, #tpu.memory_space<hbm>>
        %dma_wait3A_190 = tpu.memref_slice %arg12[%rem3A_168] : memref<3x!tpu.dma_semaphore, #tpu.memory_space<semaphore_mem>> -> memref<1x!tpu.dma_semaphore, #tpu.memory_space<semaphore_mem>>
        %dma_wait3A_191 = tpu.memref_squeeze %dma_wait3A_190 : memref<1x!tpu.dma_semaphore, #tpu.memory_space<semaphore_mem>> -> memref<!tpu.dma_semaphore, #tpu.memory_space<semaphore_mem>>
        %dma_wait3A_192 = arith.constant 0 : i32
        %dma_wait3A_193 = tpu.memref_slice %arg8[%rem3A_168, %dma_wait3A_192] : memref<3x128xi32, #tpu.memory_space<vmem>> -> memref<1x128xi32, #tpu.memory_space<vmem>>
        %dma_wait3A_194 = tpu.memref_squeeze %dma_wait3A_193 : memref<1x128xi32, #tpu.memory_space<vmem>> -> memref<128xi32, #tpu.memory_space<vmem>>
        %dma_wait3A_195 = tpu.memref_slice %arg3[%mul3A_182] : memref<320000xi32, #tpu.memory_space<hbm>> -> memref<128xi32, #tpu.memory_space<hbm>>
        tpu.wait_dma2 semaphore(%dma_wait3A_191 : memref<!tpu.dma_semaphore, #tpu.memory_space<semaphore_mem>>) src(%dma_wait3A_195 : memref<128xi32, #tpu.memory_space<hbm>>) dst(%dma_wait3A_194 : memref<128xi32, #tpu.memory_space<vmem>>)
        %dma_wait3A_196 = arith.constant 0 : i32
        %dma_wait3A_197 = tpu.memref_slice %arg9[%rem3A_179, %dma_wait3A_196] : memref<6x128xi32, #tpu.memory_space<vmem>> -> memref<1x128xi32, #tpu.memory_space<vmem>>
        %dma_wait3A_198 = tpu.memref_squeeze %dma_wait3A_197 : memref<1x128xi32, #tpu.memory_space<vmem>> -> memref<128xi32, #tpu.memory_space<vmem>>
        %dma_wait3A_199 = tpu.memref_slice %arg4[%mul3A_185] : memref<320000xi32, #tpu.memory_space<hbm>> -> memref<128xi32, #tpu.memory_space<hbm>>
        %dma_wait3A_200 = tpu.memref_slice %arg13[%rem3A_179] : memref<6x!tpu.dma_semaphore, #tpu.memory_space<semaphore_mem>> -> memref<1x!tpu.dma_semaphore, #tpu.memory_space<semaphore_mem>>
        %dma_wait3A_201 = tpu.memref_squeeze %dma_wait3A_200 : memref<1x!tpu.dma_semaphore, #tpu.memory_space<semaphore_mem>> -> memref<!tpu.dma_semaphore, #tpu.memory_space<semaphore_mem>>
        %dma_wait3A_202 = arith.constant 0 : i32
        %dma_wait3A_203 = tpu.memref_slice %arg9[%rem3A_179, %dma_wait3A_202] : memref<6x128xi32, #tpu.memory_space<vmem>> -> memref<1x128xi32, #tpu.memory_space<vmem>>
        %dma_wait3A_204 = tpu.memref_squeeze %dma_wait3A_203 : memref<1x128xi32, #tpu.memory_space<vmem>> -> memref<128xi32, #tpu.memory_space<vmem>>
        %dma_wait3A_205 = tpu.memref_slice %arg4[%mul3A_185] : memref<320000xi32, #tpu.memory_space<hbm>> -> memref<128xi32, #tpu.memory_space<hbm>>
        tpu.wait_dma2 semaphore(%dma_wait3A_201 : memref<!tpu.dma_semaphore, #tpu.memory_space<semaphore_mem>>) src(%dma_wait3A_205 : memref<128xi32, #tpu.memory_space<hbm>>) dst(%dma_wait3A_204 : memref<128xi32, #tpu.memory_space<vmem>>)
        %dma_start3A_206 = arith.constant 0 : i32
        %dma_start3A_207 = arith.constant 0 : i32
        %dma_start3A_208 = tpu.memref_slice %arg10[%rem3A_168, %dma_start3A_206, %dma_start3A_207] : memref<3x128x128xf32, #tpu.memory_space<vmem>> -> memref<1x128x128xf32, #tpu.memory_space<vmem>>
        %dma_start3A_209 = tpu.memref_squeeze %dma_start3A_208 : memref<1x128x128xf32, #tpu.memory_space<vmem>> -> memref<128x128xf32, #tpu.memory_space<vmem>>
        %dma_start3A_210 = arith.constant 0 : i32
        %dma_start3A_211 = tpu.memref_slice %arg8[%rem3A_168, %dma_start3A_210] : memref<3x128xi32, #tpu.memory_space<vmem>> -> memref<1x128xi32, #tpu.memory_space<vmem>>
        %dma_start3A_212 = tpu.memref_squeeze %dma_start3A_211 : memref<1x128xi32, #tpu.memory_space<vmem>> -> memref<128xi32, #tpu.memory_space<vmem>>
        %dma_start3A_213 = arith.constant 0 : i32
        %dma_start3A_214 = arith.constant 0 : i32
        %dma_start3A_215 = tpu.memref_slice %arg2[%dma_start3A_213, %dma_start3A_214] : memref<10000x128xf32, #tpu.memory_space<hbm>> -> memref<10000x128xf32, #tpu.memory_space<hbm>>
        %dma_start3A_216 = tpu.memref_slice %arg11[%rem3A_168] : memref<3x!tpu.dma_semaphore, #tpu.memory_space<semaphore_mem>> -> memref<1x!tpu.dma_semaphore, #tpu.memory_space<semaphore_mem>>
        %dma_start3A_217 = tpu.memref_squeeze %dma_start3A_216 : memref<1x!tpu.dma_semaphore, #tpu.memory_space<semaphore_mem>> -> memref<!tpu.dma_semaphore, #tpu.memory_space<semaphore_mem>>
        tpu.enqueue_indirect_dma source(%dma_start3A_215 : memref<10000x128xf32, #tpu.memory_space<hbm>>) target(%dma_start3A_209 : memref<128x128xf32, #tpu.memory_space<vmem>>) offsets(%dma_start3A_212 : memref<128xi32, #tpu.memory_space<vmem>>) semaphore(%dma_start3A_217 : memref<!tpu.dma_semaphore, #tpu.memory_space<semaphore_mem>>)
      } else {
      }
      %add3A_159 = arith.constant 3 : i32
      %add3A_160 = arith.addi %while3A_124, %add3A_159 : i32
      %lt3A_161 = arith.cmpi slt, %add3A_160, %add3A_2 : i32
      %convert_element_type3A_162 = arith.extui %lt3A_161 : i1 to i32
      %cond3A_163 = arith.constant 0 : i32
      %cond3A_164 = arith.cmpi ne, %convert_element_type3A_162, %cond3A_163 : i32
      scf.if %cond3A_164 {
        %add3A_165 = arith.constant 3 : i32
        %add3A_166 = arith.addi %while3A_124, %add3A_165 : i32
        %add3A_167 = arith.constant 3 : i32
        %add3A_168 = arith.addi %while3A_124, %add3A_167 : i32
        %rem3A_169 = arith.constant 6 : i32
        %rem3A_170 = arith.remsi %add3A_168, %rem3A_169 : i32
        %add3A_171 = arith.addi %add3A_8, %add3A_166 : i32
        %mul3A_172 = arith.constant 128 : i32
        %mul3A_173 = arith.muli %add3A_171, %mul3A_172 : i32
        %add3A_174 = arith.addi %add3A_8, %add3A_166 : i32
        %mul3A_175 = arith.constant 128 : i32
        %mul3A_176 = arith.muli %add3A_174, %mul3A_175 : i32
        %dma_start3A_177 = arith.constant 0 : i32
        %dma_start3A_178 = tpu.memref_slice %arg8[%rem3A_126, %dma_start3A_177] : memref<3x128xi32, #tpu.memory_space<vmem>> -> memref<1x128xi32, #tpu.memory_space<vmem>>
        %dma_start3A_179 = tpu.memref_squeeze %dma_start3A_178 : memref<1x128xi32, #tpu.memory_space<vmem>> -> memref<128xi32, #tpu.memory_space<vmem>>
        %dma_start3A_180 = tpu.memref_slice %arg3[%mul3A_173] : memref<320000xi32, #tpu.memory_space<hbm>> -> memref<128xi32, #tpu.memory_space<hbm>>
        %dma_start3A_181 = tpu.memref_slice %arg12[%rem3A_126] : memref<3x!tpu.dma_semaphore, #tpu.memory_space<semaphore_mem>> -> memref<1x!tpu.dma_semaphore, #tpu.memory_space<semaphore_mem>>
        %dma_start3A_182 = tpu.memref_squeeze %dma_start3A_181 : memref<1x!tpu.dma_semaphore, #tpu.memory_space<semaphore_mem>> -> memref<!tpu.dma_semaphore, #tpu.memory_space<semaphore_mem>>
        %dma_start3A_183 = arith.constant 0 : i32
        %dma_start3A_184 = tpu.memref_slice %arg8[%rem3A_126, %dma_start3A_183] : memref<3x128xi32, #tpu.memory_space<vmem>> -> memref<1x128xi32, #tpu.memory_space<vmem>>
        %dma_start3A_185 = tpu.memref_squeeze %dma_start3A_184 : memref<1x128xi32, #tpu.memory_space<vmem>> -> memref<128xi32, #tpu.memory_space<vmem>>
        %dma_start3A_186 = tpu.memref_slice %arg3[%mul3A_173] : memref<320000xi32, #tpu.memory_space<hbm>> -> memref<128xi32, #tpu.memory_space<hbm>>
        tpu.enqueue_dma source(%dma_start3A_186 : memref<128xi32, #tpu.memory_space<hbm>>) target(%dma_start3A_185 : memref<128xi32, #tpu.memory_space<vmem>>) target_semaphore(%dma_start3A_182 : memref<!tpu.dma_semaphore, #tpu.memory_space<semaphore_mem>>)
        %dma_start3A_187 = arith.constant 0 : i32
        %dma_start3A_188 = tpu.memref_slice %arg9[%rem3A_170, %dma_start3A_187] : memref<6x128xi32, #tpu.memory_space<vmem>> -> memref<1x128xi32, #tpu.memory_space<vmem>>
        %dma_start3A_189 = tpu.memref_squeeze %dma_start3A_188 : memref<1x128xi32, #tpu.memory_space<vmem>> -> memref<128xi32, #tpu.memory_space<vmem>>
        %dma_start3A_190 = tpu.memref_slice %arg4[%mul3A_176] : memref<320000xi32, #tpu.memory_space<hbm>> -> memref<128xi32, #tpu.memory_space<hbm>>
        %dma_start3A_191 = tpu.memref_slice %arg13[%rem3A_170] : memref<6x!tpu.dma_semaphore, #tpu.memory_space<semaphore_mem>> -> memref<1x!tpu.dma_semaphore, #tpu.memory_space<semaphore_mem>>
        %dma_start3A_192 = tpu.memref_squeeze %dma_start3A_191 : memref<1x!tpu.dma_semaphore, #tpu.memory_space<semaphore_mem>> -> memref<!tpu.dma_semaphore, #tpu.memory_space<semaphore_mem>>
        %dma_start3A_193 = arith.constant 0 : i32
        %dma_start3A_194 = tpu.memref_slice %arg9[%rem3A_170, %dma_start3A_193] : memref<6x128xi32, #tpu.memory_space<vmem>> -> memref<1x128xi32, #tpu.memory_space<vmem>>
        %dma_start3A_195 = tpu.memref_squeeze %dma_start3A_194 : memref<1x128xi32, #tpu.memory_space<vmem>> -> memref<128xi32, #tpu.memory_space<vmem>>
        %dma_start3A_196 = tpu.memref_slice %arg4[%mul3A_176] : memref<320000xi32, #tpu.memory_space<hbm>> -> memref<128xi32, #tpu.memory_space<hbm>>
        tpu.enqueue_dma source(%dma_start3A_196 : memref<128xi32, #tpu.memory_space<hbm>>) target(%dma_start3A_195 : memref<128xi32, #tpu.memory_space<vmem>>) target_semaphore(%dma_start3A_192 : memref<!tpu.dma_semaphore, #tpu.memory_space<semaphore_mem>>)
      } else {
      }
    }
    %while3A_88 = arith.constant 1 : i32
    scf.for %while3A_124 = %while3A_86 to %while3A_82 step %while3A_88  : i32 {
      %rem3A_125 = arith.constant 3 : i32
      %rem3A_126 = arith.remsi %while3A_124, %rem3A_125 : i32
      %rem3A_127 = arith.constant 6 : i32
      %rem3A_128 = arith.remsi %while3A_124, %rem3A_127 : i32
      %dma_wait3A_129 = arith.constant 0 : i32
      %dma_wait3A_130 = arith.constant 0 : i32
      %dma_wait3A_131 = tpu.memref_slice %arg10[%rem3A_126, %dma_wait3A_129, %dma_wait3A_130] : memref<3x128x128xf32, #tpu.memory_space<vmem>> -> memref<1x128x128xf32, #tpu.memory_space<vmem>>
      %dma_wait3A_132 = tpu.memref_squeeze %dma_wait3A_131 : memref<1x128x128xf32, #tpu.memory_space<vmem>> -> memref<128x128xf32, #tpu.memory_space<vmem>>
      %dma_wait3A_133 = arith.constant 0 : i32
      %dma_wait3A_134 = tpu.memref_slice %arg8[%rem3A_126, %dma_wait3A_133] : memref<3x128xi32, #tpu.memory_space<vmem>> -> memref<1x128xi32, #tpu.memory_space<vmem>>
      %dma_wait3A_135 = tpu.memref_squeeze %dma_wait3A_134 : memref<1x128xi32, #tpu.memory_space<vmem>> -> memref<128xi32, #tpu.memory_space<vmem>>
      %dma_wait3A_136 = arith.constant 0 : i32
      %dma_wait3A_137 = arith.constant 0 : i32
      %dma_wait3A_138 = tpu.memref_slice %arg2[%dma_wait3A_136, %dma_wait3A_137] : memref<10000x128xf32, #tpu.memory_space<hbm>> -> memref<10000x128xf32, #tpu.memory_space<hbm>>
      %dma_wait3A_139 = tpu.memref_slice %arg11[%rem3A_126] : memref<3x!tpu.dma_semaphore, #tpu.memory_space<semaphore_mem>> -> memref<1x!tpu.dma_semaphore, #tpu.memory_space<semaphore_mem>>
      %dma_wait3A_140 = tpu.memref_squeeze %dma_wait3A_139 : memref<1x!tpu.dma_semaphore, #tpu.memory_space<semaphore_mem>> -> memref<!tpu.dma_semaphore, #tpu.memory_space<semaphore_mem>>
      tpu.wait_indirect_dma semaphore(%dma_wait3A_140 : memref<!tpu.dma_semaphore, #tpu.memory_space<semaphore_mem>>) src(%dma_wait3A_138 : memref<10000x128xf32, #tpu.memory_space<hbm>>) dst(%dma_wait3A_132 : memref<128x128xf32, #tpu.memory_space<vmem>>)
      %dma_start3A_141 = arith.constant 0 : i32
      %dma_start3A_142 = arith.constant 0 : i32
      %dma_start3A_143 = tpu.memref_slice %arg10[%rem3A_126, %dma_start3A_141, %dma_start3A_142] : memref<3x128x128xf32, #tpu.memory_space<vmem>> -> memref<1x128x128xf32, #tpu.memory_space<vmem>>
      %dma_start3A_144 = tpu.memref_squeeze %dma_start3A_143 : memref<1x128x128xf32, #tpu.memory_space<vmem>> -> memref<128x128xf32, #tpu.memory_space<vmem>>
      %dma_start3A_145 = arith.constant 0 : i32
      %dma_start3A_146 = tpu.memref_slice %arg9[%rem3A_128, %dma_start3A_145] : memref<6x128xi32, #tpu.memory_space<vmem>> -> memref<1x128xi32, #tpu.memory_space<vmem>>
      %dma_start3A_147 = tpu.memref_squeeze %dma_start3A_146 : memref<1x128xi32, #tpu.memory_space<vmem>> -> memref<128xi32, #tpu.memory_space<vmem>>
      %dma_start3A_148 = arith.constant 0 : i32
      %dma_start3A_149 = arith.constant 0 : i32
      %dma_start3A_150 = tpu.memref_slice %arg7[%dma_start3A_148, %dma_start3A_149] : memref<10000x128xf32, #tpu.memory_space<vmem_shared>> -> memref<10000x128xf32, #tpu.memory_space<vmem_shared>>
      %dma_start3A_151 = tpu.memref_slice %arg14[%rem3A_126] : memref<3x!tpu.dma_semaphore, #tpu.memory_space<semaphore_mem>> -> memref<1x!tpu.dma_semaphore, #tpu.memory_space<semaphore_mem>>
      %dma_start3A_152 = tpu.memref_squeeze %dma_start3A_151 : memref<1x!tpu.dma_semaphore, #tpu.memory_space<semaphore_mem>> -> memref<!tpu.dma_semaphore, #tpu.memory_space<semaphore_mem>>
      tpu.enqueue_indirect_dma source(%dma_start3A_144 : memref<128x128xf32, #tpu.memory_space<vmem>>) target(%dma_start3A_150 : memref<10000x128xf32, #tpu.memory_space<vmem_shared>>) offsets(%dma_start3A_147 : memref<128xi32, #tpu.memory_space<vmem>>) semaphore(%dma_start3A_152 : memref<!tpu.dma_semaphore, #tpu.memory_space<semaphore_mem>>) {add = true}
      %add3A_153 = arith.constant 2 : i32
      %add3A_154 = arith.addi %while3A_124, %add3A_153 : i32
      %lt3A_155 = arith.cmpi slt, %add3A_154, %add3A_2 : i32
      %convert_element_type3A_156 = arith.extui %lt3A_155 : i1 to i32
      %cond3A_157 = arith.constant 0 : i32
      %cond3A_158 = arith.cmpi ne, %convert_element_type3A_156, %cond3A_157 : i32
      scf.if %cond3A_158 {
        %add3A_165 = arith.constant 2 : i32
        %add3A_166 = arith.addi %while3A_124, %add3A_165 : i32
        %rem3A_167 = arith.constant 3 : i32
        %rem3A_168 = arith.remsi %add3A_166, %rem3A_167 : i32
        %ge3A_169 = arith.constant 1 : i32
        %ge3A_170 = arith.cmpi sge, %while3A_124, %ge3A_169 : i32
        %convert_element_type3A_171 = arith.extui %ge3A_170 : i1 to i32
        %cond3A_172 = arith.constant 0 : i32
        %cond3A_173 = arith.cmpi ne, %convert_element_type3A_171, %cond3A_172 : i32
        scf.if %cond3A_173 {
          %dma_wait3A_218 = arith.constant 0 : i32
          %dma_wait3A_219 = arith.constant 0 : i32
          %dma_wait3A_220 = arith.constant 0 : i32
          %dma_wait3A_221 = tpu.memref_slice %arg10[%rem3A_168, %dma_wait3A_219, %dma_wait3A_220] : memref<3x128x128xf32, #tpu.memory_space<vmem>> -> memref<1x128x128xf32, #tpu.memory_space<vmem>>
          %dma_wait3A_222 = tpu.memref_squeeze %dma_wait3A_221 : memref<1x128x128xf32, #tpu.memory_space<vmem>> -> memref<128x128xf32, #tpu.memory_space<vmem>>
          %dma_wait3A_223 = arith.constant 0 : i32
          %dma_wait3A_224 = tpu.memref_slice %arg9[%dma_wait3A_218, %dma_wait3A_223] : memref<6x128xi32, #tpu.memory_space<vmem>> -> memref<1x128xi32, #tpu.memory_space<vmem>>
          %dma_wait3A_225 = tpu.memref_squeeze %dma_wait3A_224 : memref<1x128xi32, #tpu.memory_space<vmem>> -> memref<128xi32, #tpu.memory_space<vmem>>
          %dma_wait3A_226 = arith.constant 0 : i32
          %dma_wait3A_227 = arith.constant 0 : i32
          %dma_wait3A_228 = tpu.memref_slice %arg7[%dma_wait3A_226, %dma_wait3A_227] : memref<10000x128xf32, #tpu.memory_space<vmem_shared>> -> memref<10000x128xf32, #tpu.memory_space<vmem_shared>>
          %dma_wait3A_229 = tpu.memref_slice %arg14[%rem3A_168] : memref<3x!tpu.dma_semaphore, #tpu.memory_space<semaphore_mem>> -> memref<1x!tpu.dma_semaphore, #tpu.memory_space<semaphore_mem>>
          %dma_wait3A_230 = tpu.memref_squeeze %dma_wait3A_229 : memref<1x!tpu.dma_semaphore, #tpu.memory_space<semaphore_mem>> -> memref<!tpu.dma_semaphore, #tpu.memory_space<semaphore_mem>>
          tpu.wait_indirect_dma semaphore(%dma_wait3A_230 : memref<!tpu.dma_semaphore, #tpu.memory_space<semaphore_mem>>) src(%dma_wait3A_222 : memref<128x128xf32, #tpu.memory_space<vmem>>) dst(%dma_wait3A_228 : memref<10000x128xf32, #tpu.memory_space<vmem_shared>>)
        } else {
        }
        %add3A_174 = arith.constant 2 : i32
        %add3A_175 = arith.addi %while3A_124, %add3A_174 : i32
        %add3A_176 = arith.constant 2 : i32
        %add3A_177 = arith.addi %while3A_124, %add3A_176 : i32
        %rem3A_178 = arith.constant 6 : i32
        %rem3A_179 = arith.remsi %add3A_177, %rem3A_178 : i32
        %add3A_180 = arith.addi %add3A_8, %add3A_175 : i32
        %mul3A_181 = arith.constant 128 : i32
        %mul3A_182 = arith.muli %add3A_180, %mul3A_181 : i32
        %add3A_183 = arith.addi %add3A_8, %add3A_175 : i32
        %mul3A_184 = arith.constant 128 : i32
        %mul3A_185 = arith.muli %add3A_183, %mul3A_184 : i32
        %dma_wait3A_186 = arith.constant 0 : i32
        %dma_wait3A_187 = tpu.memref_slice %arg8[%rem3A_168, %dma_wait3A_186] : memref<3x128xi32, #tpu.memory_space<vmem>> -> memref<1x128xi32, #tpu.memory_space<vmem>>
        %dma_wait3A_188 = tpu.memref_squeeze %dma_wait3A_187 : memref<1x128xi32, #tpu.memory_space<vmem>> -> memref<128xi32, #tpu.memory_space<vmem>>
        %dma_wait3A_189 = tpu.memref_slice %arg3[%mul3A_182] : memref<320000xi32, #tpu.memory_space<hbm>> -> memref<128xi32, #tpu.memory_space<hbm>>
        %dma_wait3A_190 = tpu.memref_slice %arg12[%rem3A_168] : memref<3x!tpu.dma_semaphore, #tpu.memory_space<semaphore_mem>> -> memref<1x!tpu.dma_semaphore, #tpu.memory_space<semaphore_mem>>
        %dma_wait3A_191 = tpu.memref_squeeze %dma_wait3A_190 : memref<1x!tpu.dma_semaphore, #tpu.memory_space<semaphore_mem>> -> memref<!tpu.dma_semaphore, #tpu.memory_space<semaphore_mem>>
        %dma_wait3A_192 = arith.constant 0 : i32
        %dma_wait3A_193 = tpu.memref_slice %arg8[%rem3A_168, %dma_wait3A_192] : memref<3x128xi32, #tpu.memory_space<vmem>> -> memref<1x128xi32, #tpu.memory_space<vmem>>
        %dma_wait3A_194 = tpu.memref_squeeze %dma_wait3A_193 : memref<1x128xi32, #tpu.memory_space<vmem>> -> memref<128xi32, #tpu.memory_space<vmem>>
        %dma_wait3A_195 = tpu.memref_slice %arg3[%mul3A_182] : memref<320000xi32, #tpu.memory_space<hbm>> -> memref<128xi32, #tpu.memory_space<hbm>>
        tpu.wait_dma2 semaphore(%dma_wait3A_191 : memref<!tpu.dma_semaphore, #tpu.memory_space<semaphore_mem>>) src(%dma_wait3A_195 : memref<128xi32, #tpu.memory_space<hbm>>) dst(%dma_wait3A_194 : memref<128xi32, #tpu.memory_space<vmem>>)
        %dma_wait3A_196 = arith.constant 0 : i32
        %dma_wait3A_197 = tpu.memref_slice %arg9[%rem3A_179, %dma_wait3A_196] : memref<6x128xi32, #tpu.memory_space<vmem>> -> memref<1x128xi32, #tpu.memory_space<vmem>>
        %dma_wait3A_198 = tpu.memref_squeeze %dma_wait3A_197 : memref<1x128xi32, #tpu.memory_space<vmem>> -> memref<128xi32, #tpu.memory_space<vmem>>
        %dma_wait3A_199 = tpu.memref_slice %arg4[%mul3A_185] : memref<320000xi32, #tpu.memory_space<hbm>> -> memref<128xi32, #tpu.memory_space<hbm>>
        %dma_wait3A_200 = tpu.memref_slice %arg13[%rem3A_179] : memref<6x!tpu.dma_semaphore, #tpu.memory_space<semaphore_mem>> -> memref<1x!tpu.dma_semaphore, #tpu.memory_space<semaphore_mem>>
        %dma_wait3A_201 = tpu.memref_squeeze %dma_wait3A_200 : memref<1x!tpu.dma_semaphore, #tpu.memory_space<semaphore_mem>> -> memref<!tpu.dma_semaphore, #tpu.memory_space<semaphore_mem>>
        %dma_wait3A_202 = arith.constant 0 : i32
        %dma_wait3A_203 = tpu.memref_slice %arg9[%rem3A_179, %dma_wait3A_202] : memref<6x128xi32, #tpu.memory_space<vmem>> -> memref<1x128xi32, #tpu.memory_space<vmem>>
        %dma_wait3A_204 = tpu.memref_squeeze %dma_wait3A_203 : memref<1x128xi32, #tpu.memory_space<vmem>> -> memref<128xi32, #tpu.memory_space<vmem>>
        %dma_wait3A_205 = tpu.memref_slice %arg4[%mul3A_185] : memref<320000xi32, #tpu.memory_space<hbm>> -> memref<128xi32, #tpu.memory_space<hbm>>
        tpu.wait_dma2 semaphore(%dma_wait3A_201 : memref<!tpu.dma_semaphore, #tpu.memory_space<semaphore_mem>>) src(%dma_wait3A_205 : memref<128xi32, #tpu.memory_space<hbm>>) dst(%dma_wait3A_204 : memref<128xi32, #tpu.memory_space<vmem>>)
        %dma_start3A_206 = arith.constant 0 : i32
        %dma_start3A_207 = arith.constant 0 : i32
        %dma_start3A_208 = tpu.memref_slice %arg10[%rem3A_168, %dma_start3A_206, %dma_start3A_207] : memref<3x128x128xf32, #tpu.memory_space<vmem>> -> memref<1x128x128xf32, #tpu.memory_space<vmem>>
        %dma_start3A_209 = tpu.memref_squeeze %dma_start3A_208 : memref<1x128x128xf32, #tpu.memory_space<vmem>> -> memref<128x128xf32, #tpu.memory_space<vmem>>
        %dma_start3A_210 = arith.constant 0 : i32
        %dma_start3A_211 = tpu.memref_slice %arg8[%rem3A_168, %dma_start3A_210] : memref<3x128xi32, #tpu.memory_space<vmem>> -> memref<1x128xi32, #tpu.memory_space<vmem>>
        %dma_start3A_212 = tpu.memref_squeeze %dma_start3A_211 : memref<1x128xi32, #tpu.memory_space<vmem>> -> memref<128xi32, #tpu.memory_space<vmem>>
        %dma_start3A_213 = arith.constant 0 : i32
        %dma_start3A_214 = arith.constant 0 : i32
        %dma_start3A_215 = tpu.memref_slice %arg2[%dma_start3A_213, %dma_start3A_214] : memref<10000x128xf32, #tpu.memory_space<hbm>> -> memref<10000x128xf32, #tpu.memory_space<hbm>>
        %dma_start3A_216 = tpu.memref_slice %arg11[%rem3A_168] : memref<3x!tpu.dma_semaphore, #tpu.memory_space<semaphore_mem>> -> memref<1x!tpu.dma_semaphore, #tpu.memory_space<semaphore_mem>>
        %dma_start3A_217 = tpu.memref_squeeze %dma_start3A_216 : memref<1x!tpu.dma_semaphore, #tpu.memory_space<semaphore_mem>> -> memref<!tpu.dma_semaphore, #tpu.memory_space<semaphore_mem>>
        tpu.enqueue_indirect_dma source(%dma_start3A_215 : memref<10000x128xf32, #tpu.memory_space<hbm>>) target(%dma_start3A_209 : memref<128x128xf32, #tpu.memory_space<vmem>>) offsets(%dma_start3A_212 : memref<128xi32, #tpu.memory_space<vmem>>) semaphore(%dma_start3A_217 : memref<!tpu.dma_semaphore, #tpu.memory_space<semaphore_mem>>)
      } else {
      }
      %add3A_159 = arith.constant 3 : i32
      %add3A_160 = arith.addi %while3A_124, %add3A_159 : i32
      %lt3A_161 = arith.cmpi slt, %add3A_160, %add3A_2 : i32
      %convert_element_type3A_162 = arith.extui %lt3A_161 : i1 to i32
      %cond3A_163 = arith.constant 0 : i32
      %cond3A_164 = arith.cmpi ne, %convert_element_type3A_162, %cond3A_163 : i32
      scf.if %cond3A_164 {
        %add3A_165 = arith.constant 3 : i32
        %add3A_166 = arith.addi %while3A_124, %add3A_165 : i32
        %add3A_167 = arith.constant 3 : i32
        %add3A_168 = arith.addi %while3A_124, %add3A_167 : i32
        %rem3A_169 = arith.constant 6 : i32
        %rem3A_170 = arith.remsi %add3A_168, %rem3A_169 : i32
        %add3A_171 = arith.addi %add3A_8, %add3A_166 : i32
        %mul3A_172 = arith.constant 128 : i32
        %mul3A_173 = arith.muli %add3A_171, %mul3A_172 : i32
        %add3A_174 = arith.addi %add3A_8, %add3A_166 : i32
        %mul3A_175 = arith.constant 128 : i32
        %mul3A_176 = arith.muli %add3A_174, %mul3A_175 : i32
        %dma_start3A_177 = arith.constant 0 : i32
        %dma_start3A_178 = tpu.memref_slice %arg8[%rem3A_126, %dma_start3A_177] : memref<3x128xi32, #tpu.memory_space<vmem>> -> memref<1x128xi32, #tpu.memory_space<vmem>>
        %dma_start3A_179 = tpu.memref_squeeze %dma_start3A_178 : memref<1x128xi32, #tpu.memory_space<vmem>> -> memref<128xi32, #tpu.memory_space<vmem>>
        %dma_start3A_180 = tpu.memref_slice %arg3[%mul3A_173] : memref<320000xi32, #tpu.memory_space<hbm>> -> memref<128xi32, #tpu.memory_space<hbm>>
        %dma_start3A_181 = tpu.memref_slice %arg12[%rem3A_126] : memref<3x!tpu.dma_semaphore, #tpu.memory_space<semaphore_mem>> -> memref<1x!tpu.dma_semaphore, #tpu.memory_space<semaphore_mem>>
        %dma_start3A_182 = tpu.memref_squeeze %dma_start3A_181 : memref<1x!tpu.dma_semaphore, #tpu.memory_space<semaphore_mem>> -> memref<!tpu.dma_semaphore, #tpu.memory_space<semaphore_mem>>
        %dma_start3A_183 = arith.constant 0 : i32
        %dma_start3A_184 = tpu.memref_slice %arg8[%rem3A_126, %dma_start3A_183] : memref<3x128xi32, #tpu.memory_space<vmem>> -> memref<1x128xi32, #tpu.memory_space<vmem>>
        %dma_start3A_185 = tpu.memref_squeeze %dma_start3A_184 : memref<1x128xi32, #tpu.memory_space<vmem>> -> memref<128xi32, #tpu.memory_space<vmem>>
        %dma_start3A_186 = tpu.memref_slice %arg3[%mul3A_173] : memref<320000xi32, #tpu.memory_space<hbm>> -> memref<128xi32, #tpu.memory_space<hbm>>
        tpu.enqueue_dma source(%dma_start3A_186 : memref<128xi32, #tpu.memory_space<hbm>>) target(%dma_start3A_185 : memref<128xi32, #tpu.memory_space<vmem>>) target_semaphore(%dma_start3A_182 : memref<!tpu.dma_semaphore, #tpu.memory_space<semaphore_mem>>)
        %dma_start3A_187 = arith.constant 0 : i32
        %dma_start3A_188 = tpu.memref_slice %arg9[%rem3A_170, %dma_start3A_187] : memref<6x128xi32, #tpu.memory_space<vmem>> -> memref<1x128xi32, #tpu.memory_space<vmem>>
        %dma_start3A_189 = tpu.memref_squeeze %dma_start3A_188 : memref<1x128xi32, #tpu.memory_space<vmem>> -> memref<128xi32, #tpu.memory_space<vmem>>
        %dma_start3A_190 = tpu.memref_slice %arg4[%mul3A_176] : memref<320000xi32, #tpu.memory_space<hbm>> -> memref<128xi32, #tpu.memory_space<hbm>>
        %dma_start3A_191 = tpu.memref_slice %arg13[%rem3A_170] : memref<6x!tpu.dma_semaphore, #tpu.memory_space<semaphore_mem>> -> memref<1x!tpu.dma_semaphore, #tpu.memory_space<semaphore_mem>>
        %dma_start3A_192 = tpu.memref_squeeze %dma_start3A_191 : memref<1x!tpu.dma_semaphore, #tpu.memory_space<semaphore_mem>> -> memref<!tpu.dma_semaphore, #tpu.memory_space<semaphore_mem>>
        %dma_start3A_193 = arith.constant 0 : i32
        %dma_start3A_194 = tpu.memref_slice %arg9[%rem3A_170, %dma_start3A_193] : memref<6x128xi32, #tpu.memory_space<vmem>> -> memref<1x128xi32, #tpu.memory_space<vmem>>
        %dma_start3A_195 = tpu.memref_squeeze %dma_start3A_194 : memref<1x128xi32, #tpu.memory_space<vmem>> -> memref<128xi32, #tpu.memory_space<vmem>>
        %dma_start3A_196 = tpu.memref_slice %arg4[%mul3A_176] : memref<320000xi32, #tpu.memory_space<hbm>> -> memref<128xi32, #tpu.memory_space<hbm>>
        tpu.enqueue_dma source(%dma_start3A_196 : memref<128xi32, #tpu.memory_space<hbm>>) target(%dma_start3A_195 : memref<128xi32, #tpu.memory_space<vmem>>) target_semaphore(%dma_start3A_192 : memref<!tpu.dma_semaphore, #tpu.memory_space<semaphore_mem>>)
      } else {
      }
    }
    %ge3A = arith.constant 3 : i32
    %ge3A_89 = arith.cmpi sge, %add3A_2, %ge3A : i32
    %convert_element_type3A_90 = arith.extui %ge3A_89 : i1 to i32
    %cond3A_91 = arith.constant 0 : i32
    %cond3A_92 = arith.cmpi ne, %convert_element_type3A_90, %cond3A_91 : i32
    scf.if %cond3A_92 {
      %sub3A_124 = arith.constant 3 : i32
      %sub3A_125 = arith.subi %add3A_2, %sub3A_124 : i32
      %rem3A_126 = arith.constant 3 : i32
      %rem3A_127 = arith.remsi %sub3A_125, %rem3A_126 : i32
      %dma_wait3A_128 = arith.constant 0 : i32
      %dma_wait3A_129 = arith.constant 0 : i32
      %dma_wait3A_130 = arith.constant 0 : i32
      %dma_wait3A_131 = tpu.memref_slice %arg10[%rem3A_127, %dma_wait3A_129, %dma_wait3A_130] : memref<3x128x128xf32, #tpu.memory_space<vmem>> -> memref<1x128x128xf32, #tpu.memory_space<vmem>>
      %dma_wait3A_132 = tpu.memref_squeeze %dma_wait3A_131 : memref<1x128x128xf32, #tpu.memory_space<vmem>> -> memref<128x128xf32, #tpu.memory_space<vmem>>
      %dma_wait3A_133 = arith.constant 0 : i32
      %dma_wait3A_134 = tpu.memref_slice %arg9[%dma_wait3A_128, %dma_wait3A_133] : memref<6x128xi32, #tpu.memory_space<vmem>> -> memref<1x128xi32, #tpu.memory_space<vmem>>
      %dma_wait3A_135 = tpu.memref_squeeze %dma_wait3A_134 : memref<1x128xi32, #tpu.memory_space<vmem>> -> memref<128xi32, #tpu.memory_space<vmem>>
      %dma_wait3A_136 = arith.constant 0 : i32
      %dma_wait3A_137 = arith.constant 0 : i32
      %dma_wait3A_138 = tpu.memref_slice %arg7[%dma_wait3A_136, %dma_wait3A_137] : memref<10000x128xf32, #tpu.memory_space<vmem_shared>> -> memref<10000x128xf32, #tpu.memory_space<vmem_shared>>
      %dma_wait3A_139 = tpu.memref_slice %arg14[%rem3A_127] : memref<3x!tpu.dma_semaphore, #tpu.memory_space<semaphore_mem>> -> memref<1x!tpu.dma_semaphore, #tpu.memory_space<semaphore_mem>>
      %dma_wait3A_140 = tpu.memref_squeeze %dma_wait3A_139 : memref<1x!tpu.dma_semaphore, #tpu.memory_space<semaphore_mem>> -> memref<!tpu.dma_semaphore, #tpu.memory_space<semaphore_mem>>
      tpu.wait_indirect_dma semaphore(%dma_wait3A_140 : memref<!tpu.dma_semaphore, #tpu.memory_space<semaphore_mem>>) src(%dma_wait3A_132 : memref<128x128xf32, #tpu.memory_space<vmem>>) dst(%dma_wait3A_138 : memref<10000x128xf32, #tpu.memory_space<vmem_shared>>)
    } else {
    }
    %ge3A_93 = arith.constant 2 : i32
    %ge3A_94 = arith.cmpi sge, %add3A_2, %ge3A_93 : i32
    %convert_element_type3A_95 = arith.extui %ge3A_94 : i1 to i32
    %cond3A_96 = arith.constant 0 : i32
    %cond3A_97 = arith.cmpi ne, %convert_element_type3A_95, %cond3A_96 : i32
    scf.if %cond3A_97 {
      %sub3A_124 = arith.constant 2 : i32
      %sub3A_125 = arith.subi %add3A_2, %sub3A_124 : i32
      %rem3A_126 = arith.constant 3 : i32
      %rem3A_127 = arith.remsi %sub3A_125, %rem3A_126 : i32
      %dma_wait3A_128 = arith.constant 0 : i32
      %dma_wait3A_129 = arith.constant 0 : i32
      %dma_wait3A_130 = arith.constant 0 : i32
      %dma_wait3A_131 = tpu.memref_slice %arg10[%rem3A_127, %dma_wait3A_129, %dma_wait3A_130] : memref<3x128x128xf32, #tpu.memory_space<vmem>> -> memref<1x128x128xf32, #tpu.memory_space<vmem>>
      %dma_wait3A_132 = tpu.memref_squeeze %dma_wait3A_131 : memref<1x128x128xf32, #tpu.memory_space<vmem>> -> memref<128x128xf32, #tpu.memory_space<vmem>>
      %dma_wait3A_133 = arith.constant 0 : i32
      %dma_wait3A_134 = tpu.memref_slice %arg9[%dma_wait3A_128, %dma_wait3A_133] : memref<6x128xi32, #tpu.memory_space<vmem>> -> memref<1x128xi32, #tpu.memory_space<vmem>>
      %dma_wait3A_135 = tpu.memref_squeeze %dma_wait3A_134 : memref<1x128xi32, #tpu.memory_space<vmem>> -> memref<128xi32, #tpu.memory_space<vmem>>
      %dma_wait3A_136 = arith.constant 0 : i32
      %dma_wait3A_137 = arith.constant 0 : i32
      %dma_wait3A_138 = tpu.memref_slice %arg7[%dma_wait3A_136, %dma_wait3A_137] : memref<10000x128xf32, #tpu.memory_space<vmem_shared>> -> memref<10000x128xf32, #tpu.memory_space<vmem_shared>>
      %dma_wait3A_139 = tpu.memref_slice %arg14[%rem3A_127] : memref<3x!tpu.dma_semaphore, #tpu.memory_space<semaphore_mem>> -> memref<1x!tpu.dma_semaphore, #tpu.memory_space<semaphore_mem>>
      %dma_wait3A_140 = tpu.memref_squeeze %dma_wait3A_139 : memref<1x!tpu.dma_semaphore, #tpu.memory_space<semaphore_mem>> -> memref<!tpu.dma_semaphore, #tpu.memory_space<semaphore_mem>>
      tpu.wait_indirect_dma semaphore(%dma_wait3A_140 : memref<!tpu.dma_semaphore, #tpu.memory_space<semaphore_mem>>) src(%dma_wait3A_132 : memref<128x128xf32, #tpu.memory_space<vmem>>) dst(%dma_wait3A_138 : memref<10000x128xf32, #tpu.memory_space<vmem_shared>>)
    } else {
    }
    %sub3A = arith.constant 1 : i32
    %sub3A_98 = arith.subi %add3A_2, %sub3A : i32
    %rem3A = arith.constant 3 : i32
    %rem3A_99 = arith.remsi %sub3A_98, %rem3A : i32
    %dma_wait3A_100 = arith.constant 0 : i32
    %dma_wait3A_101 = arith.constant 0 : i32
    %dma_wait3A_102 = arith.constant 0 : i32
    %dma_wait3A_103 = tpu.memref_slice %arg10[%rem3A_99, %dma_wait3A_101, %dma_wait3A_102] : memref<3x128x128xf32, #tpu.memory_space<vmem>> -> memref<1x128x128xf32, #tpu.memory_space<vmem>>
    %dma_wait3A_104 = tpu.memref_squeeze %dma_wait3A_103 : memref<1x128x128xf32, #tpu.memory_space<vmem>> -> memref<128x128xf32, #tpu.memory_space<vmem>>
    %dma_wait3A_105 = arith.constant 0 : i32
    %dma_wait3A_106 = tpu.memref_slice %arg9[%dma_wait3A_100, %dma_wait3A_105] : memref<6x128xi32, #tpu.memory_space<vmem>> -> memref<1x128xi32, #tpu.memory_space<vmem>>
    %dma_wait3A_107 = tpu.memref_squeeze %dma_wait3A_106 : memref<1x128xi32, #tpu.memory_space<vmem>> -> memref<128xi32, #tpu.memory_space<vmem>>
    %dma_wait3A_108 = arith.constant 0 : i32
    %dma_wait3A_109 = arith.constant 0 : i32
    %dma_wait3A_110 = tpu.memref_slice %arg7[%dma_wait3A_108, %dma_wait3A_109] : memref<10000x128xf32, #tpu.memory_space<vmem_shared>> -> memref<10000x128xf32, #tpu.memory_space<vmem_shared>>
    %dma_wait3A_111 = tpu.memref_slice %arg14[%rem3A_99] : memref<3x!tpu.dma_semaphore, #tpu.memory_space<semaphore_mem>> -> memref<1x!tpu.dma_semaphore, #tpu.memory_space<semaphore_mem>>
    %dma_wait3A_112 = tpu.memref_squeeze %dma_wait3A_111 : memref<1x!tpu.dma_semaphore, #tpu.memory_space<semaphore_mem>> -> memref<!tpu.dma_semaphore, #tpu.memory_space<semaphore_mem>>
    tpu.wait_indirect_dma semaphore(%dma_wait3A_112 : memref<!tpu.dma_semaphore, #tpu.memory_space<semaphore_mem>>) src(%dma_wait3A_104 : memref<128x128xf32, #tpu.memory_space<vmem>>) dst(%dma_wait3A_110 : memref<10000x128xf32, #tpu.memory_space<vmem_shared>>)
    %barrier3A_113 = arith.constant 0 : index
    tpu.barrier barrier_id(%barrier3A_113)
    %lt3A_114 = arith.constant 15 : i32
    %lt3A_115 = arith.cmpi slt, %arg1, %lt3A_114 : i32
    %convert_element_type3A_116 = arith.extui %lt3A_115 : i1 to i32
    %cond3A_117 = arith.constant 0 : i32
    %cond3A_118 = arith.cmpi ne, %convert_element_type3A_116, %cond3A_117 : i32
    scf.if %cond3A_118 {
      %mul3A_124 = arith.constant 624 : i32
      %mul3A_125 = arith.muli %arg1, %mul3A_124 : i32
      %mul3A_126 = arith.constant 10000 : i32
      %mul3A_127 = arith.muli %arg0, %mul3A_126 : i32
      %mul3A_128 = arith.constant 624 : i32
      %mul3A_129 = arith.muli %arg1, %mul3A_128 : i32
      %add3A_130 = arith.addi %mul3A_127, %mul3A_129 : i32
      "tpu.region"() ({
        %run_scoped3A = tpu.sem_alloc : memref<!tpu.dma_semaphore, #tpu.memory_space<semaphore_mem>>
        %dma_start3A_131 = arith.constant 0 : i32
        %dma_start3A_132 = tpu.memref_slice %arg6[%add3A_130, %dma_start3A_131] : memref<20000x128xf32, #tpu.memory_space<hbm>> -> memref<624x128xf32, #tpu.memory_space<hbm>>
        %dma_start3A_133 = arith.constant 0 : i32
        %dma_start3A_134 = tpu.memref_slice %arg7[%mul3A_125, %dma_start3A_133] : memref<10000x128xf32, #tpu.memory_space<vmem_shared>> -> memref<624x128xf32, #tpu.memory_space<vmem_shared>>
        tpu.enqueue_dma source(%dma_start3A_134 : memref<624x128xf32, #tpu.memory_space<vmem_shared>>) target(%dma_start3A_132 : memref<624x128xf32, #tpu.memory_space<hbm>>) target_semaphore(%run_scoped3A : memref<!tpu.dma_semaphore, #tpu.memory_space<semaphore_mem>>)
        %dma_wait3A_135 = arith.constant 0 : i32
        %dma_wait3A_136 = tpu.memref_slice %arg6[%add3A_130, %dma_wait3A_135] : memref<20000x128xf32, #tpu.memory_space<hbm>> -> memref<624x128xf32, #tpu.memory_space<hbm>>
        %dma_wait3A_137 = arith.constant 0 : i32
        %dma_wait3A_138 = tpu.memref_slice %arg7[%mul3A_125, %dma_wait3A_137] : memref<10000x128xf32, #tpu.memory_space<vmem_shared>> -> memref<624x128xf32, #tpu.memory_space<vmem_shared>>
        tpu.wait_dma2 semaphore(%run_scoped3A : memref<!tpu.dma_semaphore, #tpu.memory_space<semaphore_mem>>) src(%dma_wait3A_138 : memref<624x128xf32, #tpu.memory_space<vmem_shared>>) dst(%dma_wait3A_136 : memref<624x128xf32, #tpu.memory_space<hbm>>)
        tpu.yield
      }) : () -> ()
    } else {
    }
    %eq3A_119 = arith.constant 15 : i32
    %eq3A_120 = arith.cmpi eq, %arg1, %eq3A_119 : i32
    %convert_element_type3A_121 = arith.extui %eq3A_120 : i1 to i32
    %cond3A_122 = arith.constant 0 : i32
    %cond3A_123 = arith.cmpi ne, %convert_element_type3A_121, %cond3A_122 : i32
    scf.if %cond3A_123 {
      %mul3A_124 = arith.constant 10000 : i32
      %mul3A_125 = arith.muli %arg0, %mul3A_124 : i32
      %add3A_126 = arith.constant 9360 : i32
      %add3A_127 = arith.addi %mul3A_125, %add3A_126 : i32
      "tpu.region"() ({
        %run_scoped3A = tpu.sem_alloc : memref<!tpu.dma_semaphore, #tpu.memory_space<semaphore_mem>>
        %dma_start3A_128 = arith.constant 0 : i32
        %dma_start3A_129 = tpu.memref_slice %arg6[%add3A_127, %dma_start3A_128] : memref<20000x128xf32, #tpu.memory_space<hbm>> -> memref<640x128xf32, #tpu.memory_space<hbm>>
        %dma_start3A_130 = arith.constant 9360 : i32
        %dma_start3A_131 = arith.constant 0 : i32
        %dma_start3A_132 = tpu.memref_slice %arg7[%dma_start3A_130, %dma_start3A_131] : memref<10000x128xf32, #tpu.memory_space<vmem_shared>> -> memref<640x128xf32, #tpu.memory_space<vmem_shared>>
        tpu.enqueue_dma source(%dma_start3A_132 : memref<640x128xf32, #tpu.memory_space<vmem_shared>>) target(%dma_start3A_129 : memref<640x128xf32, #tpu.memory_space<hbm>>) target_semaphore(%run_scoped3A : memref<!tpu.dma_semaphore, #tpu.memory_space<semaphore_mem>>)
        %dma_wait3A_133 = arith.constant 0 : i32
        %dma_wait3A_134 = tpu.memref_slice %arg6[%add3A_127, %dma_wait3A_133] : memref<20000x128xf32, #tpu.memory_space<hbm>> -> memref<640x128xf32, #tpu.memory_space<hbm>>
        %dma_wait3A_135 = arith.constant 9360 : i32
        %dma_wait3A_136 = arith.constant 0 : i32
        %dma_wait3A_137 = tpu.memref_slice %arg7[%dma_wait3A_135, %dma_wait3A_136] : memref<10000x128xf32, #tpu.memory_space<vmem_shared>> -> memref<640x128xf32, #tpu.memory_space<vmem_shared>>
        tpu.wait_dma2 semaphore(%run_scoped3A : memref<!tpu.dma_semaphore, #tpu.memory_space<semaphore_mem>>) src(%dma_wait3A_137 : memref<640x128xf32, #tpu.memory_space<vmem_shared>>) dst(%dma_wait3A_134 : memref<640x128xf32, #tpu.memory_space<hbm>>)
        tpu.yield
      }) : () -> ()
    } else {
    }
    return
  }
}

#map = affine_map<(d0, d1) -> (0, 0)>
#map1 = affine_map<(d0, d1) -> (0)>
module attributes {stable_mosaic.version = 14 : i64} {
  func.func @sc_seg(%arg0: i32, %arg1: i32, %arg2: memref<10000x128xf32, #tpu.memory_space<hbm>>, %arg3: memref<320000xi32, #tpu.memory_space<hbm>>, %arg4: memref<320000xi32, #tpu.memory_space<hbm>>, %arg5: memref<640x128xf32, #tpu.memory_space<hbm>>, %arg6: memref<20000x128xf32, #tpu.memory_space<hbm>>, %arg7: memref<10000x128xf32, #tpu.memory_space<vmem_shared>>, %arg8: memref<3x128xi32, #tpu.memory_space<vmem>>, %arg9: memref<6x128xi32, #tpu.memory_space<vmem>>, %arg10: memref<3x128x128xf32, #tpu.memory_space<vmem>>, %arg11: memref<3x!tpu.dma_semaphore, #tpu.memory_space<semaphore_mem>>, %arg12: memref<3x!tpu.dma_semaphore, #tpu.memory_space<semaphore_mem>>, %arg13: memref<6x!tpu.dma_semaphore, #tpu.memory_space<semaphore_mem>>, %arg14: memref<3x!tpu.dma_semaphore, #tpu.memory_space<semaphore_mem>>) attributes {dimension_semantics = [#tpu.dimension_semantics<core_parallel>, #tpu.dimension_semantics<subcore_parallel>], iteration_bounds = array<i64: 2, 16>, scalar_prefetch = 0 : i64, scratch_operands = 8 : i64, tpu.core_type = #tpu.core_type<sc_vector_subcore>, window_params = [{transform_indices = #map}, {transform_indices = #map1}, {transform_indices = #map1}, {transform_indices = #map}, {transform_indices = #map}]} {
    %lt3A = arith.constant 2 : i32
    %lt3A_0 = arith.cmpi slt, %arg1, %lt3A : i32
    %jit3A = arith.constant 1 : i32
    %jit3A_1 = arith.constant 0 : i32
    %select_n3A = arith.select %lt3A_0, %jit3A, %jit3A_1 : i32
    %add3A = arith.constant 78 : i32
    %add3A_2 = arith.addi %add3A, %select_n3A : i32
    %mul3A = arith.constant 1250 : i32
    %mul3A_3 = arith.muli %arg0, %mul3A : i32
    %mul3A_4 = arith.constant 78 : i32
    %mul3A_5 = arith.muli %arg1, %mul3A_4 : i32
    %add3A_6 = arith.addi %mul3A_3, %mul3A_5 : i32
    %min3A = arith.constant 2 : i32
    %min3A_7 = arith.minsi %arg1, %min3A : i32
    %add3A_8 = arith.addi %add3A_6, %min3A_7 : i32
    %gt3A = arith.constant 0 : i32
    %gt3A_9 = arith.cmpi sgt, %add3A_2, %gt3A : i32
    %convert_element_type3A = arith.extui %gt3A_9 : i1 to i32
    %cond3A = arith.constant 0 : i32
    %cond3A_10 = arith.cmpi ne, %convert_element_type3A, %cond3A : i32
    scf.if %cond3A_10 {
      %add3A_124 = arith.constant 0 : i32
      %add3A_125 = arith.addi %add3A_8, %add3A_124 : i32
      %mul3A_126 = arith.constant 128 : i32
      %mul3A_127 = arith.muli %add3A_125, %mul3A_126 : i32
      %add3A_128 = arith.constant 0 : i32
      %add3A_129 = arith.addi %add3A_8, %add3A_128 : i32
      %mul3A_130 = arith.constant 128 : i32
      %mul3A_131 = arith.muli %add3A_129, %mul3A_130 : i32
      %dma_start3A_132 = arith.constant 0 : i32
      %dma_start3A_133 = arith.constant 0 : i32
      %dma_start3A_134 = arith.constant 0 : i32
      %dma_start3A_135 = tpu.memref_slice %arg8[%dma_start3A_132, %dma_start3A_134] : memref<3x128xi32, #tpu.memory_space<vmem>> -> memref<1x128xi32, #tpu.memory_space<vmem>>
      %dma_start3A_136 = tpu.memref_squeeze %dma_start3A_135 : memref<1x128xi32, #tpu.memory_space<vmem>> -> memref<128xi32, #tpu.memory_space<vmem>>
      %dma_start3A_137 = tpu.memref_slice %arg3[%mul3A_127] : memref<320000xi32, #tpu.memory_space<hbm>> -> memref<128xi32, #tpu.memory_space<hbm>>
      %dma_start3A_138 = tpu.memref_slice %arg12[%dma_start3A_133] : memref<3x!tpu.dma_semaphore, #tpu.memory_space<semaphore_mem>> -> memref<1x!tpu.dma_semaphore, #tpu.memory_space<semaphore_mem>>
      %dma_start3A_139 = tpu.memref_squeeze %dma_start3A_138 : memref<1x!tpu.dma_semaphore, #tpu.memory_space<semaphore_mem>> -> memref<!tpu.dma_semaphore, #tpu.memory_space<semaphore_mem>>
      %dma_start3A_140 = arith.constant 0 : i32
      %dma_start3A_141 = tpu.memref_slice %arg8[%dma_start3A_132, %dma_start3A_140] : memref<3x128xi32, #tpu.memory_space<vmem>> -> memref<1x128xi32, #tpu.memory_space<vmem>>
      %dma_start3A_142 = tpu.memref_squeeze %dma_start3A_141 : memref<1x128xi32, #tpu.memory_space<vmem>> -> memref<128xi32, #tpu.memory_space<vmem>>
      %dma_start3A_143 = tpu.memref_slice %arg3[%mul3A_127] : memref<320000xi32, #tpu.memory_space<hbm>> -> memref<128xi32, #tpu.memory_space<hbm>>
      tpu.enqueue_dma source(%dma_start3A_143 : memref<128xi32, #tpu.memory_space<hbm>>) target(%dma_start3A_142 : memref<128xi32, #tpu.memory_space<vmem>>) target_semaphore(%dma_start3A_139 : memref<!tpu.dma_semaphore, #tpu.memory_space<semaphore_mem>>)
      %dma_start3A_144 = arith.constant 0 : i32
      %dma_start3A_145 = arith.constant 0 : i32
      %dma_start3A_146 = arith.constant 0 : i32
      %dma_start3A_147 = tpu.memref_slice %arg9[%dma_start3A_144, %dma_start3A_146] : memref<6x128xi32, #tpu.memory_space<vmem>> -> memref<1x128xi32, #tpu.memory_space<vmem>>
      %dma_start3A_148 = tpu.memref_squeeze %dma_start3A_147 : memref<1x128xi32, #tpu.memory_space<vmem>> -> memref<128xi32, #tpu.memory_space<vmem>>
      %dma_start3A_149 = tpu.memref_slice %arg4[%mul3A_131] : memref<320000xi32, #tpu.memory_space<hbm>> -> memref<128xi32, #tpu.memory_space<hbm>>
      %dma_start3A_150 = tpu.memref_slice %arg13[%dma_start3A_145] : memref<6x!tpu.dma_semaphore, #tpu.memory_space<semaphore_mem>> -> memref<1x!tpu.dma_semaphore, #tpu.memory_space<semaphore_mem>>
      %dma_start3A_151 = tpu.memref_squeeze %dma_start3A_150 : memref<1x!tpu.dma_semaphore, #tpu.memory_space<semaphore_mem>> -> memref<!tpu.dma_semaphore, #tpu.memory_space<semaphore_mem>>
      %dma_start3A_152 = arith.constant 0 : i32
      %dma_start3A_153 = tpu.memref_slice %arg9[%dma_start3A_144, %dma_start3A_152] : memref<6x128xi32, #tpu.memory_space<vmem>> -> memref<1x128xi32, #tpu.memory_space<vmem>>
      %dma_start3A_154 = tpu.memref_squeeze %dma_start3A_153 : memref<1x128xi32, #tpu.memory_space<vmem>> -> memref<128xi32, #tpu.memory_space<vmem>>
      %dma_start3A_155 = tpu.memref_slice %arg4[%mul3A_131] : memref<320000xi32, #tpu.memory_space<hbm>> -> memref<128xi32, #tpu.memory_space<hbm>>
      tpu.enqueue_dma source(%dma_start3A_155 : memref<128xi32, #tpu.memory_space<hbm>>) target(%dma_start3A_154 : memref<128xi32, #tpu.memory_space<vmem>>) target_semaphore(%dma_start3A_151 : memref<!tpu.dma_semaphore, #tpu.memory_space<semaphore_mem>>)
    } else {
    }
    %gt3A_11 = arith.constant 1 : i32
    %gt3A_12 = arith.cmpi sgt, %add3A_2, %gt3A_11 : i32
    %convert_element_type3A_13 = arith.extui %gt3A_12 : i1 to i32
    %cond3A_14 = arith.constant 0 : i32
    %cond3A_15 = arith.cmpi ne, %convert_element_type3A_13, %cond3A_14 : i32
    scf.if %cond3A_15 {
      %add3A_124 = arith.constant 1 : i32
      %add3A_125 = arith.addi %add3A_8, %add3A_124 : i32
      %mul3A_126 = arith.constant 128 : i32
      %mul3A_127 = arith.muli %add3A_125, %mul3A_126 : i32
      %add3A_128 = arith.constant 1 : i32
      %add3A_129 = arith.addi %add3A_8, %add3A_128 : i32
      %mul3A_130 = arith.constant 128 : i32
      %mul3A_131 = arith.muli %add3A_129, %mul3A_130 : i32
      %dma_start3A_132 = arith.constant 1 : i32
      %dma_start3A_133 = arith.constant 1 : i32
      %dma_start3A_134 = arith.constant 0 : i32
      %dma_start3A_135 = tpu.memref_slice %arg8[%dma_start3A_132, %dma_start3A_134] : memref<3x128xi32, #tpu.memory_space<vmem>> -> memref<1x128xi32, #tpu.memory_space<vmem>>
      %dma_start3A_136 = tpu.memref_squeeze %dma_start3A_135 : memref<1x128xi32, #tpu.memory_space<vmem>> -> memref<128xi32, #tpu.memory_space<vmem>>
      %dma_start3A_137 = tpu.memref_slice %arg3[%mul3A_127] : memref<320000xi32, #tpu.memory_space<hbm>> -> memref<128xi32, #tpu.memory_space<hbm>>
      %dma_start3A_138 = tpu.memref_slice %arg12[%dma_start3A_133] : memref<3x!tpu.dma_semaphore, #tpu.memory_space<semaphore_mem>> -> memref<1x!tpu.dma_semaphore, #tpu.memory_space<semaphore_mem>>
      %dma_start3A_139 = tpu.memref_squeeze %dma_start3A_138 : memref<1x!tpu.dma_semaphore, #tpu.memory_space<semaphore_mem>> -> memref<!tpu.dma_semaphore, #tpu.memory_space<semaphore_mem>>
      %dma_start3A_140 = arith.constant 0 : i32
      %dma_start3A_141 = tpu.memref_slice %arg8[%dma_start3A_132, %dma_start3A_140] : memref<3x128xi32, #tpu.memory_space<vmem>> -> memref<1x128xi32, #tpu.memory_space<vmem>>
      %dma_start3A_142 = tpu.memref_squeeze %dma_start3A_141 : memref<1x128xi32, #tpu.memory_space<vmem>> -> memref<128xi32, #tpu.memory_space<vmem>>
      %dma_start3A_143 = tpu.memref_slice %arg3[%mul3A_127] : memref<320000xi32, #tpu.memory_space<hbm>> -> memref<128xi32, #tpu.memory_space<hbm>>
      tpu.enqueue_dma source(%dma_start3A_143 : memref<128xi32, #tpu.memory_space<hbm>>) target(%dma_start3A_142 : memref<128xi32, #tpu.memory_space<vmem>>) target_semaphore(%dma_start3A_139 : memref<!tpu.dma_semaphore, #tpu.memory_space<semaphore_mem>>)
      %dma_start3A_144 = arith.constant 1 : i32
      %dma_start3A_145 = arith.constant 1 : i32
      %dma_start3A_146 = arith.constant 0 : i32
      %dma_start3A_147 = tpu.memref_slice %arg9[%dma_start3A_144, %dma_start3A_146] : memref<6x128xi32, #tpu.memory_space<vmem>> -> memref<1x128xi32, #tpu.memory_space<vmem>>
      %dma_start3A_148 = tpu.memref_squeeze %dma_start3A_147 : memref<1x128xi32, #tpu.memory_space<vmem>> -> memref<128xi32, #tpu.memory_space<vmem>>
      %dma_start3A_149 = tpu.memref_slice %arg4[%mul3A_131] : memref<320000xi32, #tpu.memory_space<hbm>> -> memref<128xi32, #tpu.memory_space<hbm>>
      %dma_start3A_150 = tpu.memref_slice %arg13[%dma_start3A_145] : memref<6x!tpu.dma_semaphore, #tpu.memory_space<semaphore_mem>> -> memref<1x!tpu.dma_semaphore, #tpu.memory_space<semaphore_mem>>
      %dma_start3A_151 = tpu.memref_squeeze %dma_start3A_150 : memref<1x!tpu.dma_semaphore, #tpu.memory_space<semaphore_mem>> -> memref<!tpu.dma_semaphore, #tpu.memory_space<semaphore_mem>>
      %dma_start3A_152 = arith.constant 0 : i32
      %dma_start3A_153 = tpu.memref_slice %arg9[%dma_start3A_144, %dma_start3A_152] : memref<6x128xi32, #tpu.memory_space<vmem>> -> memref<1x128xi32, #tpu.memory_space<vmem>>
      %dma_start3A_154 = tpu.memref_squeeze %dma_start3A_153 : memref<1x128xi32, #tpu.memory_space<vmem>> -> memref<128xi32, #tpu.memory_space<vmem>>
      %dma_start3A_155 = tpu.memref_slice %arg4[%mul3A_131] : memref<320000xi32, #tpu.memory_space<hbm>> -> memref<128xi32, #tpu.memory_space<hbm>>
      tpu.enqueue_dma source(%dma_start3A_155 : memref<128xi32, #tpu.memory_space<hbm>>) target(%dma_start3A_154 : memref<128xi32, #tpu.memory_space<vmem>>) target_semaphore(%dma_start3A_151 : memref<!tpu.dma_semaphore, #tpu.memory_space<semaphore_mem>>)
    } else {
    }
    %gt3A_16 = arith.constant 2 : i32
    %gt3A_17 = arith.cmpi sgt, %add3A_2, %gt3A_16 : i32
    %convert_element_type3A_18 = arith.extui %gt3A_17 : i1 to i32
    %cond3A_19 = arith.constant 0 : i32
    %cond3A_20 = arith.cmpi ne, %convert_element_type3A_18, %cond3A_19 : i32
    scf.if %cond3A_20 {
      %add3A_124 = arith.constant 2 : i32
      %add3A_125 = arith.addi %add3A_8, %add3A_124 : i32
      %mul3A_126 = arith.constant 128 : i32
      %mul3A_127 = arith.muli %add3A_125, %mul3A_126 : i32
      %add3A_128 = arith.constant 2 : i32
      %add3A_129 = arith.addi %add3A_8, %add3A_128 : i32
      %mul3A_130 = arith.constant 128 : i32
      %mul3A_131 = arith.muli %add3A_129, %mul3A_130 : i32
      %dma_start3A_132 = arith.constant 2 : i32
      %dma_start3A_133 = arith.constant 2 : i32
      %dma_start3A_134 = arith.constant 0 : i32
      %dma_start3A_135 = tpu.memref_slice %arg8[%dma_start3A_132, %dma_start3A_134] : memref<3x128xi32, #tpu.memory_space<vmem>> -> memref<1x128xi32, #tpu.memory_space<vmem>>
      %dma_start3A_136 = tpu.memref_squeeze %dma_start3A_135 : memref<1x128xi32, #tpu.memory_space<vmem>> -> memref<128xi32, #tpu.memory_space<vmem>>
      %dma_start3A_137 = tpu.memref_slice %arg3[%mul3A_127] : memref<320000xi32, #tpu.memory_space<hbm>> -> memref<128xi32, #tpu.memory_space<hbm>>
      %dma_start3A_138 = tpu.memref_slice %arg12[%dma_start3A_133] : memref<3x!tpu.dma_semaphore, #tpu.memory_space<semaphore_mem>> -> memref<1x!tpu.dma_semaphore, #tpu.memory_space<semaphore_mem>>
      %dma_start3A_139 = tpu.memref_squeeze %dma_start3A_138 : memref<1x!tpu.dma_semaphore, #tpu.memory_space<semaphore_mem>> -> memref<!tpu.dma_semaphore, #tpu.memory_space<semaphore_mem>>
      %dma_start3A_140 = arith.constant 0 : i32
      %dma_start3A_141 = tpu.memref_slice %arg8[%dma_start3A_132, %dma_start3A_140] : memref<3x128xi32, #tpu.memory_space<vmem>> -> memref<1x128xi32, #tpu.memory_space<vmem>>
      %dma_start3A_142 = tpu.memref_squeeze %dma_start3A_141 : memref<1x128xi32, #tpu.memory_space<vmem>> -> memref<128xi32, #tpu.memory_space<vmem>>
      %dma_start3A_143 = tpu.memref_slice %arg3[%mul3A_127] : memref<320000xi32, #tpu.memory_space<hbm>> -> memref<128xi32, #tpu.memory_space<hbm>>
      tpu.enqueue_dma source(%dma_start3A_143 : memref<128xi32, #tpu.memory_space<hbm>>) target(%dma_start3A_142 : memref<128xi32, #tpu.memory_space<vmem>>) target_semaphore(%dma_start3A_139 : memref<!tpu.dma_semaphore, #tpu.memory_space<semaphore_mem>>)
      %dma_start3A_144 = arith.constant 2 : i32
      %dma_start3A_145 = arith.constant 2 : i32
      %dma_start3A_146 = arith.constant 0 : i32
      %dma_start3A_147 = tpu.memref_slice %arg9[%dma_start3A_144, %dma_start3A_146] : memref<6x128xi32, #tpu.memory_space<vmem>> -> memref<1x128xi32, #tpu.memory_space<vmem>>
      %dma_start3A_148 = tpu.memref_squeeze %dma_start3A_147 : memref<1x128xi32, #tpu.memory_space<vmem>> -> memref<128xi32, #tpu.memory_space<vmem>>
      %dma_start3A_149 = tpu.memref_slice %arg4[%mul3A_131] : memref<320000xi32, #tpu.memory_space<hbm>> -> memref<128xi32, #tpu.memory_space<hbm>>
      %dma_start3A_150 = tpu.memref_slice %arg13[%dma_start3A_145] : memref<6x!tpu.dma_semaphore, #tpu.memory_space<semaphore_mem>> -> memref<1x!tpu.dma_semaphore, #tpu.memory_space<semaphore_mem>>
      %dma_start3A_151 = tpu.memref_squeeze %dma_start3A_150 : memref<1x!tpu.dma_semaphore, #tpu.memory_space<semaphore_mem>> -> memref<!tpu.dma_semaphore, #tpu.memory_space<semaphore_mem>>
      %dma_start3A_152 = arith.constant 0 : i32
      %dma_start3A_153 = tpu.memref_slice %arg9[%dma_start3A_144, %dma_start3A_152] : memref<6x128xi32, #tpu.memory_space<vmem>> -> memref<1x128xi32, #tpu.memory_space<vmem>>
      %dma_start3A_154 = tpu.memref_squeeze %dma_start3A_153 : memref<1x128xi32, #tpu.memory_space<vmem>> -> memref<128xi32, #tpu.memory_space<vmem>>
      %dma_start3A_155 = tpu.memref_slice %arg4[%mul3A_131] : memref<320000xi32, #tpu.memory_space<hbm>> -> memref<128xi32, #tpu.memory_space<hbm>>
      tpu.enqueue_dma source(%dma_start3A_155 : memref<128xi32, #tpu.memory_space<hbm>>) target(%dma_start3A_154 : memref<128xi32, #tpu.memory_space<vmem>>) target_semaphore(%dma_start3A_151 : memref<!tpu.dma_semaphore, #tpu.memory_space<semaphore_mem>>)
    } else {
    }
    %lt3A_21 = arith.constant 15 : i32
    %lt3A_22 = arith.cmpi slt, %arg1, %lt3A_21 : i32
    %convert_element_type3A_23 = arith.extui %lt3A_22 : i1 to i32
    %cond3A_24 = arith.constant 0 : i32
    %cond3A_25 = arith.cmpi ne, %convert_element_type3A_23, %cond3A_24 : i32
    scf.if %cond3A_25 {
      %mul3A_124 = arith.constant 624 : i32
      %mul3A_125 = arith.muli %arg1, %mul3A_124 : i32
      "tpu.region"() ({
        %run_scoped3A = tpu.sem_alloc : memref<!tpu.dma_semaphore, #tpu.memory_space<semaphore_mem>>
        %dma_start3A_126 = arith.constant 0 : i32
        %dma_start3A_127 = tpu.memref_slice %arg7[%mul3A_125, %dma_start3A_126] : memref<10000x128xf32, #tpu.memory_space<vmem_shared>> -> memref<624x128xf32, #tpu.memory_space<vmem_shared>>
        %dma_start3A_128 = arith.constant 0 : i32
        %dma_start3A_129 = arith.constant 0 : i32
        %dma_start3A_130 = tpu.memref_slice %arg5[%dma_start3A_128, %dma_start3A_129] : memref<640x128xf32, #tpu.memory_space<hbm>> -> memref<624x128xf32, #tpu.memory_space<hbm>>
        tpu.enqueue_dma source(%dma_start3A_130 : memref<624x128xf32, #tpu.memory_space<hbm>>) target(%dma_start3A_127 : memref<624x128xf32, #tpu.memory_space<vmem_shared>>) target_semaphore(%run_scoped3A : memref<!tpu.dma_semaphore, #tpu.memory_space<semaphore_mem>>)
        %dma_wait3A_131 = arith.constant 0 : i32
        %dma_wait3A_132 = tpu.memref_slice %arg7[%mul3A_125, %dma_wait3A_131] : memref<10000x128xf32, #tpu.memory_space<vmem_shared>> -> memref<624x128xf32, #tpu.memory_space<vmem_shared>>
        %dma_wait3A_133 = arith.constant 0 : i32
        %dma_wait3A_134 = arith.constant 0 : i32
        %dma_wait3A_135 = tpu.memref_slice %arg5[%dma_wait3A_133, %dma_wait3A_134] : memref<640x128xf32, #tpu.memory_space<hbm>> -> memref<624x128xf32, #tpu.memory_space<hbm>>
        tpu.wait_dma2 semaphore(%run_scoped3A : memref<!tpu.dma_semaphore, #tpu.memory_space<semaphore_mem>>) src(%dma_wait3A_135 : memref<624x128xf32, #tpu.memory_space<hbm>>) dst(%dma_wait3A_132 : memref<624x128xf32, #tpu.memory_space<vmem_shared>>)
        tpu.yield
      }) : () -> ()
    } else {
    }
    %eq3A = arith.constant 15 : i32
    %eq3A_26 = arith.cmpi eq, %arg1, %eq3A : i32
    %convert_element_type3A_27 = arith.extui %eq3A_26 : i1 to i32
    %cond3A_28 = arith.constant 0 : i32
    %cond3A_29 = arith.cmpi ne, %convert_element_type3A_27, %cond3A_28 : i32
    scf.if %cond3A_29 {
      "tpu.region"() ({
        %run_scoped3A = tpu.sem_alloc : memref<!tpu.dma_semaphore, #tpu.memory_space<semaphore_mem>>
        %dma_start3A_124 = arith.constant 9360 : i32
        %dma_start3A_125 = arith.constant 0 : i32
        %dma_start3A_126 = tpu.memref_slice %arg7[%dma_start3A_124, %dma_start3A_125] : memref<10000x128xf32, #tpu.memory_space<vmem_shared>> -> memref<640x128xf32, #tpu.memory_space<vmem_shared>>
        tpu.enqueue_dma source(%arg5 : memref<640x128xf32, #tpu.memory_space<hbm>>) target(%dma_start3A_126 : memref<640x128xf32, #tpu.memory_space<vmem_shared>>) target_semaphore(%run_scoped3A : memref<!tpu.dma_semaphore, #tpu.memory_space<semaphore_mem>>)
        %dma_wait3A_127 = arith.constant 9360 : i32
        %dma_wait3A_128 = arith.constant 0 : i32
        %dma_wait3A_129 = tpu.memref_slice %arg7[%dma_wait3A_127, %dma_wait3A_128] : memref<10000x128xf32, #tpu.memory_space<vmem_shared>> -> memref<640x128xf32, #tpu.memory_space<vmem_shared>>
        tpu.wait_dma2 semaphore(%run_scoped3A : memref<!tpu.dma_semaphore, #tpu.memory_space<semaphore_mem>>) src(%arg5 : memref<640x128xf32, #tpu.memory_space<hbm>>) dst(%dma_wait3A_129 : memref<640x128xf32, #tpu.memory_space<vmem_shared>>)
        tpu.yield
      }) : () -> ()
    } else {
    }
    %barrier3A = arith.constant 0 : index
    tpu.barrier barrier_id(%barrier3A)
    %add3A_30 = arith.constant 0 : i32
    %add3A_31 = arith.addi %add3A_8, %add3A_30 : i32
    %mul3A_32 = arith.constant 128 : i32
    %mul3A_33 = arith.muli %add3A_31, %mul3A_32 : i32
    %add3A_34 = arith.constant 0 : i32
    %add3A_35 = arith.addi %add3A_8, %add3A_34 : i32
    %mul3A_36 = arith.constant 128 : i32
    %mul3A_37 = arith.muli %add3A_35, %mul3A_36 : i32
    %dma_wait3A = arith.constant 0 : i32
    %dma_wait3A_38 = arith.constant 0 : i32
    %dma_wait3A_39 = arith.constant 0 : i32
    %dma_wait3A_40 = tpu.memref_slice %arg8[%dma_wait3A, %dma_wait3A_39] : memref<3x128xi32, #tpu.memory_space<vmem>> -> memref<1x128xi32, #tpu.memory_space<vmem>>
    %dma_wait3A_41 = tpu.memref_squeeze %dma_wait3A_40 : memref<1x128xi32, #tpu.memory_space<vmem>> -> memref<128xi32, #tpu.memory_space<vmem>>
    %dma_wait3A_42 = tpu.memref_slice %arg3[%mul3A_33] : memref<320000xi32, #tpu.memory_space<hbm>> -> memref<128xi32, #tpu.memory_space<hbm>>
    %dma_wait3A_43 = tpu.memref_slice %arg12[%dma_wait3A_38] : memref<3x!tpu.dma_semaphore, #tpu.memory_space<semaphore_mem>> -> memref<1x!tpu.dma_semaphore, #tpu.memory_space<semaphore_mem>>
    %dma_wait3A_44 = tpu.memref_squeeze %dma_wait3A_43 : memref<1x!tpu.dma_semaphore, #tpu.memory_space<semaphore_mem>> -> memref<!tpu.dma_semaphore, #tpu.memory_space<semaphore_mem>>
    %dma_wait3A_45 = arith.constant 0 : i32
    %dma_wait3A_46 = tpu.memref_slice %arg8[%dma_wait3A, %dma_wait3A_45] : memref<3x128xi32, #tpu.memory_space<vmem>> -> memref<1x128xi32, #tpu.memory_space<vmem>>
    %dma_wait3A_47 = tpu.memref_squeeze %dma_wait3A_46 : memref<1x128xi32, #tpu.memory_space<vmem>> -> memref<128xi32, #tpu.memory_space<vmem>>
    %dma_wait3A_48 = tpu.memref_slice %arg3[%mul3A_33] : memref<320000xi32, #tpu.memory_space<hbm>> -> memref<128xi32, #tpu.memory_space<hbm>>
    tpu.wait_dma2 semaphore(%dma_wait3A_44 : memref<!tpu.dma_semaphore, #tpu.memory_space<semaphore_mem>>) src(%dma_wait3A_48 : memref<128xi32, #tpu.memory_space<hbm>>) dst(%dma_wait3A_47 : memref<128xi32, #tpu.memory_space<vmem>>)
    %dma_wait3A_49 = arith.constant 0 : i32
    %dma_wait3A_50 = arith.constant 0 : i32
    %dma_wait3A_51 = arith.constant 0 : i32
    %dma_wait3A_52 = tpu.memref_slice %arg9[%dma_wait3A_49, %dma_wait3A_51] : memref<6x128xi32, #tpu.memory_space<vmem>> -> memref<1x128xi32, #tpu.memory_space<vmem>>
    %dma_wait3A_53 = tpu.memref_squeeze %dma_wait3A_52 : memref<1x128xi32, #tpu.memory_space<vmem>> -> memref<128xi32, #tpu.memory_space<vmem>>
    %dma_wait3A_54 = tpu.memref_slice %arg4[%mul3A_37] : memref<320000xi32, #tpu.memory_space<hbm>> -> memref<128xi32, #tpu.memory_space<hbm>>
    %dma_wait3A_55 = tpu.memref_slice %arg13[%dma_wait3A_50] : memref<6x!tpu.dma_semaphore, #tpu.memory_space<semaphore_mem>> -> memref<1x!tpu.dma_semaphore, #tpu.memory_space<semaphore_mem>>
    %dma_wait3A_56 = tpu.memref_squeeze %dma_wait3A_55 : memref<1x!tpu.dma_semaphore, #tpu.memory_space<semaphore_mem>> -> memref<!tpu.dma_semaphore, #tpu.memory_space<semaphore_mem>>
    %dma_wait3A_57 = arith.constant 0 : i32
    %dma_wait3A_58 = tpu.memref_slice %arg9[%dma_wait3A_49, %dma_wait3A_57] : memref<6x128xi32, #tpu.memory_space<vmem>> -> memref<1x128xi32, #tpu.memory_space<vmem>>
    %dma_wait3A_59 = tpu.memref_squeeze %dma_wait3A_58 : memref<1x128xi32, #tpu.memory_space<vmem>> -> memref<128xi32, #tpu.memory_space<vmem>>
    %dma_wait3A_60 = tpu.memref_slice %arg4[%mul3A_37] : memref<320000xi32, #tpu.memory_space<hbm>> -> memref<128xi32, #tpu.memory_space<hbm>>
    tpu.wait_dma2 semaphore(%dma_wait3A_56 : memref<!tpu.dma_semaphore, #tpu.memory_space<semaphore_mem>>) src(%dma_wait3A_60 : memref<128xi32, #tpu.memory_space<hbm>>) dst(%dma_wait3A_59 : memref<128xi32, #tpu.memory_space<vmem>>)
    %dma_start3A = arith.constant 0 : i32
    %dma_start3A_61 = arith.constant 0 : i32
    %dma_start3A_62 = arith.constant 0 : i32
    %dma_start3A_63 = arith.constant 0 : i32
    %dma_start3A_64 = arith.constant 0 : i32
    %dma_start3A_65 = tpu.memref_slice %arg10[%dma_start3A_61, %dma_start3A_63, %dma_start3A_64] : memref<3x128x128xf32, #tpu.memory_space<vmem>> -> memref<1x128x128xf32, #tpu.memory_space<vmem>>
    %dma_start3A_66 = tpu.memref_squeeze %dma_start3A_65 : memref<1x128x128xf32, #tpu.memory_space<vmem>> -> memref<128x128xf32, #tpu.memory_space<vmem>>
    %dma_start3A_67 = arith.constant 0 : i32
    %dma_start3A_68 = tpu.memref_slice %arg8[%dma_start3A, %dma_start3A_67] : memref<3x128xi32, #tpu.memory_space<vmem>> -> memref<1x128xi32, #tpu.memory_space<vmem>>
    %dma_start3A_69 = tpu.memref_squeeze %dma_start3A_68 : memref<1x128xi32, #tpu.memory_space<vmem>> -> memref<128xi32, #tpu.memory_space<vmem>>
    %dma_start3A_70 = arith.constant 0 : i32
    %dma_start3A_71 = arith.constant 0 : i32
    %dma_start3A_72 = tpu.memref_slice %arg2[%dma_start3A_70, %dma_start3A_71] : memref<10000x128xf32, #tpu.memory_space<hbm>> -> memref<10000x128xf32, #tpu.memory_space<hbm>>
    %dma_start3A_73 = tpu.memref_slice %arg11[%dma_start3A_62] : memref<3x!tpu.dma_semaphore, #tpu.memory_space<semaphore_mem>> -> memref<1x!tpu.dma_semaphore, #tpu.memory_space<semaphore_mem>>
    %dma_start3A_74 = tpu.memref_squeeze %dma_start3A_73 : memref<1x!tpu.dma_semaphore, #tpu.memory_space<semaphore_mem>> -> memref<!tpu.dma_semaphore, #tpu.memory_space<semaphore_mem>>
    tpu.enqueue_indirect_dma source(%dma_start3A_72 : memref<10000x128xf32, #tpu.memory_space<hbm>>) target(%dma_start3A_66 : memref<128x128xf32, #tpu.memory_space<vmem>>) offsets(%dma_start3A_69 : memref<128xi32, #tpu.memory_space<vmem>>) semaphore(%dma_start3A_74 : memref<!tpu.dma_semaphore, #tpu.memory_space<semaphore_mem>>)
    %gt3A_75 = arith.constant 1 : i32
    %gt3A_76 = arith.cmpi sgt, %add3A_2, %gt3A_75 : i32
    %convert_element_type3A_77 = arith.extui %gt3A_76 : i1 to i32
    %cond3A_78 = arith.constant 0 : i32
    %cond3A_79 = arith.cmpi ne, %convert_element_type3A_77, %cond3A_78 : i32
    scf.if %cond3A_79 {
      %add3A_124 = arith.constant 1 : i32
      %add3A_125 = arith.addi %add3A_8, %add3A_124 : i32
      %mul3A_126 = arith.constant 128 : i32
      %mul3A_127 = arith.muli %add3A_125, %mul3A_126 : i32
      %add3A_128 = arith.constant 1 : i32
      %add3A_129 = arith.addi %add3A_8, %add3A_128 : i32
      %mul3A_130 = arith.constant 128 : i32
      %mul3A_131 = arith.muli %add3A_129, %mul3A_130 : i32
      %dma_wait3A_132 = arith.constant 1 : i32
      %dma_wait3A_133 = arith.constant 1 : i32
      %dma_wait3A_134 = arith.constant 0 : i32
      %dma_wait3A_135 = tpu.memref_slice %arg8[%dma_wait3A_132, %dma_wait3A_134] : memref<3x128xi32, #tpu.memory_space<vmem>> -> memref<1x128xi32, #tpu.memory_space<vmem>>
      %dma_wait3A_136 = tpu.memref_squeeze %dma_wait3A_135 : memref<1x128xi32, #tpu.memory_space<vmem>> -> memref<128xi32, #tpu.memory_space<vmem>>
      %dma_wait3A_137 = tpu.memref_slice %arg3[%mul3A_127] : memref<320000xi32, #tpu.memory_space<hbm>> -> memref<128xi32, #tpu.memory_space<hbm>>
      %dma_wait3A_138 = tpu.memref_slice %arg12[%dma_wait3A_133] : memref<3x!tpu.dma_semaphore, #tpu.memory_space<semaphore_mem>> -> memref<1x!tpu.dma_semaphore, #tpu.memory_space<semaphore_mem>>
      %dma_wait3A_139 = tpu.memref_squeeze %dma_wait3A_138 : memref<1x!tpu.dma_semaphore, #tpu.memory_space<semaphore_mem>> -> memref<!tpu.dma_semaphore, #tpu.memory_space<semaphore_mem>>
      %dma_wait3A_140 = arith.constant 0 : i32
      %dma_wait3A_141 = tpu.memref_slice %arg8[%dma_wait3A_132, %dma_wait3A_140] : memref<3x128xi32, #tpu.memory_space<vmem>> -> memref<1x128xi32, #tpu.memory_space<vmem>>
      %dma_wait3A_142 = tpu.memref_squeeze %dma_wait3A_141 : memref<1x128xi32, #tpu.memory_space<vmem>> -> memref<128xi32, #tpu.memory_space<vmem>>
      %dma_wait3A_143 = tpu.memref_slice %arg3[%mul3A_127] : memref<320000xi32, #tpu.memory_space<hbm>> -> memref<128xi32, #tpu.memory_space<hbm>>
      tpu.wait_dma2 semaphore(%dma_wait3A_139 : memref<!tpu.dma_semaphore, #tpu.memory_space<semaphore_mem>>) src(%dma_wait3A_143 : memref<128xi32, #tpu.memory_space<hbm>>) dst(%dma_wait3A_142 : memref<128xi32, #tpu.memory_space<vmem>>)
      %dma_wait3A_144 = arith.constant 1 : i32
      %dma_wait3A_145 = arith.constant 1 : i32
      %dma_wait3A_146 = arith.constant 0 : i32
      %dma_wait3A_147 = tpu.memref_slice %arg9[%dma_wait3A_144, %dma_wait3A_146] : memref<6x128xi32, #tpu.memory_space<vmem>> -> memref<1x128xi32, #tpu.memory_space<vmem>>
      %dma_wait3A_148 = tpu.memref_squeeze %dma_wait3A_147 : memref<1x128xi32, #tpu.memory_space<vmem>> -> memref<128xi32, #tpu.memory_space<vmem>>
      %dma_wait3A_149 = tpu.memref_slice %arg4[%mul3A_131] : memref<320000xi32, #tpu.memory_space<hbm>> -> memref<128xi32, #tpu.memory_space<hbm>>
      %dma_wait3A_150 = tpu.memref_slice %arg13[%dma_wait3A_145] : memref<6x!tpu.dma_semaphore, #tpu.memory_space<semaphore_mem>> -> memref<1x!tpu.dma_semaphore, #tpu.memory_space<semaphore_mem>>
      %dma_wait3A_151 = tpu.memref_squeeze %dma_wait3A_150 : memref<1x!tpu.dma_semaphore, #tpu.memory_space<semaphore_mem>> -> memref<!tpu.dma_semaphore, #tpu.memory_space<semaphore_mem>>
      %dma_wait3A_152 = arith.constant 0 : i32
      %dma_wait3A_153 = tpu.memref_slice %arg9[%dma_wait3A_144, %dma_wait3A_152] : memref<6x128xi32, #tpu.memory_space<vmem>> -> memref<1x128xi32, #tpu.memory_space<vmem>>
      %dma_wait3A_154 = tpu.memref_squeeze %dma_wait3A_153 : memref<1x128xi32, #tpu.memory_space<vmem>> -> memref<128xi32, #tpu.memory_space<vmem>>
      %dma_wait3A_155 = tpu.memref_slice %arg4[%mul3A_131] : memref<320000xi32, #tpu.memory_space<hbm>> -> memref<128xi32, #tpu.memory_space<hbm>>
      tpu.wait_dma2 semaphore(%dma_wait3A_151 : memref<!tpu.dma_semaphore, #tpu.memory_space<semaphore_mem>>) src(%dma_wait3A_155 : memref<128xi32, #tpu.memory_space<hbm>>) dst(%dma_wait3A_154 : memref<128xi32, #tpu.memory_space<vmem>>)
      %dma_start3A_156 = arith.constant 1 : i32
      %dma_start3A_157 = arith.constant 1 : i32
      %dma_start3A_158 = arith.constant 1 : i32
      %dma_start3A_159 = arith.constant 0 : i32
      %dma_start3A_160 = arith.constant 0 : i32
      %dma_start3A_161 = tpu.memref_slice %arg10[%dma_start3A_157, %dma_start3A_159, %dma_start3A_160] : memref<3x128x128xf32, #tpu.memory_space<vmem>> -> memref<1x128x128xf32, #tpu.memory_space<vmem>>
      %dma_start3A_162 = tpu.memref_squeeze %dma_start3A_161 : memref<1x128x128xf32, #tpu.memory_space<vmem>> -> memref<128x128xf32, #tpu.memory_space<vmem>>
      %dma_start3A_163 = arith.constant 0 : i32
      %dma_start3A_164 = tpu.memref_slice %arg8[%dma_start3A_156, %dma_start3A_163] : memref<3x128xi32, #tpu.memory_space<vmem>> -> memref<1x128xi32, #tpu.memory_space<vmem>>
      %dma_start3A_165 = tpu.memref_squeeze %dma_start3A_164 : memref<1x128xi32, #tpu.memory_space<vmem>> -> memref<128xi32, #tpu.memory_space<vmem>>
      %dma_start3A_166 = arith.constant 0 : i32
      %dma_start3A_167 = arith.constant 0 : i32
      %dma_start3A_168 = tpu.memref_slice %arg2[%dma_start3A_166, %dma_start3A_167] : memref<10000x128xf32, #tpu.memory_space<hbm>> -> memref<10000x128xf32, #tpu.memory_space<hbm>>
      %dma_start3A_169 = tpu.memref_slice %arg11[%dma_start3A_158] : memref<3x!tpu.dma_semaphore, #tpu.memory_space<semaphore_mem>> -> memref<1x!tpu.dma_semaphore, #tpu.memory_space<semaphore_mem>>
      %dma_start3A_170 = tpu.memref_squeeze %dma_start3A_169 : memref<1x!tpu.dma_semaphore, #tpu.memory_space<semaphore_mem>> -> memref<!tpu.dma_semaphore, #tpu.memory_space<semaphore_mem>>
      tpu.enqueue_indirect_dma source(%dma_start3A_168 : memref<10000x128xf32, #tpu.memory_space<hbm>>) target(%dma_start3A_162 : memref<128x128xf32, #tpu.memory_space<vmem>>) offsets(%dma_start3A_165 : memref<128xi32, #tpu.memory_space<vmem>>) semaphore(%dma_start3A_170 : memref<!tpu.dma_semaphore, #tpu.memory_space<semaphore_mem>>)
    } else {
    }
    %while3A = arith.constant 0 : i32
    %while3A_80 = arith.constant 0 : i32
    %while3A_81 = arith.subi %add3A_2, %while3A_80 : i32
    %while3A_82 = arith.addi %while3A_80, %while3A_81 : i32
    %while3A_83 = arith.constant 1 : i32
    %while3A_84 = arith.divsi %while3A_81, %while3A_83 : i32
    %while3A_85 = arith.muli %while3A_84, %while3A_83 : i32
    %while3A_86 = arith.addi %while3A_80, %while3A_85 : i32
    %while3A_87 = arith.constant 1 : i32
    scf.for %while3A_124 = %while3A_80 to %while3A_86 step %while3A_87  : i32 {
      %rem3A_125 = arith.constant 3 : i32
      %rem3A_126 = arith.remsi %while3A_124, %rem3A_125 : i32
      %rem3A_127 = arith.constant 6 : i32
      %rem3A_128 = arith.remsi %while3A_124, %rem3A_127 : i32
      %dma_wait3A_129 = arith.constant 0 : i32
      %dma_wait3A_130 = arith.constant 0 : i32
      %dma_wait3A_131 = tpu.memref_slice %arg10[%rem3A_126, %dma_wait3A_129, %dma_wait3A_130] : memref<3x128x128xf32, #tpu.memory_space<vmem>> -> memref<1x128x128xf32, #tpu.memory_space<vmem>>
      %dma_wait3A_132 = tpu.memref_squeeze %dma_wait3A_131 : memref<1x128x128xf32, #tpu.memory_space<vmem>> -> memref<128x128xf32, #tpu.memory_space<vmem>>
      %dma_wait3A_133 = arith.constant 0 : i32
      %dma_wait3A_134 = tpu.memref_slice %arg8[%rem3A_126, %dma_wait3A_133] : memref<3x128xi32, #tpu.memory_space<vmem>> -> memref<1x128xi32, #tpu.memory_space<vmem>>
      %dma_wait3A_135 = tpu.memref_squeeze %dma_wait3A_134 : memref<1x128xi32, #tpu.memory_space<vmem>> -> memref<128xi32, #tpu.memory_space<vmem>>
      %dma_wait3A_136 = arith.constant 0 : i32
      %dma_wait3A_137 = arith.constant 0 : i32
      %dma_wait3A_138 = tpu.memref_slice %arg2[%dma_wait3A_136, %dma_wait3A_137] : memref<10000x128xf32, #tpu.memory_space<hbm>> -> memref<10000x128xf32, #tpu.memory_space<hbm>>
      %dma_wait3A_139 = tpu.memref_slice %arg11[%rem3A_126] : memref<3x!tpu.dma_semaphore, #tpu.memory_space<semaphore_mem>> -> memref<1x!tpu.dma_semaphore, #tpu.memory_space<semaphore_mem>>
      %dma_wait3A_140 = tpu.memref_squeeze %dma_wait3A_139 : memref<1x!tpu.dma_semaphore, #tpu.memory_space<semaphore_mem>> -> memref<!tpu.dma_semaphore, #tpu.memory_space<semaphore_mem>>
      tpu.wait_indirect_dma semaphore(%dma_wait3A_140 : memref<!tpu.dma_semaphore, #tpu.memory_space<semaphore_mem>>) src(%dma_wait3A_138 : memref<10000x128xf32, #tpu.memory_space<hbm>>) dst(%dma_wait3A_132 : memref<128x128xf32, #tpu.memory_space<vmem>>)
      %dma_start3A_141 = arith.constant 0 : i32
      %dma_start3A_142 = arith.constant 0 : i32
      %dma_start3A_143 = tpu.memref_slice %arg10[%rem3A_126, %dma_start3A_141, %dma_start3A_142] : memref<3x128x128xf32, #tpu.memory_space<vmem>> -> memref<1x128x128xf32, #tpu.memory_space<vmem>>
      %dma_start3A_144 = tpu.memref_squeeze %dma_start3A_143 : memref<1x128x128xf32, #tpu.memory_space<vmem>> -> memref<128x128xf32, #tpu.memory_space<vmem>>
      %dma_start3A_145 = arith.constant 0 : i32
      %dma_start3A_146 = tpu.memref_slice %arg9[%rem3A_128, %dma_start3A_145] : memref<6x128xi32, #tpu.memory_space<vmem>> -> memref<1x128xi32, #tpu.memory_space<vmem>>
      %dma_start3A_147 = tpu.memref_squeeze %dma_start3A_146 : memref<1x128xi32, #tpu.memory_space<vmem>> -> memref<128xi32, #tpu.memory_space<vmem>>
      %dma_start3A_148 = arith.constant 0 : i32
      %dma_start3A_149 = arith.constant 0 : i32
      %dma_start3A_150 = tpu.memref_slice %arg7[%dma_start3A_148, %dma_start3A_149] : memref<10000x128xf32, #tpu.memory_space<vmem_shared>> -> memref<10000x128xf32, #tpu.memory_space<vmem_shared>>
      %dma_start3A_151 = tpu.memref_slice %arg14[%rem3A_126] : memref<3x!tpu.dma_semaphore, #tpu.memory_space<semaphore_mem>> -> memref<1x!tpu.dma_semaphore, #tpu.memory_space<semaphore_mem>>
      %dma_start3A_152 = tpu.memref_squeeze %dma_start3A_151 : memref<1x!tpu.dma_semaphore, #tpu.memory_space<semaphore_mem>> -> memref<!tpu.dma_semaphore, #tpu.memory_space<semaphore_mem>>
      tpu.enqueue_indirect_dma source(%dma_start3A_144 : memref<128x128xf32, #tpu.memory_space<vmem>>) target(%dma_start3A_150 : memref<10000x128xf32, #tpu.memory_space<vmem_shared>>) offsets(%dma_start3A_147 : memref<128xi32, #tpu.memory_space<vmem>>) semaphore(%dma_start3A_152 : memref<!tpu.dma_semaphore, #tpu.memory_space<semaphore_mem>>) {add = true}
      %add3A_153 = arith.constant 2 : i32
      %add3A_154 = arith.addi %while3A_124, %add3A_153 : i32
      %lt3A_155 = arith.cmpi slt, %add3A_154, %add3A_2 : i32
      %convert_element_type3A_156 = arith.extui %lt3A_155 : i1 to i32
      %cond3A_157 = arith.constant 0 : i32
      %cond3A_158 = arith.cmpi ne, %convert_element_type3A_156, %cond3A_157 : i32
      scf.if %cond3A_158 {
        %add3A_165 = arith.constant 2 : i32
        %add3A_166 = arith.addi %while3A_124, %add3A_165 : i32
        %rem3A_167 = arith.constant 3 : i32
        %rem3A_168 = arith.remsi %add3A_166, %rem3A_167 : i32
        %ge3A_169 = arith.constant 1 : i32
        %ge3A_170 = arith.cmpi sge, %while3A_124, %ge3A_169 : i32
        %convert_element_type3A_171 = arith.extui %ge3A_170 : i1 to i32
        %cond3A_172 = arith.constant 0 : i32
        %cond3A_173 = arith.cmpi ne, %convert_element_type3A_171, %cond3A_172 : i32
        scf.if %cond3A_173 {
          %dma_wait3A_218 = arith.constant 0 : i32
          %dma_wait3A_219 = arith.constant 0 : i32
          %dma_wait3A_220 = arith.constant 0 : i32
          %dma_wait3A_221 = tpu.memref_slice %arg10[%rem3A_168, %dma_wait3A_219, %dma_wait3A_220] : memref<3x128x128xf32, #tpu.memory_space<vmem>> -> memref<1x128x128xf32, #tpu.memory_space<vmem>>
          %dma_wait3A_222 = tpu.memref_squeeze %dma_wait3A_221 : memref<1x128x128xf32, #tpu.memory_space<vmem>> -> memref<128x128xf32, #tpu.memory_space<vmem>>
          %dma_wait3A_223 = arith.constant 0 : i32
          %dma_wait3A_224 = tpu.memref_slice %arg9[%dma_wait3A_218, %dma_wait3A_223] : memref<6x128xi32, #tpu.memory_space<vmem>> -> memref<1x128xi32, #tpu.memory_space<vmem>>
          %dma_wait3A_225 = tpu.memref_squeeze %dma_wait3A_224 : memref<1x128xi32, #tpu.memory_space<vmem>> -> memref<128xi32, #tpu.memory_space<vmem>>
          %dma_wait3A_226 = arith.constant 0 : i32
          %dma_wait3A_227 = arith.constant 0 : i32
          %dma_wait3A_228 = tpu.memref_slice %arg7[%dma_wait3A_226, %dma_wait3A_227] : memref<10000x128xf32, #tpu.memory_space<vmem_shared>> -> memref<10000x128xf32, #tpu.memory_space<vmem_shared>>
          %dma_wait3A_229 = tpu.memref_slice %arg14[%rem3A_168] : memref<3x!tpu.dma_semaphore, #tpu.memory_space<semaphore_mem>> -> memref<1x!tpu.dma_semaphore, #tpu.memory_space<semaphore_mem>>
          %dma_wait3A_230 = tpu.memref_squeeze %dma_wait3A_229 : memref<1x!tpu.dma_semaphore, #tpu.memory_space<semaphore_mem>> -> memref<!tpu.dma_semaphore, #tpu.memory_space<semaphore_mem>>
          tpu.wait_indirect_dma semaphore(%dma_wait3A_230 : memref<!tpu.dma_semaphore, #tpu.memory_space<semaphore_mem>>) src(%dma_wait3A_222 : memref<128x128xf32, #tpu.memory_space<vmem>>) dst(%dma_wait3A_228 : memref<10000x128xf32, #tpu.memory_space<vmem_shared>>)
        } else {
        }
        %add3A_174 = arith.constant 2 : i32
        %add3A_175 = arith.addi %while3A_124, %add3A_174 : i32
        %add3A_176 = arith.constant 2 : i32
        %add3A_177 = arith.addi %while3A_124, %add3A_176 : i32
        %rem3A_178 = arith.constant 6 : i32
        %rem3A_179 = arith.remsi %add3A_177, %rem3A_178 : i32
        %add3A_180 = arith.addi %add3A_8, %add3A_175 : i32
        %mul3A_181 = arith.constant 128 : i32
        %mul3A_182 = arith.muli %add3A_180, %mul3A_181 : i32
        %add3A_183 = arith.addi %add3A_8, %add3A_175 : i32
        %mul3A_184 = arith.constant 128 : i32
        %mul3A_185 = arith.muli %add3A_183, %mul3A_184 : i32
        %dma_wait3A_186 = arith.constant 0 : i32
        %dma_wait3A_187 = tpu.memref_slice %arg8[%rem3A_168, %dma_wait3A_186] : memref<3x128xi32, #tpu.memory_space<vmem>> -> memref<1x128xi32, #tpu.memory_space<vmem>>
        %dma_wait3A_188 = tpu.memref_squeeze %dma_wait3A_187 : memref<1x128xi32, #tpu.memory_space<vmem>> -> memref<128xi32, #tpu.memory_space<vmem>>
        %dma_wait3A_189 = tpu.memref_slice %arg3[%mul3A_182] : memref<320000xi32, #tpu.memory_space<hbm>> -> memref<128xi32, #tpu.memory_space<hbm>>
        %dma_wait3A_190 = tpu.memref_slice %arg12[%rem3A_168] : memref<3x!tpu.dma_semaphore, #tpu.memory_space<semaphore_mem>> -> memref<1x!tpu.dma_semaphore, #tpu.memory_space<semaphore_mem>>
        %dma_wait3A_191 = tpu.memref_squeeze %dma_wait3A_190 : memref<1x!tpu.dma_semaphore, #tpu.memory_space<semaphore_mem>> -> memref<!tpu.dma_semaphore, #tpu.memory_space<semaphore_mem>>
        %dma_wait3A_192 = arith.constant 0 : i32
        %dma_wait3A_193 = tpu.memref_slice %arg8[%rem3A_168, %dma_wait3A_192] : memref<3x128xi32, #tpu.memory_space<vmem>> -> memref<1x128xi32, #tpu.memory_space<vmem>>
        %dma_wait3A_194 = tpu.memref_squeeze %dma_wait3A_193 : memref<1x128xi32, #tpu.memory_space<vmem>> -> memref<128xi32, #tpu.memory_space<vmem>>
        %dma_wait3A_195 = tpu.memref_slice %arg3[%mul3A_182] : memref<320000xi32, #tpu.memory_space<hbm>> -> memref<128xi32, #tpu.memory_space<hbm>>
        tpu.wait_dma2 semaphore(%dma_wait3A_191 : memref<!tpu.dma_semaphore, #tpu.memory_space<semaphore_mem>>) src(%dma_wait3A_195 : memref<128xi32, #tpu.memory_space<hbm>>) dst(%dma_wait3A_194 : memref<128xi32, #tpu.memory_space<vmem>>)
        %dma_wait3A_196 = arith.constant 0 : i32
        %dma_wait3A_197 = tpu.memref_slice %arg9[%rem3A_179, %dma_wait3A_196] : memref<6x128xi32, #tpu.memory_space<vmem>> -> memref<1x128xi32, #tpu.memory_space<vmem>>
        %dma_wait3A_198 = tpu.memref_squeeze %dma_wait3A_197 : memref<1x128xi32, #tpu.memory_space<vmem>> -> memref<128xi32, #tpu.memory_space<vmem>>
        %dma_wait3A_199 = tpu.memref_slice %arg4[%mul3A_185] : memref<320000xi32, #tpu.memory_space<hbm>> -> memref<128xi32, #tpu.memory_space<hbm>>
        %dma_wait3A_200 = tpu.memref_slice %arg13[%rem3A_179] : memref<6x!tpu.dma_semaphore, #tpu.memory_space<semaphore_mem>> -> memref<1x!tpu.dma_semaphore, #tpu.memory_space<semaphore_mem>>
        %dma_wait3A_201 = tpu.memref_squeeze %dma_wait3A_200 : memref<1x!tpu.dma_semaphore, #tpu.memory_space<semaphore_mem>> -> memref<!tpu.dma_semaphore, #tpu.memory_space<semaphore_mem>>
        %dma_wait3A_202 = arith.constant 0 : i32
        %dma_wait3A_203 = tpu.memref_slice %arg9[%rem3A_179, %dma_wait3A_202] : memref<6x128xi32, #tpu.memory_space<vmem>> -> memref<1x128xi32, #tpu.memory_space<vmem>>
        %dma_wait3A_204 = tpu.memref_squeeze %dma_wait3A_203 : memref<1x128xi32, #tpu.memory_space<vmem>> -> memref<128xi32, #tpu.memory_space<vmem>>
        %dma_wait3A_205 = tpu.memref_slice %arg4[%mul3A_185] : memref<320000xi32, #tpu.memory_space<hbm>> -> memref<128xi32, #tpu.memory_space<hbm>>
        tpu.wait_dma2 semaphore(%dma_wait3A_201 : memref<!tpu.dma_semaphore, #tpu.memory_space<semaphore_mem>>) src(%dma_wait3A_205 : memref<128xi32, #tpu.memory_space<hbm>>) dst(%dma_wait3A_204 : memref<128xi32, #tpu.memory_space<vmem>>)
        %dma_start3A_206 = arith.constant 0 : i32
        %dma_start3A_207 = arith.constant 0 : i32
        %dma_start3A_208 = tpu.memref_slice %arg10[%rem3A_168, %dma_start3A_206, %dma_start3A_207] : memref<3x128x128xf32, #tpu.memory_space<vmem>> -> memref<1x128x128xf32, #tpu.memory_space<vmem>>
        %dma_start3A_209 = tpu.memref_squeeze %dma_start3A_208 : memref<1x128x128xf32, #tpu.memory_space<vmem>> -> memref<128x128xf32, #tpu.memory_space<vmem>>
        %dma_start3A_210 = arith.constant 0 : i32
        %dma_start3A_211 = tpu.memref_slice %arg8[%rem3A_168, %dma_start3A_210] : memref<3x128xi32, #tpu.memory_space<vmem>> -> memref<1x128xi32, #tpu.memory_space<vmem>>
        %dma_start3A_212 = tpu.memref_squeeze %dma_start3A_211 : memref<1x128xi32, #tpu.memory_space<vmem>> -> memref<128xi32, #tpu.memory_space<vmem>>
        %dma_start3A_213 = arith.constant 0 : i32
        %dma_start3A_214 = arith.constant 0 : i32
        %dma_start3A_215 = tpu.memref_slice %arg2[%dma_start3A_213, %dma_start3A_214] : memref<10000x128xf32, #tpu.memory_space<hbm>> -> memref<10000x128xf32, #tpu.memory_space<hbm>>
        %dma_start3A_216 = tpu.memref_slice %arg11[%rem3A_168] : memref<3x!tpu.dma_semaphore, #tpu.memory_space<semaphore_mem>> -> memref<1x!tpu.dma_semaphore, #tpu.memory_space<semaphore_mem>>
        %dma_start3A_217 = tpu.memref_squeeze %dma_start3A_216 : memref<1x!tpu.dma_semaphore, #tpu.memory_space<semaphore_mem>> -> memref<!tpu.dma_semaphore, #tpu.memory_space<semaphore_mem>>
        tpu.enqueue_indirect_dma source(%dma_start3A_215 : memref<10000x128xf32, #tpu.memory_space<hbm>>) target(%dma_start3A_209 : memref<128x128xf32, #tpu.memory_space<vmem>>) offsets(%dma_start3A_212 : memref<128xi32, #tpu.memory_space<vmem>>) semaphore(%dma_start3A_217 : memref<!tpu.dma_semaphore, #tpu.memory_space<semaphore_mem>>)
      } else {
      }
      %add3A_159 = arith.constant 3 : i32
      %add3A_160 = arith.addi %while3A_124, %add3A_159 : i32
      %lt3A_161 = arith.cmpi slt, %add3A_160, %add3A_2 : i32
      %convert_element_type3A_162 = arith.extui %lt3A_161 : i1 to i32
      %cond3A_163 = arith.constant 0 : i32
      %cond3A_164 = arith.cmpi ne, %convert_element_type3A_162, %cond3A_163 : i32
      scf.if %cond3A_164 {
        %add3A_165 = arith.constant 3 : i32
        %add3A_166 = arith.addi %while3A_124, %add3A_165 : i32
        %add3A_167 = arith.constant 3 : i32
        %add3A_168 = arith.addi %while3A_124, %add3A_167 : i32
        %rem3A_169 = arith.constant 6 : i32
        %rem3A_170 = arith.remsi %add3A_168, %rem3A_169 : i32
        %add3A_171 = arith.addi %add3A_8, %add3A_166 : i32
        %mul3A_172 = arith.constant 128 : i32
        %mul3A_173 = arith.muli %add3A_171, %mul3A_172 : i32
        %add3A_174 = arith.addi %add3A_8, %add3A_166 : i32
        %mul3A_175 = arith.constant 128 : i32
        %mul3A_176 = arith.muli %add3A_174, %mul3A_175 : i32
        %dma_start3A_177 = arith.constant 0 : i32
        %dma_start3A_178 = tpu.memref_slice %arg8[%rem3A_126, %dma_start3A_177] : memref<3x128xi32, #tpu.memory_space<vmem>> -> memref<1x128xi32, #tpu.memory_space<vmem>>
        %dma_start3A_179 = tpu.memref_squeeze %dma_start3A_178 : memref<1x128xi32, #tpu.memory_space<vmem>> -> memref<128xi32, #tpu.memory_space<vmem>>
        %dma_start3A_180 = tpu.memref_slice %arg3[%mul3A_173] : memref<320000xi32, #tpu.memory_space<hbm>> -> memref<128xi32, #tpu.memory_space<hbm>>
        %dma_start3A_181 = tpu.memref_slice %arg12[%rem3A_126] : memref<3x!tpu.dma_semaphore, #tpu.memory_space<semaphore_mem>> -> memref<1x!tpu.dma_semaphore, #tpu.memory_space<semaphore_mem>>
        %dma_start3A_182 = tpu.memref_squeeze %dma_start3A_181 : memref<1x!tpu.dma_semaphore, #tpu.memory_space<semaphore_mem>> -> memref<!tpu.dma_semaphore, #tpu.memory_space<semaphore_mem>>
        %dma_start3A_183 = arith.constant 0 : i32
        %dma_start3A_184 = tpu.memref_slice %arg8[%rem3A_126, %dma_start3A_183] : memref<3x128xi32, #tpu.memory_space<vmem>> -> memref<1x128xi32, #tpu.memory_space<vmem>>
        %dma_start3A_185 = tpu.memref_squeeze %dma_start3A_184 : memref<1x128xi32, #tpu.memory_space<vmem>> -> memref<128xi32, #tpu.memory_space<vmem>>
        %dma_start3A_186 = tpu.memref_slice %arg3[%mul3A_173] : memref<320000xi32, #tpu.memory_space<hbm>> -> memref<128xi32, #tpu.memory_space<hbm>>
        tpu.enqueue_dma source(%dma_start3A_186 : memref<128xi32, #tpu.memory_space<hbm>>) target(%dma_start3A_185 : memref<128xi32, #tpu.memory_space<vmem>>) target_semaphore(%dma_start3A_182 : memref<!tpu.dma_semaphore, #tpu.memory_space<semaphore_mem>>)
        %dma_start3A_187 = arith.constant 0 : i32
        %dma_start3A_188 = tpu.memref_slice %arg9[%rem3A_170, %dma_start3A_187] : memref<6x128xi32, #tpu.memory_space<vmem>> -> memref<1x128xi32, #tpu.memory_space<vmem>>
        %dma_start3A_189 = tpu.memref_squeeze %dma_start3A_188 : memref<1x128xi32, #tpu.memory_space<vmem>> -> memref<128xi32, #tpu.memory_space<vmem>>
        %dma_start3A_190 = tpu.memref_slice %arg4[%mul3A_176] : memref<320000xi32, #tpu.memory_space<hbm>> -> memref<128xi32, #tpu.memory_space<hbm>>
        %dma_start3A_191 = tpu.memref_slice %arg13[%rem3A_170] : memref<6x!tpu.dma_semaphore, #tpu.memory_space<semaphore_mem>> -> memref<1x!tpu.dma_semaphore, #tpu.memory_space<semaphore_mem>>
        %dma_start3A_192 = tpu.memref_squeeze %dma_start3A_191 : memref<1x!tpu.dma_semaphore, #tpu.memory_space<semaphore_mem>> -> memref<!tpu.dma_semaphore, #tpu.memory_space<semaphore_mem>>
        %dma_start3A_193 = arith.constant 0 : i32
        %dma_start3A_194 = tpu.memref_slice %arg9[%rem3A_170, %dma_start3A_193] : memref<6x128xi32, #tpu.memory_space<vmem>> -> memref<1x128xi32, #tpu.memory_space<vmem>>
        %dma_start3A_195 = tpu.memref_squeeze %dma_start3A_194 : memref<1x128xi32, #tpu.memory_space<vmem>> -> memref<128xi32, #tpu.memory_space<vmem>>
        %dma_start3A_196 = tpu.memref_slice %arg4[%mul3A_176] : memref<320000xi32, #tpu.memory_space<hbm>> -> memref<128xi32, #tpu.memory_space<hbm>>
        tpu.enqueue_dma source(%dma_start3A_196 : memref<128xi32, #tpu.memory_space<hbm>>) target(%dma_start3A_195 : memref<128xi32, #tpu.memory_space<vmem>>) target_semaphore(%dma_start3A_192 : memref<!tpu.dma_semaphore, #tpu.memory_space<semaphore_mem>>)
      } else {
      }
    }
    %while3A_88 = arith.constant 1 : i32
    scf.for %while3A_124 = %while3A_86 to %while3A_82 step %while3A_88  : i32 {
      %rem3A_125 = arith.constant 3 : i32
      %rem3A_126 = arith.remsi %while3A_124, %rem3A_125 : i32
      %rem3A_127 = arith.constant 6 : i32
      %rem3A_128 = arith.remsi %while3A_124, %rem3A_127 : i32
      %dma_wait3A_129 = arith.constant 0 : i32
      %dma_wait3A_130 = arith.constant 0 : i32
      %dma_wait3A_131 = tpu.memref_slice %arg10[%rem3A_126, %dma_wait3A_129, %dma_wait3A_130] : memref<3x128x128xf32, #tpu.memory_space<vmem>> -> memref<1x128x128xf32, #tpu.memory_space<vmem>>
      %dma_wait3A_132 = tpu.memref_squeeze %dma_wait3A_131 : memref<1x128x128xf32, #tpu.memory_space<vmem>> -> memref<128x128xf32, #tpu.memory_space<vmem>>
      %dma_wait3A_133 = arith.constant 0 : i32
      %dma_wait3A_134 = tpu.memref_slice %arg8[%rem3A_126, %dma_wait3A_133] : memref<3x128xi32, #tpu.memory_space<vmem>> -> memref<1x128xi32, #tpu.memory_space<vmem>>
      %dma_wait3A_135 = tpu.memref_squeeze %dma_wait3A_134 : memref<1x128xi32, #tpu.memory_space<vmem>> -> memref<128xi32, #tpu.memory_space<vmem>>
      %dma_wait3A_136 = arith.constant 0 : i32
      %dma_wait3A_137 = arith.constant 0 : i32
      %dma_wait3A_138 = tpu.memref_slice %arg2[%dma_wait3A_136, %dma_wait3A_137] : memref<10000x128xf32, #tpu.memory_space<hbm>> -> memref<10000x128xf32, #tpu.memory_space<hbm>>
      %dma_wait3A_139 = tpu.memref_slice %arg11[%rem3A_126] : memref<3x!tpu.dma_semaphore, #tpu.memory_space<semaphore_mem>> -> memref<1x!tpu.dma_semaphore, #tpu.memory_space<semaphore_mem>>
      %dma_wait3A_140 = tpu.memref_squeeze %dma_wait3A_139 : memref<1x!tpu.dma_semaphore, #tpu.memory_space<semaphore_mem>> -> memref<!tpu.dma_semaphore, #tpu.memory_space<semaphore_mem>>
      tpu.wait_indirect_dma semaphore(%dma_wait3A_140 : memref<!tpu.dma_semaphore, #tpu.memory_space<semaphore_mem>>) src(%dma_wait3A_138 : memref<10000x128xf32, #tpu.memory_space<hbm>>) dst(%dma_wait3A_132 : memref<128x128xf32, #tpu.memory_space<vmem>>)
      %dma_start3A_141 = arith.constant 0 : i32
      %dma_start3A_142 = arith.constant 0 : i32
      %dma_start3A_143 = tpu.memref_slice %arg10[%rem3A_126, %dma_start3A_141, %dma_start3A_142] : memref<3x128x128xf32, #tpu.memory_space<vmem>> -> memref<1x128x128xf32, #tpu.memory_space<vmem>>
      %dma_start3A_144 = tpu.memref_squeeze %dma_start3A_143 : memref<1x128x128xf32, #tpu.memory_space<vmem>> -> memref<128x128xf32, #tpu.memory_space<vmem>>
      %dma_start3A_145 = arith.constant 0 : i32
      %dma_start3A_146 = tpu.memref_slice %arg9[%rem3A_128, %dma_start3A_145] : memref<6x128xi32, #tpu.memory_space<vmem>> -> memref<1x128xi32, #tpu.memory_space<vmem>>
      %dma_start3A_147 = tpu.memref_squeeze %dma_start3A_146 : memref<1x128xi32, #tpu.memory_space<vmem>> -> memref<128xi32, #tpu.memory_space<vmem>>
      %dma_start3A_148 = arith.constant 0 : i32
      %dma_start3A_149 = arith.constant 0 : i32
      %dma_start3A_150 = tpu.memref_slice %arg7[%dma_start3A_148, %dma_start3A_149] : memref<10000x128xf32, #tpu.memory_space<vmem_shared>> -> memref<10000x128xf32, #tpu.memory_space<vmem_shared>>
      %dma_start3A_151 = tpu.memref_slice %arg14[%rem3A_126] : memref<3x!tpu.dma_semaphore, #tpu.memory_space<semaphore_mem>> -> memref<1x!tpu.dma_semaphore, #tpu.memory_space<semaphore_mem>>
      %dma_start3A_152 = tpu.memref_squeeze %dma_start3A_151 : memref<1x!tpu.dma_semaphore, #tpu.memory_space<semaphore_mem>> -> memref<!tpu.dma_semaphore, #tpu.memory_space<semaphore_mem>>
      tpu.enqueue_indirect_dma source(%dma_start3A_144 : memref<128x128xf32, #tpu.memory_space<vmem>>) target(%dma_start3A_150 : memref<10000x128xf32, #tpu.memory_space<vmem_shared>>) offsets(%dma_start3A_147 : memref<128xi32, #tpu.memory_space<vmem>>) semaphore(%dma_start3A_152 : memref<!tpu.dma_semaphore, #tpu.memory_space<semaphore_mem>>) {add = true}
      %add3A_153 = arith.constant 2 : i32
      %add3A_154 = arith.addi %while3A_124, %add3A_153 : i32
      %lt3A_155 = arith.cmpi slt, %add3A_154, %add3A_2 : i32
      %convert_element_type3A_156 = arith.extui %lt3A_155 : i1 to i32
      %cond3A_157 = arith.constant 0 : i32
      %cond3A_158 = arith.cmpi ne, %convert_element_type3A_156, %cond3A_157 : i32
      scf.if %cond3A_158 {
        %add3A_165 = arith.constant 2 : i32
        %add3A_166 = arith.addi %while3A_124, %add3A_165 : i32
        %rem3A_167 = arith.constant 3 : i32
        %rem3A_168 = arith.remsi %add3A_166, %rem3A_167 : i32
        %ge3A_169 = arith.constant 1 : i32
        %ge3A_170 = arith.cmpi sge, %while3A_124, %ge3A_169 : i32
        %convert_element_type3A_171 = arith.extui %ge3A_170 : i1 to i32
        %cond3A_172 = arith.constant 0 : i32
        %cond3A_173 = arith.cmpi ne, %convert_element_type3A_171, %cond3A_172 : i32
        scf.if %cond3A_173 {
          %dma_wait3A_218 = arith.constant 0 : i32
          %dma_wait3A_219 = arith.constant 0 : i32
          %dma_wait3A_220 = arith.constant 0 : i32
          %dma_wait3A_221 = tpu.memref_slice %arg10[%rem3A_168, %dma_wait3A_219, %dma_wait3A_220] : memref<3x128x128xf32, #tpu.memory_space<vmem>> -> memref<1x128x128xf32, #tpu.memory_space<vmem>>
          %dma_wait3A_222 = tpu.memref_squeeze %dma_wait3A_221 : memref<1x128x128xf32, #tpu.memory_space<vmem>> -> memref<128x128xf32, #tpu.memory_space<vmem>>
          %dma_wait3A_223 = arith.constant 0 : i32
          %dma_wait3A_224 = tpu.memref_slice %arg9[%dma_wait3A_218, %dma_wait3A_223] : memref<6x128xi32, #tpu.memory_space<vmem>> -> memref<1x128xi32, #tpu.memory_space<vmem>>
          %dma_wait3A_225 = tpu.memref_squeeze %dma_wait3A_224 : memref<1x128xi32, #tpu.memory_space<vmem>> -> memref<128xi32, #tpu.memory_space<vmem>>
          %dma_wait3A_226 = arith.constant 0 : i32
          %dma_wait3A_227 = arith.constant 0 : i32
          %dma_wait3A_228 = tpu.memref_slice %arg7[%dma_wait3A_226, %dma_wait3A_227] : memref<10000x128xf32, #tpu.memory_space<vmem_shared>> -> memref<10000x128xf32, #tpu.memory_space<vmem_shared>>
          %dma_wait3A_229 = tpu.memref_slice %arg14[%rem3A_168] : memref<3x!tpu.dma_semaphore, #tpu.memory_space<semaphore_mem>> -> memref<1x!tpu.dma_semaphore, #tpu.memory_space<semaphore_mem>>
          %dma_wait3A_230 = tpu.memref_squeeze %dma_wait3A_229 : memref<1x!tpu.dma_semaphore, #tpu.memory_space<semaphore_mem>> -> memref<!tpu.dma_semaphore, #tpu.memory_space<semaphore_mem>>
          tpu.wait_indirect_dma semaphore(%dma_wait3A_230 : memref<!tpu.dma_semaphore, #tpu.memory_space<semaphore_mem>>) src(%dma_wait3A_222 : memref<128x128xf32, #tpu.memory_space<vmem>>) dst(%dma_wait3A_228 : memref<10000x128xf32, #tpu.memory_space<vmem_shared>>)
        } else {
        }
        %add3A_174 = arith.constant 2 : i32
        %add3A_175 = arith.addi %while3A_124, %add3A_174 : i32
        %add3A_176 = arith.constant 2 : i32
        %add3A_177 = arith.addi %while3A_124, %add3A_176 : i32
        %rem3A_178 = arith.constant 6 : i32
        %rem3A_179 = arith.remsi %add3A_177, %rem3A_178 : i32
        %add3A_180 = arith.addi %add3A_8, %add3A_175 : i32
        %mul3A_181 = arith.constant 128 : i32
        %mul3A_182 = arith.muli %add3A_180, %mul3A_181 : i32
        %add3A_183 = arith.addi %add3A_8, %add3A_175 : i32
        %mul3A_184 = arith.constant 128 : i32
        %mul3A_185 = arith.muli %add3A_183, %mul3A_184 : i32
        %dma_wait3A_186 = arith.constant 0 : i32
        %dma_wait3A_187 = tpu.memref_slice %arg8[%rem3A_168, %dma_wait3A_186] : memref<3x128xi32, #tpu.memory_space<vmem>> -> memref<1x128xi32, #tpu.memory_space<vmem>>
        %dma_wait3A_188 = tpu.memref_squeeze %dma_wait3A_187 : memref<1x128xi32, #tpu.memory_space<vmem>> -> memref<128xi32, #tpu.memory_space<vmem>>
        %dma_wait3A_189 = tpu.memref_slice %arg3[%mul3A_182] : memref<320000xi32, #tpu.memory_space<hbm>> -> memref<128xi32, #tpu.memory_space<hbm>>
        %dma_wait3A_190 = tpu.memref_slice %arg12[%rem3A_168] : memref<3x!tpu.dma_semaphore, #tpu.memory_space<semaphore_mem>> -> memref<1x!tpu.dma_semaphore, #tpu.memory_space<semaphore_mem>>
        %dma_wait3A_191 = tpu.memref_squeeze %dma_wait3A_190 : memref<1x!tpu.dma_semaphore, #tpu.memory_space<semaphore_mem>> -> memref<!tpu.dma_semaphore, #tpu.memory_space<semaphore_mem>>
        %dma_wait3A_192 = arith.constant 0 : i32
        %dma_wait3A_193 = tpu.memref_slice %arg8[%rem3A_168, %dma_wait3A_192] : memref<3x128xi32, #tpu.memory_space<vmem>> -> memref<1x128xi32, #tpu.memory_space<vmem>>
        %dma_wait3A_194 = tpu.memref_squeeze %dma_wait3A_193 : memref<1x128xi32, #tpu.memory_space<vmem>> -> memref<128xi32, #tpu.memory_space<vmem>>
        %dma_wait3A_195 = tpu.memref_slice %arg3[%mul3A_182] : memref<320000xi32, #tpu.memory_space<hbm>> -> memref<128xi32, #tpu.memory_space<hbm>>
        tpu.wait_dma2 semaphore(%dma_wait3A_191 : memref<!tpu.dma_semaphore, #tpu.memory_space<semaphore_mem>>) src(%dma_wait3A_195 : memref<128xi32, #tpu.memory_space<hbm>>) dst(%dma_wait3A_194 : memref<128xi32, #tpu.memory_space<vmem>>)
        %dma_wait3A_196 = arith.constant 0 : i32
        %dma_wait3A_197 = tpu.memref_slice %arg9[%rem3A_179, %dma_wait3A_196] : memref<6x128xi32, #tpu.memory_space<vmem>> -> memref<1x128xi32, #tpu.memory_space<vmem>>
        %dma_wait3A_198 = tpu.memref_squeeze %dma_wait3A_197 : memref<1x128xi32, #tpu.memory_space<vmem>> -> memref<128xi32, #tpu.memory_space<vmem>>
        %dma_wait3A_199 = tpu.memref_slice %arg4[%mul3A_185] : memref<320000xi32, #tpu.memory_space<hbm>> -> memref<128xi32, #tpu.memory_space<hbm>>
        %dma_wait3A_200 = tpu.memref_slice %arg13[%rem3A_179] : memref<6x!tpu.dma_semaphore, #tpu.memory_space<semaphore_mem>> -> memref<1x!tpu.dma_semaphore, #tpu.memory_space<semaphore_mem>>
        %dma_wait3A_201 = tpu.memref_squeeze %dma_wait3A_200 : memref<1x!tpu.dma_semaphore, #tpu.memory_space<semaphore_mem>> -> memref<!tpu.dma_semaphore, #tpu.memory_space<semaphore_mem>>
        %dma_wait3A_202 = arith.constant 0 : i32
        %dma_wait3A_203 = tpu.memref_slice %arg9[%rem3A_179, %dma_wait3A_202] : memref<6x128xi32, #tpu.memory_space<vmem>> -> memref<1x128xi32, #tpu.memory_space<vmem>>
        %dma_wait3A_204 = tpu.memref_squeeze %dma_wait3A_203 : memref<1x128xi32, #tpu.memory_space<vmem>> -> memref<128xi32, #tpu.memory_space<vmem>>
        %dma_wait3A_205 = tpu.memref_slice %arg4[%mul3A_185] : memref<320000xi32, #tpu.memory_space<hbm>> -> memref<128xi32, #tpu.memory_space<hbm>>
        tpu.wait_dma2 semaphore(%dma_wait3A_201 : memref<!tpu.dma_semaphore, #tpu.memory_space<semaphore_mem>>) src(%dma_wait3A_205 : memref<128xi32, #tpu.memory_space<hbm>>) dst(%dma_wait3A_204 : memref<128xi32, #tpu.memory_space<vmem>>)
        %dma_start3A_206 = arith.constant 0 : i32
        %dma_start3A_207 = arith.constant 0 : i32
        %dma_start3A_208 = tpu.memref_slice %arg10[%rem3A_168, %dma_start3A_206, %dma_start3A_207] : memref<3x128x128xf32, #tpu.memory_space<vmem>> -> memref<1x128x128xf32, #tpu.memory_space<vmem>>
        %dma_start3A_209 = tpu.memref_squeeze %dma_start3A_208 : memref<1x128x128xf32, #tpu.memory_space<vmem>> -> memref<128x128xf32, #tpu.memory_space<vmem>>
        %dma_start3A_210 = arith.constant 0 : i32
        %dma_start3A_211 = tpu.memref_slice %arg8[%rem3A_168, %dma_start3A_210] : memref<3x128xi32, #tpu.memory_space<vmem>> -> memref<1x128xi32, #tpu.memory_space<vmem>>
        %dma_start3A_212 = tpu.memref_squeeze %dma_start3A_211 : memref<1x128xi32, #tpu.memory_space<vmem>> -> memref<128xi32, #tpu.memory_space<vmem>>
        %dma_start3A_213 = arith.constant 0 : i32
        %dma_start3A_214 = arith.constant 0 : i32
        %dma_start3A_215 = tpu.memref_slice %arg2[%dma_start3A_213, %dma_start3A_214] : memref<10000x128xf32, #tpu.memory_space<hbm>> -> memref<10000x128xf32, #tpu.memory_space<hbm>>
        %dma_start3A_216 = tpu.memref_slice %arg11[%rem3A_168] : memref<3x!tpu.dma_semaphore, #tpu.memory_space<semaphore_mem>> -> memref<1x!tpu.dma_semaphore, #tpu.memory_space<semaphore_mem>>
        %dma_start3A_217 = tpu.memref_squeeze %dma_start3A_216 : memref<1x!tpu.dma_semaphore, #tpu.memory_space<semaphore_mem>> -> memref<!tpu.dma_semaphore, #tpu.memory_space<semaphore_mem>>
        tpu.enqueue_indirect_dma source(%dma_start3A_215 : memref<10000x128xf32, #tpu.memory_space<hbm>>) target(%dma_start3A_209 : memref<128x128xf32, #tpu.memory_space<vmem>>) offsets(%dma_start3A_212 : memref<128xi32, #tpu.memory_space<vmem>>) semaphore(%dma_start3A_217 : memref<!tpu.dma_semaphore, #tpu.memory_space<semaphore_mem>>)
      } else {
      }
      %add3A_159 = arith.constant 3 : i32
      %add3A_160 = arith.addi %while3A_124, %add3A_159 : i32
      %lt3A_161 = arith.cmpi slt, %add3A_160, %add3A_2 : i32
      %convert_element_type3A_162 = arith.extui %lt3A_161 : i1 to i32
      %cond3A_163 = arith.constant 0 : i32
      %cond3A_164 = arith.cmpi ne, %convert_element_type3A_162, %cond3A_163 : i32
      scf.if %cond3A_164 {
        %add3A_165 = arith.constant 3 : i32
        %add3A_166 = arith.addi %while3A_124, %add3A_165 : i32
        %add3A_167 = arith.constant 3 : i32
        %add3A_168 = arith.addi %while3A_124, %add3A_167 : i32
        %rem3A_169 = arith.constant 6 : i32
        %rem3A_170 = arith.remsi %add3A_168, %rem3A_169 : i32
        %add3A_171 = arith.addi %add3A_8, %add3A_166 : i32
        %mul3A_172 = arith.constant 128 : i32
        %mul3A_173 = arith.muli %add3A_171, %mul3A_172 : i32
        %add3A_174 = arith.addi %add3A_8, %add3A_166 : i32
        %mul3A_175 = arith.constant 128 : i32
        %mul3A_176 = arith.muli %add3A_174, %mul3A_175 : i32
        %dma_start3A_177 = arith.constant 0 : i32
        %dma_start3A_178 = tpu.memref_slice %arg8[%rem3A_126, %dma_start3A_177] : memref<3x128xi32, #tpu.memory_space<vmem>> -> memref<1x128xi32, #tpu.memory_space<vmem>>
        %dma_start3A_179 = tpu.memref_squeeze %dma_start3A_178 : memref<1x128xi32, #tpu.memory_space<vmem>> -> memref<128xi32, #tpu.memory_space<vmem>>
        %dma_start3A_180 = tpu.memref_slice %arg3[%mul3A_173] : memref<320000xi32, #tpu.memory_space<hbm>> -> memref<128xi32, #tpu.memory_space<hbm>>
        %dma_start3A_181 = tpu.memref_slice %arg12[%rem3A_126] : memref<3x!tpu.dma_semaphore, #tpu.memory_space<semaphore_mem>> -> memref<1x!tpu.dma_semaphore, #tpu.memory_space<semaphore_mem>>
        %dma_start3A_182 = tpu.memref_squeeze %dma_start3A_181 : memref<1x!tpu.dma_semaphore, #tpu.memory_space<semaphore_mem>> -> memref<!tpu.dma_semaphore, #tpu.memory_space<semaphore_mem>>
        %dma_start3A_183 = arith.constant 0 : i32
        %dma_start3A_184 = tpu.memref_slice %arg8[%rem3A_126, %dma_start3A_183] : memref<3x128xi32, #tpu.memory_space<vmem>> -> memref<1x128xi32, #tpu.memory_space<vmem>>
        %dma_start3A_185 = tpu.memref_squeeze %dma_start3A_184 : memref<1x128xi32, #tpu.memory_space<vmem>> -> memref<128xi32, #tpu.memory_space<vmem>>
        %dma_start3A_186 = tpu.memref_slice %arg3[%mul3A_173] : memref<320000xi32, #tpu.memory_space<hbm>> -> memref<128xi32, #tpu.memory_space<hbm>>
        tpu.enqueue_dma source(%dma_start3A_186 : memref<128xi32, #tpu.memory_space<hbm>>) target(%dma_start3A_185 : memref<128xi32, #tpu.memory_space<vmem>>) target_semaphore(%dma_start3A_182 : memref<!tpu.dma_semaphore, #tpu.memory_space<semaphore_mem>>)
        %dma_start3A_187 = arith.constant 0 : i32
        %dma_start3A_188 = tpu.memref_slice %arg9[%rem3A_170, %dma_start3A_187] : memref<6x128xi32, #tpu.memory_space<vmem>> -> memref<1x128xi32, #tpu.memory_space<vmem>>
        %dma_start3A_189 = tpu.memref_squeeze %dma_start3A_188 : memref<1x128xi32, #tpu.memory_space<vmem>> -> memref<128xi32, #tpu.memory_space<vmem>>
        %dma_start3A_190 = tpu.memref_slice %arg4[%mul3A_176] : memref<320000xi32, #tpu.memory_space<hbm>> -> memref<128xi32, #tpu.memory_space<hbm>>
        %dma_start3A_191 = tpu.memref_slice %arg13[%rem3A_170] : memref<6x!tpu.dma_semaphore, #tpu.memory_space<semaphore_mem>> -> memref<1x!tpu.dma_semaphore, #tpu.memory_space<semaphore_mem>>
        %dma_start3A_192 = tpu.memref_squeeze %dma_start3A_191 : memref<1x!tpu.dma_semaphore, #tpu.memory_space<semaphore_mem>> -> memref<!tpu.dma_semaphore, #tpu.memory_space<semaphore_mem>>
        %dma_start3A_193 = arith.constant 0 : i32
        %dma_start3A_194 = tpu.memref_slice %arg9[%rem3A_170, %dma_start3A_193] : memref<6x128xi32, #tpu.memory_space<vmem>> -> memref<1x128xi32, #tpu.memory_space<vmem>>
        %dma_start3A_195 = tpu.memref_squeeze %dma_start3A_194 : memref<1x128xi32, #tpu.memory_space<vmem>> -> memref<128xi32, #tpu.memory_space<vmem>>
        %dma_start3A_196 = tpu.memref_slice %arg4[%mul3A_176] : memref<320000xi32, #tpu.memory_space<hbm>> -> memref<128xi32, #tpu.memory_space<hbm>>
        tpu.enqueue_dma source(%dma_start3A_196 : memref<128xi32, #tpu.memory_space<hbm>>) target(%dma_start3A_195 : memref<128xi32, #tpu.memory_space<vmem>>) target_semaphore(%dma_start3A_192 : memref<!tpu.dma_semaphore, #tpu.memory_space<semaphore_mem>>)
      } else {
      }
    }
    %ge3A = arith.constant 3 : i32
    %ge3A_89 = arith.cmpi sge, %add3A_2, %ge3A : i32
    %convert_element_type3A_90 = arith.extui %ge3A_89 : i1 to i32
    %cond3A_91 = arith.constant 0 : i32
    %cond3A_92 = arith.cmpi ne, %convert_element_type3A_90, %cond3A_91 : i32
    scf.if %cond3A_92 {
      %sub3A_124 = arith.constant 3 : i32
      %sub3A_125 = arith.subi %add3A_2, %sub3A_124 : i32
      %rem3A_126 = arith.constant 3 : i32
      %rem3A_127 = arith.remsi %sub3A_125, %rem3A_126 : i32
      %dma_wait3A_128 = arith.constant 0 : i32
      %dma_wait3A_129 = arith.constant 0 : i32
      %dma_wait3A_130 = arith.constant 0 : i32
      %dma_wait3A_131 = tpu.memref_slice %arg10[%rem3A_127, %dma_wait3A_129, %dma_wait3A_130] : memref<3x128x128xf32, #tpu.memory_space<vmem>> -> memref<1x128x128xf32, #tpu.memory_space<vmem>>
      %dma_wait3A_132 = tpu.memref_squeeze %dma_wait3A_131 : memref<1x128x128xf32, #tpu.memory_space<vmem>> -> memref<128x128xf32, #tpu.memory_space<vmem>>
      %dma_wait3A_133 = arith.constant 0 : i32
      %dma_wait3A_134 = tpu.memref_slice %arg9[%dma_wait3A_128, %dma_wait3A_133] : memref<6x128xi32, #tpu.memory_space<vmem>> -> memref<1x128xi32, #tpu.memory_space<vmem>>
      %dma_wait3A_135 = tpu.memref_squeeze %dma_wait3A_134 : memref<1x128xi32, #tpu.memory_space<vmem>> -> memref<128xi32, #tpu.memory_space<vmem>>
      %dma_wait3A_136 = arith.constant 0 : i32
      %dma_wait3A_137 = arith.constant 0 : i32
      %dma_wait3A_138 = tpu.memref_slice %arg7[%dma_wait3A_136, %dma_wait3A_137] : memref<10000x128xf32, #tpu.memory_space<vmem_shared>> -> memref<10000x128xf32, #tpu.memory_space<vmem_shared>>
      %dma_wait3A_139 = tpu.memref_slice %arg14[%rem3A_127] : memref<3x!tpu.dma_semaphore, #tpu.memory_space<semaphore_mem>> -> memref<1x!tpu.dma_semaphore, #tpu.memory_space<semaphore_mem>>
      %dma_wait3A_140 = tpu.memref_squeeze %dma_wait3A_139 : memref<1x!tpu.dma_semaphore, #tpu.memory_space<semaphore_mem>> -> memref<!tpu.dma_semaphore, #tpu.memory_space<semaphore_mem>>
      tpu.wait_indirect_dma semaphore(%dma_wait3A_140 : memref<!tpu.dma_semaphore, #tpu.memory_space<semaphore_mem>>) src(%dma_wait3A_132 : memref<128x128xf32, #tpu.memory_space<vmem>>) dst(%dma_wait3A_138 : memref<10000x128xf32, #tpu.memory_space<vmem_shared>>)
    } else {
    }
    %ge3A_93 = arith.constant 2 : i32
    %ge3A_94 = arith.cmpi sge, %add3A_2, %ge3A_93 : i32
    %convert_element_type3A_95 = arith.extui %ge3A_94 : i1 to i32
    %cond3A_96 = arith.constant 0 : i32
    %cond3A_97 = arith.cmpi ne, %convert_element_type3A_95, %cond3A_96 : i32
    scf.if %cond3A_97 {
      %sub3A_124 = arith.constant 2 : i32
      %sub3A_125 = arith.subi %add3A_2, %sub3A_124 : i32
      %rem3A_126 = arith.constant 3 : i32
      %rem3A_127 = arith.remsi %sub3A_125, %rem3A_126 : i32
      %dma_wait3A_128 = arith.constant 0 : i32
      %dma_wait3A_129 = arith.constant 0 : i32
      %dma_wait3A_130 = arith.constant 0 : i32
      %dma_wait3A_131 = tpu.memref_slice %arg10[%rem3A_127, %dma_wait3A_129, %dma_wait3A_130] : memref<3x128x128xf32, #tpu.memory_space<vmem>> -> memref<1x128x128xf32, #tpu.memory_space<vmem>>
      %dma_wait3A_132 = tpu.memref_squeeze %dma_wait3A_131 : memref<1x128x128xf32, #tpu.memory_space<vmem>> -> memref<128x128xf32, #tpu.memory_space<vmem>>
      %dma_wait3A_133 = arith.constant 0 : i32
      %dma_wait3A_134 = tpu.memref_slice %arg9[%dma_wait3A_128, %dma_wait3A_133] : memref<6x128xi32, #tpu.memory_space<vmem>> -> memref<1x128xi32, #tpu.memory_space<vmem>>
      %dma_wait3A_135 = tpu.memref_squeeze %dma_wait3A_134 : memref<1x128xi32, #tpu.memory_space<vmem>> -> memref<128xi32, #tpu.memory_space<vmem>>
      %dma_wait3A_136 = arith.constant 0 : i32
      %dma_wait3A_137 = arith.constant 0 : i32
      %dma_wait3A_138 = tpu.memref_slice %arg7[%dma_wait3A_136, %dma_wait3A_137] : memref<10000x128xf32, #tpu.memory_space<vmem_shared>> -> memref<10000x128xf32, #tpu.memory_space<vmem_shared>>
      %dma_wait3A_139 = tpu.memref_slice %arg14[%rem3A_127] : memref<3x!tpu.dma_semaphore, #tpu.memory_space<semaphore_mem>> -> memref<1x!tpu.dma_semaphore, #tpu.memory_space<semaphore_mem>>
      %dma_wait3A_140 = tpu.memref_squeeze %dma_wait3A_139 : memref<1x!tpu.dma_semaphore, #tpu.memory_space<semaphore_mem>> -> memref<!tpu.dma_semaphore, #tpu.memory_space<semaphore_mem>>
      tpu.wait_indirect_dma semaphore(%dma_wait3A_140 : memref<!tpu.dma_semaphore, #tpu.memory_space<semaphore_mem>>) src(%dma_wait3A_132 : memref<128x128xf32, #tpu.memory_space<vmem>>) dst(%dma_wait3A_138 : memref<10000x128xf32, #tpu.memory_space<vmem_shared>>)
    } else {
    }
    %sub3A = arith.constant 1 : i32
    %sub3A_98 = arith.subi %add3A_2, %sub3A : i32
    %rem3A = arith.constant 3 : i32
    %rem3A_99 = arith.remsi %sub3A_98, %rem3A : i32
    %dma_wait3A_100 = arith.constant 0 : i32
    %dma_wait3A_101 = arith.constant 0 : i32
    %dma_wait3A_102 = arith.constant 0 : i32
    %dma_wait3A_103 = tpu.memref_slice %arg10[%rem3A_99, %dma_wait3A_101, %dma_wait3A_102] : memref<3x128x128xf32, #tpu.memory_space<vmem>> -> memref<1x128x128xf32, #tpu.memory_space<vmem>>
    %dma_wait3A_104 = tpu.memref_squeeze %dma_wait3A_103 : memref<1x128x128xf32, #tpu.memory_space<vmem>> -> memref<128x128xf32, #tpu.memory_space<vmem>>
    %dma_wait3A_105 = arith.constant 0 : i32
    %dma_wait3A_106 = tpu.memref_slice %arg9[%dma_wait3A_100, %dma_wait3A_105] : memref<6x128xi32, #tpu.memory_space<vmem>> -> memref<1x128xi32, #tpu.memory_space<vmem>>
    %dma_wait3A_107 = tpu.memref_squeeze %dma_wait3A_106 : memref<1x128xi32, #tpu.memory_space<vmem>> -> memref<128xi32, #tpu.memory_space<vmem>>
    %dma_wait3A_108 = arith.constant 0 : i32
    %dma_wait3A_109 = arith.constant 0 : i32
    %dma_wait3A_110 = tpu.memref_slice %arg7[%dma_wait3A_108, %dma_wait3A_109] : memref<10000x128xf32, #tpu.memory_space<vmem_shared>> -> memref<10000x128xf32, #tpu.memory_space<vmem_shared>>
    %dma_wait3A_111 = tpu.memref_slice %arg14[%rem3A_99] : memref<3x!tpu.dma_semaphore, #tpu.memory_space<semaphore_mem>> -> memref<1x!tpu.dma_semaphore, #tpu.memory_space<semaphore_mem>>
    %dma_wait3A_112 = tpu.memref_squeeze %dma_wait3A_111 : memref<1x!tpu.dma_semaphore, #tpu.memory_space<semaphore_mem>> -> memref<!tpu.dma_semaphore, #tpu.memory_space<semaphore_mem>>
    tpu.wait_indirect_dma semaphore(%dma_wait3A_112 : memref<!tpu.dma_semaphore, #tpu.memory_space<semaphore_mem>>) src(%dma_wait3A_104 : memref<128x128xf32, #tpu.memory_space<vmem>>) dst(%dma_wait3A_110 : memref<10000x128xf32, #tpu.memory_space<vmem_shared>>)
    %barrier3A_113 = arith.constant 0 : index
    tpu.barrier barrier_id(%barrier3A_113)
    %lt3A_114 = arith.constant 15 : i32
    %lt3A_115 = arith.cmpi slt, %arg1, %lt3A_114 : i32
    %convert_element_type3A_116 = arith.extui %lt3A_115 : i1 to i32
    %cond3A_117 = arith.constant 0 : i32
    %cond3A_118 = arith.cmpi ne, %convert_element_type3A_116, %cond3A_117 : i32
    scf.if %cond3A_118 {
      %mul3A_124 = arith.constant 624 : i32
      %mul3A_125 = arith.muli %arg1, %mul3A_124 : i32
      %mul3A_126 = arith.constant 10000 : i32
      %mul3A_127 = arith.muli %arg0, %mul3A_126 : i32
      %mul3A_128 = arith.constant 624 : i32
      %mul3A_129 = arith.muli %arg1, %mul3A_128 : i32
      %add3A_130 = arith.addi %mul3A_127, %mul3A_129 : i32
      "tpu.region"() ({
        %run_scoped3A = tpu.sem_alloc : memref<!tpu.dma_semaphore, #tpu.memory_space<semaphore_mem>>
        %dma_start3A_131 = arith.constant 0 : i32
        %dma_start3A_132 = tpu.memref_slice %arg6[%add3A_130, %dma_start3A_131] : memref<20000x128xf32, #tpu.memory_space<hbm>> -> memref<624x128xf32, #tpu.memory_space<hbm>>
        %dma_start3A_133 = arith.constant 0 : i32
        %dma_start3A_134 = tpu.memref_slice %arg7[%mul3A_125, %dma_start3A_133] : memref<10000x128xf32, #tpu.memory_space<vmem_shared>> -> memref<624x128xf32, #tpu.memory_space<vmem_shared>>
        tpu.enqueue_dma source(%dma_start3A_134 : memref<624x128xf32, #tpu.memory_space<vmem_shared>>) target(%dma_start3A_132 : memref<624x128xf32, #tpu.memory_space<hbm>>) target_semaphore(%run_scoped3A : memref<!tpu.dma_semaphore, #tpu.memory_space<semaphore_mem>>)
        %dma_wait3A_135 = arith.constant 0 : i32
        %dma_wait3A_136 = tpu.memref_slice %arg6[%add3A_130, %dma_wait3A_135] : memref<20000x128xf32, #tpu.memory_space<hbm>> -> memref<624x128xf32, #tpu.memory_space<hbm>>
        %dma_wait3A_137 = arith.constant 0 : i32
        %dma_wait3A_138 = tpu.memref_slice %arg7[%mul3A_125, %dma_wait3A_137] : memref<10000x128xf32, #tpu.memory_space<vmem_shared>> -> memref<624x128xf32, #tpu.memory_space<vmem_shared>>
        tpu.wait_dma2 semaphore(%run_scoped3A : memref<!tpu.dma_semaphore, #tpu.memory_space<semaphore_mem>>) src(%dma_wait3A_138 : memref<624x128xf32, #tpu.memory_space<vmem_shared>>) dst(%dma_wait3A_136 : memref<624x128xf32, #tpu.memory_space<hbm>>)
        tpu.yield
      }) : () -> ()
    } else {
    }
    %eq3A_119 = arith.constant 15 : i32
    %eq3A_120 = arith.cmpi eq, %arg1, %eq3A_119 : i32
    %convert_element_type3A_121 = arith.extui %eq3A_120 : i1 to i32
    %cond3A_122 = arith.constant 0 : i32
    %cond3A_123 = arith.cmpi ne, %convert_element_type3A_121, %cond3A_122 : i32
    scf.if %cond3A_123 {
      %mul3A_124 = arith.constant 10000 : i32
      %mul3A_125 = arith.muli %arg0, %mul3A_124 : i32
      %add3A_126 = arith.constant 9360 : i32
      %add3A_127 = arith.addi %mul3A_125, %add3A_126 : i32
      "tpu.region"() ({
        %run_scoped3A = tpu.sem_alloc : memref<!tpu.dma_semaphore, #tpu.memory_space<semaphore_mem>>
        %dma_start3A_128 = arith.constant 0 : i32
        %dma_start3A_129 = tpu.memref_slice %arg6[%add3A_127, %dma_start3A_128] : memref<20000x128xf32, #tpu.memory_space<hbm>> -> memref<640x128xf32, #tpu.memory_space<hbm>>
        %dma_start3A_130 = arith.constant 9360 : i32
        %dma_start3A_131 = arith.constant 0 : i32
        %dma_start3A_132 = tpu.memref_slice %arg7[%dma_start3A_130, %dma_start3A_131] : memref<10000x128xf32, #tpu.memory_space<vmem_shared>> -> memref<640x128xf32, #tpu.memory_space<vmem_shared>>
        tpu.enqueue_dma source(%dma_start3A_132 : memref<640x128xf32, #tpu.memory_space<vmem_shared>>) target(%dma_start3A_129 : memref<640x128xf32, #tpu.memory_space<hbm>>) target_semaphore(%run_scoped3A : memref<!tpu.dma_semaphore, #tpu.memory_space<semaphore_mem>>)
        %dma_wait3A_133 = arith.constant 0 : i32
        %dma_wait3A_134 = tpu.memref_slice %arg6[%add3A_127, %dma_wait3A_133] : memref<20000x128xf32, #tpu.memory_space<hbm>> -> memref<640x128xf32, #tpu.memory_space<hbm>>
        %dma_wait3A_135 = arith.constant 9360 : i32
        %dma_wait3A_136 = arith.constant 0 : i32
        %dma_wait3A_137 = tpu.memref_slice %arg7[%dma_wait3A_135, %dma_wait3A_136] : memref<10000x128xf32, #tpu.memory_space<vmem_shared>> -> memref<640x128xf32, #tpu.memory_space<vmem_shared>>
        tpu.wait_dma2 semaphore(%run_scoped3A : memref<!tpu.dma_semaphore, #tpu.memory_space<semaphore_mem>>) src(%dma_wait3A_137 : memref<640x128xf32, #tpu.memory_space<vmem_shared>>) dst(%dma_wait3A_134 : memref<640x128xf32, #tpu.memory_space<hbm>>)
        tpu.yield
      }) : () -> ()
    } else {
    }
    return
  }
}

#map = affine_map<(d0, d1) -> (0, 0)>
#map1 = affine_map<(d0, d1) -> (0)>
module attributes {stable_mosaic.version = 14 : i64} {
  func.func @sc_seg(%arg0: i32, %arg1: i32, %arg2: memref<10000x128xf32, #tpu.memory_space<hbm>>, %arg3: memref<320000xi32, #tpu.memory_space<hbm>>, %arg4: memref<320000xi32, #tpu.memory_space<hbm>>, %arg5: memref<640x128xf32, #tpu.memory_space<hbm>>, %arg6: memref<20000x128xf32, #tpu.memory_space<hbm>>, %arg7: memref<10000x128xf32, #tpu.memory_space<vmem_shared>>, %arg8: memref<3x128xi32, #tpu.memory_space<vmem>>, %arg9: memref<6x128xi32, #tpu.memory_space<vmem>>, %arg10: memref<3x128x128xf32, #tpu.memory_space<vmem>>, %arg11: memref<3x!tpu.dma_semaphore, #tpu.memory_space<semaphore_mem>>, %arg12: memref<3x!tpu.dma_semaphore, #tpu.memory_space<semaphore_mem>>, %arg13: memref<6x!tpu.dma_semaphore, #tpu.memory_space<semaphore_mem>>, %arg14: memref<3x!tpu.dma_semaphore, #tpu.memory_space<semaphore_mem>>) attributes {dimension_semantics = [#tpu.dimension_semantics<core_parallel>, #tpu.dimension_semantics<subcore_parallel>], iteration_bounds = array<i64: 2, 16>, scalar_prefetch = 0 : i64, scratch_operands = 8 : i64, tpu.core_type = #tpu.core_type<sc_vector_subcore>, window_params = [{transform_indices = #map}, {transform_indices = #map1}, {transform_indices = #map1}, {transform_indices = #map}, {transform_indices = #map}]} {
    %lt3A = arith.constant 2 : i32
    %lt3A_0 = arith.cmpi slt, %arg1, %lt3A : i32
    %jit3A = arith.constant 1 : i32
    %jit3A_1 = arith.constant 0 : i32
    %select_n3A = arith.select %lt3A_0, %jit3A, %jit3A_1 : i32
    %add3A = arith.constant 78 : i32
    %add3A_2 = arith.addi %add3A, %select_n3A : i32
    %mul3A = arith.constant 1250 : i32
    %mul3A_3 = arith.muli %arg0, %mul3A : i32
    %mul3A_4 = arith.constant 78 : i32
    %mul3A_5 = arith.muli %arg1, %mul3A_4 : i32
    %add3A_6 = arith.addi %mul3A_3, %mul3A_5 : i32
    %min3A = arith.constant 2 : i32
    %min3A_7 = arith.minsi %arg1, %min3A : i32
    %add3A_8 = arith.addi %add3A_6, %min3A_7 : i32
    %gt3A = arith.constant 0 : i32
    %gt3A_9 = arith.cmpi sgt, %add3A_2, %gt3A : i32
    %convert_element_type3A = arith.extui %gt3A_9 : i1 to i32
    %cond3A = arith.constant 0 : i32
    %cond3A_10 = arith.cmpi ne, %convert_element_type3A, %cond3A : i32
    scf.if %cond3A_10 {
      %add3A_124 = arith.constant 0 : i32
      %add3A_125 = arith.addi %add3A_8, %add3A_124 : i32
      %mul3A_126 = arith.constant 128 : i32
      %mul3A_127 = arith.muli %add3A_125, %mul3A_126 : i32
      %add3A_128 = arith.constant 0 : i32
      %add3A_129 = arith.addi %add3A_8, %add3A_128 : i32
      %mul3A_130 = arith.constant 128 : i32
      %mul3A_131 = arith.muli %add3A_129, %mul3A_130 : i32
      %dma_start3A_132 = arith.constant 0 : i32
      %dma_start3A_133 = arith.constant 0 : i32
      %dma_start3A_134 = arith.constant 0 : i32
      %dma_start3A_135 = tpu.memref_slice %arg8[%dma_start3A_132, %dma_start3A_134] : memref<3x128xi32, #tpu.memory_space<vmem>> -> memref<1x128xi32, #tpu.memory_space<vmem>>
      %dma_start3A_136 = tpu.memref_squeeze %dma_start3A_135 : memref<1x128xi32, #tpu.memory_space<vmem>> -> memref<128xi32, #tpu.memory_space<vmem>>
      %dma_start3A_137 = tpu.memref_slice %arg3[%mul3A_127] : memref<320000xi32, #tpu.memory_space<hbm>> -> memref<128xi32, #tpu.memory_space<hbm>>
      %dma_start3A_138 = tpu.memref_slice %arg12[%dma_start3A_133] : memref<3x!tpu.dma_semaphore, #tpu.memory_space<semaphore_mem>> -> memref<1x!tpu.dma_semaphore, #tpu.memory_space<semaphore_mem>>
      %dma_start3A_139 = tpu.memref_squeeze %dma_start3A_138 : memref<1x!tpu.dma_semaphore, #tpu.memory_space<semaphore_mem>> -> memref<!tpu.dma_semaphore, #tpu.memory_space<semaphore_mem>>
      %dma_start3A_140 = arith.constant 0 : i32
      %dma_start3A_141 = tpu.memref_slice %arg8[%dma_start3A_132, %dma_start3A_140] : memref<3x128xi32, #tpu.memory_space<vmem>> -> memref<1x128xi32, #tpu.memory_space<vmem>>
      %dma_start3A_142 = tpu.memref_squeeze %dma_start3A_141 : memref<1x128xi32, #tpu.memory_space<vmem>> -> memref<128xi32, #tpu.memory_space<vmem>>
      %dma_start3A_143 = tpu.memref_slice %arg3[%mul3A_127] : memref<320000xi32, #tpu.memory_space<hbm>> -> memref<128xi32, #tpu.memory_space<hbm>>
      tpu.enqueue_dma source(%dma_start3A_143 : memref<128xi32, #tpu.memory_space<hbm>>) target(%dma_start3A_142 : memref<128xi32, #tpu.memory_space<vmem>>) target_semaphore(%dma_start3A_139 : memref<!tpu.dma_semaphore, #tpu.memory_space<semaphore_mem>>)
      %dma_start3A_144 = arith.constant 0 : i32
      %dma_start3A_145 = arith.constant 0 : i32
      %dma_start3A_146 = arith.constant 0 : i32
      %dma_start3A_147 = tpu.memref_slice %arg9[%dma_start3A_144, %dma_start3A_146] : memref<6x128xi32, #tpu.memory_space<vmem>> -> memref<1x128xi32, #tpu.memory_space<vmem>>
      %dma_start3A_148 = tpu.memref_squeeze %dma_start3A_147 : memref<1x128xi32, #tpu.memory_space<vmem>> -> memref<128xi32, #tpu.memory_space<vmem>>
      %dma_start3A_149 = tpu.memref_slice %arg4[%mul3A_131] : memref<320000xi32, #tpu.memory_space<hbm>> -> memref<128xi32, #tpu.memory_space<hbm>>
      %dma_start3A_150 = tpu.memref_slice %arg13[%dma_start3A_145] : memref<6x!tpu.dma_semaphore, #tpu.memory_space<semaphore_mem>> -> memref<1x!tpu.dma_semaphore, #tpu.memory_space<semaphore_mem>>
      %dma_start3A_151 = tpu.memref_squeeze %dma_start3A_150 : memref<1x!tpu.dma_semaphore, #tpu.memory_space<semaphore_mem>> -> memref<!tpu.dma_semaphore, #tpu.memory_space<semaphore_mem>>
      %dma_start3A_152 = arith.constant 0 : i32
      %dma_start3A_153 = tpu.memref_slice %arg9[%dma_start3A_144, %dma_start3A_152] : memref<6x128xi32, #tpu.memory_space<vmem>> -> memref<1x128xi32, #tpu.memory_space<vmem>>
      %dma_start3A_154 = tpu.memref_squeeze %dma_start3A_153 : memref<1x128xi32, #tpu.memory_space<vmem>> -> memref<128xi32, #tpu.memory_space<vmem>>
      %dma_start3A_155 = tpu.memref_slice %arg4[%mul3A_131] : memref<320000xi32, #tpu.memory_space<hbm>> -> memref<128xi32, #tpu.memory_space<hbm>>
      tpu.enqueue_dma source(%dma_start3A_155 : memref<128xi32, #tpu.memory_space<hbm>>) target(%dma_start3A_154 : memref<128xi32, #tpu.memory_space<vmem>>) target_semaphore(%dma_start3A_151 : memref<!tpu.dma_semaphore, #tpu.memory_space<semaphore_mem>>)
    } else {
    }
    %gt3A_11 = arith.constant 1 : i32
    %gt3A_12 = arith.cmpi sgt, %add3A_2, %gt3A_11 : i32
    %convert_element_type3A_13 = arith.extui %gt3A_12 : i1 to i32
    %cond3A_14 = arith.constant 0 : i32
    %cond3A_15 = arith.cmpi ne, %convert_element_type3A_13, %cond3A_14 : i32
    scf.if %cond3A_15 {
      %add3A_124 = arith.constant 1 : i32
      %add3A_125 = arith.addi %add3A_8, %add3A_124 : i32
      %mul3A_126 = arith.constant 128 : i32
      %mul3A_127 = arith.muli %add3A_125, %mul3A_126 : i32
      %add3A_128 = arith.constant 1 : i32
      %add3A_129 = arith.addi %add3A_8, %add3A_128 : i32
      %mul3A_130 = arith.constant 128 : i32
      %mul3A_131 = arith.muli %add3A_129, %mul3A_130 : i32
      %dma_start3A_132 = arith.constant 1 : i32
      %dma_start3A_133 = arith.constant 1 : i32
      %dma_start3A_134 = arith.constant 0 : i32
      %dma_start3A_135 = tpu.memref_slice %arg8[%dma_start3A_132, %dma_start3A_134] : memref<3x128xi32, #tpu.memory_space<vmem>> -> memref<1x128xi32, #tpu.memory_space<vmem>>
      %dma_start3A_136 = tpu.memref_squeeze %dma_start3A_135 : memref<1x128xi32, #tpu.memory_space<vmem>> -> memref<128xi32, #tpu.memory_space<vmem>>
      %dma_start3A_137 = tpu.memref_slice %arg3[%mul3A_127] : memref<320000xi32, #tpu.memory_space<hbm>> -> memref<128xi32, #tpu.memory_space<hbm>>
      %dma_start3A_138 = tpu.memref_slice %arg12[%dma_start3A_133] : memref<3x!tpu.dma_semaphore, #tpu.memory_space<semaphore_mem>> -> memref<1x!tpu.dma_semaphore, #tpu.memory_space<semaphore_mem>>
      %dma_start3A_139 = tpu.memref_squeeze %dma_start3A_138 : memref<1x!tpu.dma_semaphore, #tpu.memory_space<semaphore_mem>> -> memref<!tpu.dma_semaphore, #tpu.memory_space<semaphore_mem>>
      %dma_start3A_140 = arith.constant 0 : i32
      %dma_start3A_141 = tpu.memref_slice %arg8[%dma_start3A_132, %dma_start3A_140] : memref<3x128xi32, #tpu.memory_space<vmem>> -> memref<1x128xi32, #tpu.memory_space<vmem>>
      %dma_start3A_142 = tpu.memref_squeeze %dma_start3A_141 : memref<1x128xi32, #tpu.memory_space<vmem>> -> memref<128xi32, #tpu.memory_space<vmem>>
      %dma_start3A_143 = tpu.memref_slice %arg3[%mul3A_127] : memref<320000xi32, #tpu.memory_space<hbm>> -> memref<128xi32, #tpu.memory_space<hbm>>
      tpu.enqueue_dma source(%dma_start3A_143 : memref<128xi32, #tpu.memory_space<hbm>>) target(%dma_start3A_142 : memref<128xi32, #tpu.memory_space<vmem>>) target_semaphore(%dma_start3A_139 : memref<!tpu.dma_semaphore, #tpu.memory_space<semaphore_mem>>)
      %dma_start3A_144 = arith.constant 1 : i32
      %dma_start3A_145 = arith.constant 1 : i32
      %dma_start3A_146 = arith.constant 0 : i32
      %dma_start3A_147 = tpu.memref_slice %arg9[%dma_start3A_144, %dma_start3A_146] : memref<6x128xi32, #tpu.memory_space<vmem>> -> memref<1x128xi32, #tpu.memory_space<vmem>>
      %dma_start3A_148 = tpu.memref_squeeze %dma_start3A_147 : memref<1x128xi32, #tpu.memory_space<vmem>> -> memref<128xi32, #tpu.memory_space<vmem>>
      %dma_start3A_149 = tpu.memref_slice %arg4[%mul3A_131] : memref<320000xi32, #tpu.memory_space<hbm>> -> memref<128xi32, #tpu.memory_space<hbm>>
      %dma_start3A_150 = tpu.memref_slice %arg13[%dma_start3A_145] : memref<6x!tpu.dma_semaphore, #tpu.memory_space<semaphore_mem>> -> memref<1x!tpu.dma_semaphore, #tpu.memory_space<semaphore_mem>>
      %dma_start3A_151 = tpu.memref_squeeze %dma_start3A_150 : memref<1x!tpu.dma_semaphore, #tpu.memory_space<semaphore_mem>> -> memref<!tpu.dma_semaphore, #tpu.memory_space<semaphore_mem>>
      %dma_start3A_152 = arith.constant 0 : i32
      %dma_start3A_153 = tpu.memref_slice %arg9[%dma_start3A_144, %dma_start3A_152] : memref<6x128xi32, #tpu.memory_space<vmem>> -> memref<1x128xi32, #tpu.memory_space<vmem>>
      %dma_start3A_154 = tpu.memref_squeeze %dma_start3A_153 : memref<1x128xi32, #tpu.memory_space<vmem>> -> memref<128xi32, #tpu.memory_space<vmem>>
      %dma_start3A_155 = tpu.memref_slice %arg4[%mul3A_131] : memref<320000xi32, #tpu.memory_space<hbm>> -> memref<128xi32, #tpu.memory_space<hbm>>
      tpu.enqueue_dma source(%dma_start3A_155 : memref<128xi32, #tpu.memory_space<hbm>>) target(%dma_start3A_154 : memref<128xi32, #tpu.memory_space<vmem>>) target_semaphore(%dma_start3A_151 : memref<!tpu.dma_semaphore, #tpu.memory_space<semaphore_mem>>)
    } else {
    }
    %gt3A_16 = arith.constant 2 : i32
    %gt3A_17 = arith.cmpi sgt, %add3A_2, %gt3A_16 : i32
    %convert_element_type3A_18 = arith.extui %gt3A_17 : i1 to i32
    %cond3A_19 = arith.constant 0 : i32
    %cond3A_20 = arith.cmpi ne, %convert_element_type3A_18, %cond3A_19 : i32
    scf.if %cond3A_20 {
      %add3A_124 = arith.constant 2 : i32
      %add3A_125 = arith.addi %add3A_8, %add3A_124 : i32
      %mul3A_126 = arith.constant 128 : i32
      %mul3A_127 = arith.muli %add3A_125, %mul3A_126 : i32
      %add3A_128 = arith.constant 2 : i32
      %add3A_129 = arith.addi %add3A_8, %add3A_128 : i32
      %mul3A_130 = arith.constant 128 : i32
      %mul3A_131 = arith.muli %add3A_129, %mul3A_130 : i32
      %dma_start3A_132 = arith.constant 2 : i32
      %dma_start3A_133 = arith.constant 2 : i32
      %dma_start3A_134 = arith.constant 0 : i32
      %dma_start3A_135 = tpu.memref_slice %arg8[%dma_start3A_132, %dma_start3A_134] : memref<3x128xi32, #tpu.memory_space<vmem>> -> memref<1x128xi32, #tpu.memory_space<vmem>>
      %dma_start3A_136 = tpu.memref_squeeze %dma_start3A_135 : memref<1x128xi32, #tpu.memory_space<vmem>> -> memref<128xi32, #tpu.memory_space<vmem>>
      %dma_start3A_137 = tpu.memref_slice %arg3[%mul3A_127] : memref<320000xi32, #tpu.memory_space<hbm>> -> memref<128xi32, #tpu.memory_space<hbm>>
      %dma_start3A_138 = tpu.memref_slice %arg12[%dma_start3A_133] : memref<3x!tpu.dma_semaphore, #tpu.memory_space<semaphore_mem>> -> memref<1x!tpu.dma_semaphore, #tpu.memory_space<semaphore_mem>>
      %dma_start3A_139 = tpu.memref_squeeze %dma_start3A_138 : memref<1x!tpu.dma_semaphore, #tpu.memory_space<semaphore_mem>> -> memref<!tpu.dma_semaphore, #tpu.memory_space<semaphore_mem>>
      %dma_start3A_140 = arith.constant 0 : i32
      %dma_start3A_141 = tpu.memref_slice %arg8[%dma_start3A_132, %dma_start3A_140] : memref<3x128xi32, #tpu.memory_space<vmem>> -> memref<1x128xi32, #tpu.memory_space<vmem>>
      %dma_start3A_142 = tpu.memref_squeeze %dma_start3A_141 : memref<1x128xi32, #tpu.memory_space<vmem>> -> memref<128xi32, #tpu.memory_space<vmem>>
      %dma_start3A_143 = tpu.memref_slice %arg3[%mul3A_127] : memref<320000xi32, #tpu.memory_space<hbm>> -> memref<128xi32, #tpu.memory_space<hbm>>
      tpu.enqueue_dma source(%dma_start3A_143 : memref<128xi32, #tpu.memory_space<hbm>>) target(%dma_start3A_142 : memref<128xi32, #tpu.memory_space<vmem>>) target_semaphore(%dma_start3A_139 : memref<!tpu.dma_semaphore, #tpu.memory_space<semaphore_mem>>)
      %dma_start3A_144 = arith.constant 2 : i32
      %dma_start3A_145 = arith.constant 2 : i32
      %dma_start3A_146 = arith.constant 0 : i32
      %dma_start3A_147 = tpu.memref_slice %arg9[%dma_start3A_144, %dma_start3A_146] : memref<6x128xi32, #tpu.memory_space<vmem>> -> memref<1x128xi32, #tpu.memory_space<vmem>>
      %dma_start3A_148 = tpu.memref_squeeze %dma_start3A_147 : memref<1x128xi32, #tpu.memory_space<vmem>> -> memref<128xi32, #tpu.memory_space<vmem>>
      %dma_start3A_149 = tpu.memref_slice %arg4[%mul3A_131] : memref<320000xi32, #tpu.memory_space<hbm>> -> memref<128xi32, #tpu.memory_space<hbm>>
      %dma_start3A_150 = tpu.memref_slice %arg13[%dma_start3A_145] : memref<6x!tpu.dma_semaphore, #tpu.memory_space<semaphore_mem>> -> memref<1x!tpu.dma_semaphore, #tpu.memory_space<semaphore_mem>>
      %dma_start3A_151 = tpu.memref_squeeze %dma_start3A_150 : memref<1x!tpu.dma_semaphore, #tpu.memory_space<semaphore_mem>> -> memref<!tpu.dma_semaphore, #tpu.memory_space<semaphore_mem>>
      %dma_start3A_152 = arith.constant 0 : i32
      %dma_start3A_153 = tpu.memref_slice %arg9[%dma_start3A_144, %dma_start3A_152] : memref<6x128xi32, #tpu.memory_space<vmem>> -> memref<1x128xi32, #tpu.memory_space<vmem>>
      %dma_start3A_154 = tpu.memref_squeeze %dma_start3A_153 : memref<1x128xi32, #tpu.memory_space<vmem>> -> memref<128xi32, #tpu.memory_space<vmem>>
      %dma_start3A_155 = tpu.memref_slice %arg4[%mul3A_131] : memref<320000xi32, #tpu.memory_space<hbm>> -> memref<128xi32, #tpu.memory_space<hbm>>
      tpu.enqueue_dma source(%dma_start3A_155 : memref<128xi32, #tpu.memory_space<hbm>>) target(%dma_start3A_154 : memref<128xi32, #tpu.memory_space<vmem>>) target_semaphore(%dma_start3A_151 : memref<!tpu.dma_semaphore, #tpu.memory_space<semaphore_mem>>)
    } else {
    }
    %lt3A_21 = arith.constant 15 : i32
    %lt3A_22 = arith.cmpi slt, %arg1, %lt3A_21 : i32
    %convert_element_type3A_23 = arith.extui %lt3A_22 : i1 to i32
    %cond3A_24 = arith.constant 0 : i32
    %cond3A_25 = arith.cmpi ne, %convert_element_type3A_23, %cond3A_24 : i32
    scf.if %cond3A_25 {
      %mul3A_124 = arith.constant 624 : i32
      %mul3A_125 = arith.muli %arg1, %mul3A_124 : i32
      "tpu.region"() ({
        %run_scoped3A = tpu.sem_alloc : memref<!tpu.dma_semaphore, #tpu.memory_space<semaphore_mem>>
        %dma_start3A_126 = arith.constant 0 : i32
        %dma_start3A_127 = tpu.memref_slice %arg7[%mul3A_125, %dma_start3A_126] : memref<10000x128xf32, #tpu.memory_space<vmem_shared>> -> memref<624x128xf32, #tpu.memory_space<vmem_shared>>
        %dma_start3A_128 = arith.constant 0 : i32
        %dma_start3A_129 = arith.constant 0 : i32
        %dma_start3A_130 = tpu.memref_slice %arg5[%dma_start3A_128, %dma_start3A_129] : memref<640x128xf32, #tpu.memory_space<hbm>> -> memref<624x128xf32, #tpu.memory_space<hbm>>
        tpu.enqueue_dma source(%dma_start3A_130 : memref<624x128xf32, #tpu.memory_space<hbm>>) target(%dma_start3A_127 : memref<624x128xf32, #tpu.memory_space<vmem_shared>>) target_semaphore(%run_scoped3A : memref<!tpu.dma_semaphore, #tpu.memory_space<semaphore_mem>>)
        %dma_wait3A_131 = arith.constant 0 : i32
        %dma_wait3A_132 = tpu.memref_slice %arg7[%mul3A_125, %dma_wait3A_131] : memref<10000x128xf32, #tpu.memory_space<vmem_shared>> -> memref<624x128xf32, #tpu.memory_space<vmem_shared>>
        %dma_wait3A_133 = arith.constant 0 : i32
        %dma_wait3A_134 = arith.constant 0 : i32
        %dma_wait3A_135 = tpu.memref_slice %arg5[%dma_wait3A_133, %dma_wait3A_134] : memref<640x128xf32, #tpu.memory_space<hbm>> -> memref<624x128xf32, #tpu.memory_space<hbm>>
        tpu.wait_dma2 semaphore(%run_scoped3A : memref<!tpu.dma_semaphore, #tpu.memory_space<semaphore_mem>>) src(%dma_wait3A_135 : memref<624x128xf32, #tpu.memory_space<hbm>>) dst(%dma_wait3A_132 : memref<624x128xf32, #tpu.memory_space<vmem_shared>>)
        tpu.yield
      }) : () -> ()
    } else {
    }
    %eq3A = arith.constant 15 : i32
    %eq3A_26 = arith.cmpi eq, %arg1, %eq3A : i32
    %convert_element_type3A_27 = arith.extui %eq3A_26 : i1 to i32
    %cond3A_28 = arith.constant 0 : i32
    %cond3A_29 = arith.cmpi ne, %convert_element_type3A_27, %cond3A_28 : i32
    scf.if %cond3A_29 {
      "tpu.region"() ({
        %run_scoped3A = tpu.sem_alloc : memref<!tpu.dma_semaphore, #tpu.memory_space<semaphore_mem>>
        %dma_start3A_124 = arith.constant 9360 : i32
        %dma_start3A_125 = arith.constant 0 : i32
        %dma_start3A_126 = tpu.memref_slice %arg7[%dma_start3A_124, %dma_start3A_125] : memref<10000x128xf32, #tpu.memory_space<vmem_shared>> -> memref<640x128xf32, #tpu.memory_space<vmem_shared>>
        tpu.enqueue_dma source(%arg5 : memref<640x128xf32, #tpu.memory_space<hbm>>) target(%dma_start3A_126 : memref<640x128xf32, #tpu.memory_space<vmem_shared>>) target_semaphore(%run_scoped3A : memref<!tpu.dma_semaphore, #tpu.memory_space<semaphore_mem>>)
        %dma_wait3A_127 = arith.constant 9360 : i32
        %dma_wait3A_128 = arith.constant 0 : i32
        %dma_wait3A_129 = tpu.memref_slice %arg7[%dma_wait3A_127, %dma_wait3A_128] : memref<10000x128xf32, #tpu.memory_space<vmem_shared>> -> memref<640x128xf32, #tpu.memory_space<vmem_shared>>
        tpu.wait_dma2 semaphore(%run_scoped3A : memref<!tpu.dma_semaphore, #tpu.memory_space<semaphore_mem>>) src(%arg5 : memref<640x128xf32, #tpu.memory_space<hbm>>) dst(%dma_wait3A_129 : memref<640x128xf32, #tpu.memory_space<vmem_shared>>)
        tpu.yield
      }) : () -> ()
    } else {
    }
    %barrier3A = arith.constant 0 : index
    tpu.barrier barrier_id(%barrier3A)
    %add3A_30 = arith.constant 0 : i32
    %add3A_31 = arith.addi %add3A_8, %add3A_30 : i32
    %mul3A_32 = arith.constant 128 : i32
    %mul3A_33 = arith.muli %add3A_31, %mul3A_32 : i32
    %add3A_34 = arith.constant 0 : i32
    %add3A_35 = arith.addi %add3A_8, %add3A_34 : i32
    %mul3A_36 = arith.constant 128 : i32
    %mul3A_37 = arith.muli %add3A_35, %mul3A_36 : i32
    %dma_wait3A = arith.constant 0 : i32
    %dma_wait3A_38 = arith.constant 0 : i32
    %dma_wait3A_39 = arith.constant 0 : i32
    %dma_wait3A_40 = tpu.memref_slice %arg8[%dma_wait3A, %dma_wait3A_39] : memref<3x128xi32, #tpu.memory_space<vmem>> -> memref<1x128xi32, #tpu.memory_space<vmem>>
    %dma_wait3A_41 = tpu.memref_squeeze %dma_wait3A_40 : memref<1x128xi32, #tpu.memory_space<vmem>> -> memref<128xi32, #tpu.memory_space<vmem>>
    %dma_wait3A_42 = tpu.memref_slice %arg3[%mul3A_33] : memref<320000xi32, #tpu.memory_space<hbm>> -> memref<128xi32, #tpu.memory_space<hbm>>
    %dma_wait3A_43 = tpu.memref_slice %arg12[%dma_wait3A_38] : memref<3x!tpu.dma_semaphore, #tpu.memory_space<semaphore_mem>> -> memref<1x!tpu.dma_semaphore, #tpu.memory_space<semaphore_mem>>
    %dma_wait3A_44 = tpu.memref_squeeze %dma_wait3A_43 : memref<1x!tpu.dma_semaphore, #tpu.memory_space<semaphore_mem>> -> memref<!tpu.dma_semaphore, #tpu.memory_space<semaphore_mem>>
    %dma_wait3A_45 = arith.constant 0 : i32
    %dma_wait3A_46 = tpu.memref_slice %arg8[%dma_wait3A, %dma_wait3A_45] : memref<3x128xi32, #tpu.memory_space<vmem>> -> memref<1x128xi32, #tpu.memory_space<vmem>>
    %dma_wait3A_47 = tpu.memref_squeeze %dma_wait3A_46 : memref<1x128xi32, #tpu.memory_space<vmem>> -> memref<128xi32, #tpu.memory_space<vmem>>
    %dma_wait3A_48 = tpu.memref_slice %arg3[%mul3A_33] : memref<320000xi32, #tpu.memory_space<hbm>> -> memref<128xi32, #tpu.memory_space<hbm>>
    tpu.wait_dma2 semaphore(%dma_wait3A_44 : memref<!tpu.dma_semaphore, #tpu.memory_space<semaphore_mem>>) src(%dma_wait3A_48 : memref<128xi32, #tpu.memory_space<hbm>>) dst(%dma_wait3A_47 : memref<128xi32, #tpu.memory_space<vmem>>)
    %dma_wait3A_49 = arith.constant 0 : i32
    %dma_wait3A_50 = arith.constant 0 : i32
    %dma_wait3A_51 = arith.constant 0 : i32
    %dma_wait3A_52 = tpu.memref_slice %arg9[%dma_wait3A_49, %dma_wait3A_51] : memref<6x128xi32, #tpu.memory_space<vmem>> -> memref<1x128xi32, #tpu.memory_space<vmem>>
    %dma_wait3A_53 = tpu.memref_squeeze %dma_wait3A_52 : memref<1x128xi32, #tpu.memory_space<vmem>> -> memref<128xi32, #tpu.memory_space<vmem>>
    %dma_wait3A_54 = tpu.memref_slice %arg4[%mul3A_37] : memref<320000xi32, #tpu.memory_space<hbm>> -> memref<128xi32, #tpu.memory_space<hbm>>
    %dma_wait3A_55 = tpu.memref_slice %arg13[%dma_wait3A_50] : memref<6x!tpu.dma_semaphore, #tpu.memory_space<semaphore_mem>> -> memref<1x!tpu.dma_semaphore, #tpu.memory_space<semaphore_mem>>
    %dma_wait3A_56 = tpu.memref_squeeze %dma_wait3A_55 : memref<1x!tpu.dma_semaphore, #tpu.memory_space<semaphore_mem>> -> memref<!tpu.dma_semaphore, #tpu.memory_space<semaphore_mem>>
    %dma_wait3A_57 = arith.constant 0 : i32
    %dma_wait3A_58 = tpu.memref_slice %arg9[%dma_wait3A_49, %dma_wait3A_57] : memref<6x128xi32, #tpu.memory_space<vmem>> -> memref<1x128xi32, #tpu.memory_space<vmem>>
    %dma_wait3A_59 = tpu.memref_squeeze %dma_wait3A_58 : memref<1x128xi32, #tpu.memory_space<vmem>> -> memref<128xi32, #tpu.memory_space<vmem>>
    %dma_wait3A_60 = tpu.memref_slice %arg4[%mul3A_37] : memref<320000xi32, #tpu.memory_space<hbm>> -> memref<128xi32, #tpu.memory_space<hbm>>
    tpu.wait_dma2 semaphore(%dma_wait3A_56 : memref<!tpu.dma_semaphore, #tpu.memory_space<semaphore_mem>>) src(%dma_wait3A_60 : memref<128xi32, #tpu.memory_space<hbm>>) dst(%dma_wait3A_59 : memref<128xi32, #tpu.memory_space<vmem>>)
    %dma_start3A = arith.constant 0 : i32
    %dma_start3A_61 = arith.constant 0 : i32
    %dma_start3A_62 = arith.constant 0 : i32
    %dma_start3A_63 = arith.constant 0 : i32
    %dma_start3A_64 = arith.constant 0 : i32
    %dma_start3A_65 = tpu.memref_slice %arg10[%dma_start3A_61, %dma_start3A_63, %dma_start3A_64] : memref<3x128x128xf32, #tpu.memory_space<vmem>> -> memref<1x128x128xf32, #tpu.memory_space<vmem>>
    %dma_start3A_66 = tpu.memref_squeeze %dma_start3A_65 : memref<1x128x128xf32, #tpu.memory_space<vmem>> -> memref<128x128xf32, #tpu.memory_space<vmem>>
    %dma_start3A_67 = arith.constant 0 : i32
    %dma_start3A_68 = tpu.memref_slice %arg8[%dma_start3A, %dma_start3A_67] : memref<3x128xi32, #tpu.memory_space<vmem>> -> memref<1x128xi32, #tpu.memory_space<vmem>>
    %dma_start3A_69 = tpu.memref_squeeze %dma_start3A_68 : memref<1x128xi32, #tpu.memory_space<vmem>> -> memref<128xi32, #tpu.memory_space<vmem>>
    %dma_start3A_70 = arith.constant 0 : i32
    %dma_start3A_71 = arith.constant 0 : i32
    %dma_start3A_72 = tpu.memref_slice %arg2[%dma_start3A_70, %dma_start3A_71] : memref<10000x128xf32, #tpu.memory_space<hbm>> -> memref<10000x128xf32, #tpu.memory_space<hbm>>
    %dma_start3A_73 = tpu.memref_slice %arg11[%dma_start3A_62] : memref<3x!tpu.dma_semaphore, #tpu.memory_space<semaphore_mem>> -> memref<1x!tpu.dma_semaphore, #tpu.memory_space<semaphore_mem>>
    %dma_start3A_74 = tpu.memref_squeeze %dma_start3A_73 : memref<1x!tpu.dma_semaphore, #tpu.memory_space<semaphore_mem>> -> memref<!tpu.dma_semaphore, #tpu.memory_space<semaphore_mem>>
    tpu.enqueue_indirect_dma source(%dma_start3A_72 : memref<10000x128xf32, #tpu.memory_space<hbm>>) target(%dma_start3A_66 : memref<128x128xf32, #tpu.memory_space<vmem>>) offsets(%dma_start3A_69 : memref<128xi32, #tpu.memory_space<vmem>>) semaphore(%dma_start3A_74 : memref<!tpu.dma_semaphore, #tpu.memory_space<semaphore_mem>>)
    %gt3A_75 = arith.constant 1 : i32
    %gt3A_76 = arith.cmpi sgt, %add3A_2, %gt3A_75 : i32
    %convert_element_type3A_77 = arith.extui %gt3A_76 : i1 to i32
    %cond3A_78 = arith.constant 0 : i32
    %cond3A_79 = arith.cmpi ne, %convert_element_type3A_77, %cond3A_78 : i32
    scf.if %cond3A_79 {
      %add3A_124 = arith.constant 1 : i32
      %add3A_125 = arith.addi %add3A_8, %add3A_124 : i32
      %mul3A_126 = arith.constant 128 : i32
      %mul3A_127 = arith.muli %add3A_125, %mul3A_126 : i32
      %add3A_128 = arith.constant 1 : i32
      %add3A_129 = arith.addi %add3A_8, %add3A_128 : i32
      %mul3A_130 = arith.constant 128 : i32
      %mul3A_131 = arith.muli %add3A_129, %mul3A_130 : i32
      %dma_wait3A_132 = arith.constant 1 : i32
      %dma_wait3A_133 = arith.constant 1 : i32
      %dma_wait3A_134 = arith.constant 0 : i32
      %dma_wait3A_135 = tpu.memref_slice %arg8[%dma_wait3A_132, %dma_wait3A_134] : memref<3x128xi32, #tpu.memory_space<vmem>> -> memref<1x128xi32, #tpu.memory_space<vmem>>
      %dma_wait3A_136 = tpu.memref_squeeze %dma_wait3A_135 : memref<1x128xi32, #tpu.memory_space<vmem>> -> memref<128xi32, #tpu.memory_space<vmem>>
      %dma_wait3A_137 = tpu.memref_slice %arg3[%mul3A_127] : memref<320000xi32, #tpu.memory_space<hbm>> -> memref<128xi32, #tpu.memory_space<hbm>>
      %dma_wait3A_138 = tpu.memref_slice %arg12[%dma_wait3A_133] : memref<3x!tpu.dma_semaphore, #tpu.memory_space<semaphore_mem>> -> memref<1x!tpu.dma_semaphore, #tpu.memory_space<semaphore_mem>>
      %dma_wait3A_139 = tpu.memref_squeeze %dma_wait3A_138 : memref<1x!tpu.dma_semaphore, #tpu.memory_space<semaphore_mem>> -> memref<!tpu.dma_semaphore, #tpu.memory_space<semaphore_mem>>
      %dma_wait3A_140 = arith.constant 0 : i32
      %dma_wait3A_141 = tpu.memref_slice %arg8[%dma_wait3A_132, %dma_wait3A_140] : memref<3x128xi32, #tpu.memory_space<vmem>> -> memref<1x128xi32, #tpu.memory_space<vmem>>
      %dma_wait3A_142 = tpu.memref_squeeze %dma_wait3A_141 : memref<1x128xi32, #tpu.memory_space<vmem>> -> memref<128xi32, #tpu.memory_space<vmem>>
      %dma_wait3A_143 = tpu.memref_slice %arg3[%mul3A_127] : memref<320000xi32, #tpu.memory_space<hbm>> -> memref<128xi32, #tpu.memory_space<hbm>>
      tpu.wait_dma2 semaphore(%dma_wait3A_139 : memref<!tpu.dma_semaphore, #tpu.memory_space<semaphore_mem>>) src(%dma_wait3A_143 : memref<128xi32, #tpu.memory_space<hbm>>) dst(%dma_wait3A_142 : memref<128xi32, #tpu.memory_space<vmem>>)
      %dma_wait3A_144 = arith.constant 1 : i32
      %dma_wait3A_145 = arith.constant 1 : i32
      %dma_wait3A_146 = arith.constant 0 : i32
      %dma_wait3A_147 = tpu.memref_slice %arg9[%dma_wait3A_144, %dma_wait3A_146] : memref<6x128xi32, #tpu.memory_space<vmem>> -> memref<1x128xi32, #tpu.memory_space<vmem>>
      %dma_wait3A_148 = tpu.memref_squeeze %dma_wait3A_147 : memref<1x128xi32, #tpu.memory_space<vmem>> -> memref<128xi32, #tpu.memory_space<vmem>>
      %dma_wait3A_149 = tpu.memref_slice %arg4[%mul3A_131] : memref<320000xi32, #tpu.memory_space<hbm>> -> memref<128xi32, #tpu.memory_space<hbm>>
      %dma_wait3A_150 = tpu.memref_slice %arg13[%dma_wait3A_145] : memref<6x!tpu.dma_semaphore, #tpu.memory_space<semaphore_mem>> -> memref<1x!tpu.dma_semaphore, #tpu.memory_space<semaphore_mem>>
      %dma_wait3A_151 = tpu.memref_squeeze %dma_wait3A_150 : memref<1x!tpu.dma_semaphore, #tpu.memory_space<semaphore_mem>> -> memref<!tpu.dma_semaphore, #tpu.memory_space<semaphore_mem>>
      %dma_wait3A_152 = arith.constant 0 : i32
      %dma_wait3A_153 = tpu.memref_slice %arg9[%dma_wait3A_144, %dma_wait3A_152] : memref<6x128xi32, #tpu.memory_space<vmem>> -> memref<1x128xi32, #tpu.memory_space<vmem>>
      %dma_wait3A_154 = tpu.memref_squeeze %dma_wait3A_153 : memref<1x128xi32, #tpu.memory_space<vmem>> -> memref<128xi32, #tpu.memory_space<vmem>>
      %dma_wait3A_155 = tpu.memref_slice %arg4[%mul3A_131] : memref<320000xi32, #tpu.memory_space<hbm>> -> memref<128xi32, #tpu.memory_space<hbm>>
      tpu.wait_dma2 semaphore(%dma_wait3A_151 : memref<!tpu.dma_semaphore, #tpu.memory_space<semaphore_mem>>) src(%dma_wait3A_155 : memref<128xi32, #tpu.memory_space<hbm>>) dst(%dma_wait3A_154 : memref<128xi32, #tpu.memory_space<vmem>>)
      %dma_start3A_156 = arith.constant 1 : i32
      %dma_start3A_157 = arith.constant 1 : i32
      %dma_start3A_158 = arith.constant 1 : i32
      %dma_start3A_159 = arith.constant 0 : i32
      %dma_start3A_160 = arith.constant 0 : i32
      %dma_start3A_161 = tpu.memref_slice %arg10[%dma_start3A_157, %dma_start3A_159, %dma_start3A_160] : memref<3x128x128xf32, #tpu.memory_space<vmem>> -> memref<1x128x128xf32, #tpu.memory_space<vmem>>
      %dma_start3A_162 = tpu.memref_squeeze %dma_start3A_161 : memref<1x128x128xf32, #tpu.memory_space<vmem>> -> memref<128x128xf32, #tpu.memory_space<vmem>>
      %dma_start3A_163 = arith.constant 0 : i32
      %dma_start3A_164 = tpu.memref_slice %arg8[%dma_start3A_156, %dma_start3A_163] : memref<3x128xi32, #tpu.memory_space<vmem>> -> memref<1x128xi32, #tpu.memory_space<vmem>>
      %dma_start3A_165 = tpu.memref_squeeze %dma_start3A_164 : memref<1x128xi32, #tpu.memory_space<vmem>> -> memref<128xi32, #tpu.memory_space<vmem>>
      %dma_start3A_166 = arith.constant 0 : i32
      %dma_start3A_167 = arith.constant 0 : i32
      %dma_start3A_168 = tpu.memref_slice %arg2[%dma_start3A_166, %dma_start3A_167] : memref<10000x128xf32, #tpu.memory_space<hbm>> -> memref<10000x128xf32, #tpu.memory_space<hbm>>
      %dma_start3A_169 = tpu.memref_slice %arg11[%dma_start3A_158] : memref<3x!tpu.dma_semaphore, #tpu.memory_space<semaphore_mem>> -> memref<1x!tpu.dma_semaphore, #tpu.memory_space<semaphore_mem>>
      %dma_start3A_170 = tpu.memref_squeeze %dma_start3A_169 : memref<1x!tpu.dma_semaphore, #tpu.memory_space<semaphore_mem>> -> memref<!tpu.dma_semaphore, #tpu.memory_space<semaphore_mem>>
      tpu.enqueue_indirect_dma source(%dma_start3A_168 : memref<10000x128xf32, #tpu.memory_space<hbm>>) target(%dma_start3A_162 : memref<128x128xf32, #tpu.memory_space<vmem>>) offsets(%dma_start3A_165 : memref<128xi32, #tpu.memory_space<vmem>>) semaphore(%dma_start3A_170 : memref<!tpu.dma_semaphore, #tpu.memory_space<semaphore_mem>>)
    } else {
    }
    %while3A = arith.constant 0 : i32
    %while3A_80 = arith.constant 0 : i32
    %while3A_81 = arith.subi %add3A_2, %while3A_80 : i32
    %while3A_82 = arith.addi %while3A_80, %while3A_81 : i32
    %while3A_83 = arith.constant 1 : i32
    %while3A_84 = arith.divsi %while3A_81, %while3A_83 : i32
    %while3A_85 = arith.muli %while3A_84, %while3A_83 : i32
    %while3A_86 = arith.addi %while3A_80, %while3A_85 : i32
    %while3A_87 = arith.constant 1 : i32
    scf.for %while3A_124 = %while3A_80 to %while3A_86 step %while3A_87  : i32 {
      %rem3A_125 = arith.constant 3 : i32
      %rem3A_126 = arith.remsi %while3A_124, %rem3A_125 : i32
      %rem3A_127 = arith.constant 6 : i32
      %rem3A_128 = arith.remsi %while3A_124, %rem3A_127 : i32
      %dma_wait3A_129 = arith.constant 0 : i32
      %dma_wait3A_130 = arith.constant 0 : i32
      %dma_wait3A_131 = tpu.memref_slice %arg10[%rem3A_126, %dma_wait3A_129, %dma_wait3A_130] : memref<3x128x128xf32, #tpu.memory_space<vmem>> -> memref<1x128x128xf32, #tpu.memory_space<vmem>>
      %dma_wait3A_132 = tpu.memref_squeeze %dma_wait3A_131 : memref<1x128x128xf32, #tpu.memory_space<vmem>> -> memref<128x128xf32, #tpu.memory_space<vmem>>
      %dma_wait3A_133 = arith.constant 0 : i32
      %dma_wait3A_134 = tpu.memref_slice %arg8[%rem3A_126, %dma_wait3A_133] : memref<3x128xi32, #tpu.memory_space<vmem>> -> memref<1x128xi32, #tpu.memory_space<vmem>>
      %dma_wait3A_135 = tpu.memref_squeeze %dma_wait3A_134 : memref<1x128xi32, #tpu.memory_space<vmem>> -> memref<128xi32, #tpu.memory_space<vmem>>
      %dma_wait3A_136 = arith.constant 0 : i32
      %dma_wait3A_137 = arith.constant 0 : i32
      %dma_wait3A_138 = tpu.memref_slice %arg2[%dma_wait3A_136, %dma_wait3A_137] : memref<10000x128xf32, #tpu.memory_space<hbm>> -> memref<10000x128xf32, #tpu.memory_space<hbm>>
      %dma_wait3A_139 = tpu.memref_slice %arg11[%rem3A_126] : memref<3x!tpu.dma_semaphore, #tpu.memory_space<semaphore_mem>> -> memref<1x!tpu.dma_semaphore, #tpu.memory_space<semaphore_mem>>
      %dma_wait3A_140 = tpu.memref_squeeze %dma_wait3A_139 : memref<1x!tpu.dma_semaphore, #tpu.memory_space<semaphore_mem>> -> memref<!tpu.dma_semaphore, #tpu.memory_space<semaphore_mem>>
      tpu.wait_indirect_dma semaphore(%dma_wait3A_140 : memref<!tpu.dma_semaphore, #tpu.memory_space<semaphore_mem>>) src(%dma_wait3A_138 : memref<10000x128xf32, #tpu.memory_space<hbm>>) dst(%dma_wait3A_132 : memref<128x128xf32, #tpu.memory_space<vmem>>)
      %dma_start3A_141 = arith.constant 0 : i32
      %dma_start3A_142 = arith.constant 0 : i32
      %dma_start3A_143 = tpu.memref_slice %arg10[%rem3A_126, %dma_start3A_141, %dma_start3A_142] : memref<3x128x128xf32, #tpu.memory_space<vmem>> -> memref<1x128x128xf32, #tpu.memory_space<vmem>>
      %dma_start3A_144 = tpu.memref_squeeze %dma_start3A_143 : memref<1x128x128xf32, #tpu.memory_space<vmem>> -> memref<128x128xf32, #tpu.memory_space<vmem>>
      %dma_start3A_145 = arith.constant 0 : i32
      %dma_start3A_146 = tpu.memref_slice %arg9[%rem3A_128, %dma_start3A_145] : memref<6x128xi32, #tpu.memory_space<vmem>> -> memref<1x128xi32, #tpu.memory_space<vmem>>
      %dma_start3A_147 = tpu.memref_squeeze %dma_start3A_146 : memref<1x128xi32, #tpu.memory_space<vmem>> -> memref<128xi32, #tpu.memory_space<vmem>>
      %dma_start3A_148 = arith.constant 0 : i32
      %dma_start3A_149 = arith.constant 0 : i32
      %dma_start3A_150 = tpu.memref_slice %arg7[%dma_start3A_148, %dma_start3A_149] : memref<10000x128xf32, #tpu.memory_space<vmem_shared>> -> memref<10000x128xf32, #tpu.memory_space<vmem_shared>>
      %dma_start3A_151 = tpu.memref_slice %arg14[%rem3A_126] : memref<3x!tpu.dma_semaphore, #tpu.memory_space<semaphore_mem>> -> memref<1x!tpu.dma_semaphore, #tpu.memory_space<semaphore_mem>>
      %dma_start3A_152 = tpu.memref_squeeze %dma_start3A_151 : memref<1x!tpu.dma_semaphore, #tpu.memory_space<semaphore_mem>> -> memref<!tpu.dma_semaphore, #tpu.memory_space<semaphore_mem>>
      tpu.enqueue_indirect_dma source(%dma_start3A_144 : memref<128x128xf32, #tpu.memory_space<vmem>>) target(%dma_start3A_150 : memref<10000x128xf32, #tpu.memory_space<vmem_shared>>) offsets(%dma_start3A_147 : memref<128xi32, #tpu.memory_space<vmem>>) semaphore(%dma_start3A_152 : memref<!tpu.dma_semaphore, #tpu.memory_space<semaphore_mem>>) {add = true}
      %add3A_153 = arith.constant 2 : i32
      %add3A_154 = arith.addi %while3A_124, %add3A_153 : i32
      %lt3A_155 = arith.cmpi slt, %add3A_154, %add3A_2 : i32
      %convert_element_type3A_156 = arith.extui %lt3A_155 : i1 to i32
      %cond3A_157 = arith.constant 0 : i32
      %cond3A_158 = arith.cmpi ne, %convert_element_type3A_156, %cond3A_157 : i32
      scf.if %cond3A_158 {
        %add3A_165 = arith.constant 2 : i32
        %add3A_166 = arith.addi %while3A_124, %add3A_165 : i32
        %rem3A_167 = arith.constant 3 : i32
        %rem3A_168 = arith.remsi %add3A_166, %rem3A_167 : i32
        %ge3A_169 = arith.constant 1 : i32
        %ge3A_170 = arith.cmpi sge, %while3A_124, %ge3A_169 : i32
        %convert_element_type3A_171 = arith.extui %ge3A_170 : i1 to i32
        %cond3A_172 = arith.constant 0 : i32
        %cond3A_173 = arith.cmpi ne, %convert_element_type3A_171, %cond3A_172 : i32
        scf.if %cond3A_173 {
          %dma_wait3A_218 = arith.constant 0 : i32
          %dma_wait3A_219 = arith.constant 0 : i32
          %dma_wait3A_220 = arith.constant 0 : i32
          %dma_wait3A_221 = tpu.memref_slice %arg10[%rem3A_168, %dma_wait3A_219, %dma_wait3A_220] : memref<3x128x128xf32, #tpu.memory_space<vmem>> -> memref<1x128x128xf32, #tpu.memory_space<vmem>>
          %dma_wait3A_222 = tpu.memref_squeeze %dma_wait3A_221 : memref<1x128x128xf32, #tpu.memory_space<vmem>> -> memref<128x128xf32, #tpu.memory_space<vmem>>
          %dma_wait3A_223 = arith.constant 0 : i32
          %dma_wait3A_224 = tpu.memref_slice %arg9[%dma_wait3A_218, %dma_wait3A_223] : memref<6x128xi32, #tpu.memory_space<vmem>> -> memref<1x128xi32, #tpu.memory_space<vmem>>
          %dma_wait3A_225 = tpu.memref_squeeze %dma_wait3A_224 : memref<1x128xi32, #tpu.memory_space<vmem>> -> memref<128xi32, #tpu.memory_space<vmem>>
          %dma_wait3A_226 = arith.constant 0 : i32
          %dma_wait3A_227 = arith.constant 0 : i32
          %dma_wait3A_228 = tpu.memref_slice %arg7[%dma_wait3A_226, %dma_wait3A_227] : memref<10000x128xf32, #tpu.memory_space<vmem_shared>> -> memref<10000x128xf32, #tpu.memory_space<vmem_shared>>
          %dma_wait3A_229 = tpu.memref_slice %arg14[%rem3A_168] : memref<3x!tpu.dma_semaphore, #tpu.memory_space<semaphore_mem>> -> memref<1x!tpu.dma_semaphore, #tpu.memory_space<semaphore_mem>>
          %dma_wait3A_230 = tpu.memref_squeeze %dma_wait3A_229 : memref<1x!tpu.dma_semaphore, #tpu.memory_space<semaphore_mem>> -> memref<!tpu.dma_semaphore, #tpu.memory_space<semaphore_mem>>
          tpu.wait_indirect_dma semaphore(%dma_wait3A_230 : memref<!tpu.dma_semaphore, #tpu.memory_space<semaphore_mem>>) src(%dma_wait3A_222 : memref<128x128xf32, #tpu.memory_space<vmem>>) dst(%dma_wait3A_228 : memref<10000x128xf32, #tpu.memory_space<vmem_shared>>)
        } else {
        }
        %add3A_174 = arith.constant 2 : i32
        %add3A_175 = arith.addi %while3A_124, %add3A_174 : i32
        %add3A_176 = arith.constant 2 : i32
        %add3A_177 = arith.addi %while3A_124, %add3A_176 : i32
        %rem3A_178 = arith.constant 6 : i32
        %rem3A_179 = arith.remsi %add3A_177, %rem3A_178 : i32
        %add3A_180 = arith.addi %add3A_8, %add3A_175 : i32
        %mul3A_181 = arith.constant 128 : i32
        %mul3A_182 = arith.muli %add3A_180, %mul3A_181 : i32
        %add3A_183 = arith.addi %add3A_8, %add3A_175 : i32
        %mul3A_184 = arith.constant 128 : i32
        %mul3A_185 = arith.muli %add3A_183, %mul3A_184 : i32
        %dma_wait3A_186 = arith.constant 0 : i32
        %dma_wait3A_187 = tpu.memref_slice %arg8[%rem3A_168, %dma_wait3A_186] : memref<3x128xi32, #tpu.memory_space<vmem>> -> memref<1x128xi32, #tpu.memory_space<vmem>>
        %dma_wait3A_188 = tpu.memref_squeeze %dma_wait3A_187 : memref<1x128xi32, #tpu.memory_space<vmem>> -> memref<128xi32, #tpu.memory_space<vmem>>
        %dma_wait3A_189 = tpu.memref_slice %arg3[%mul3A_182] : memref<320000xi32, #tpu.memory_space<hbm>> -> memref<128xi32, #tpu.memory_space<hbm>>
        %dma_wait3A_190 = tpu.memref_slice %arg12[%rem3A_168] : memref<3x!tpu.dma_semaphore, #tpu.memory_space<semaphore_mem>> -> memref<1x!tpu.dma_semaphore, #tpu.memory_space<semaphore_mem>>
        %dma_wait3A_191 = tpu.memref_squeeze %dma_wait3A_190 : memref<1x!tpu.dma_semaphore, #tpu.memory_space<semaphore_mem>> -> memref<!tpu.dma_semaphore, #tpu.memory_space<semaphore_mem>>
        %dma_wait3A_192 = arith.constant 0 : i32
        %dma_wait3A_193 = tpu.memref_slice %arg8[%rem3A_168, %dma_wait3A_192] : memref<3x128xi32, #tpu.memory_space<vmem>> -> memref<1x128xi32, #tpu.memory_space<vmem>>
        %dma_wait3A_194 = tpu.memref_squeeze %dma_wait3A_193 : memref<1x128xi32, #tpu.memory_space<vmem>> -> memref<128xi32, #tpu.memory_space<vmem>>
        %dma_wait3A_195 = tpu.memref_slice %arg3[%mul3A_182] : memref<320000xi32, #tpu.memory_space<hbm>> -> memref<128xi32, #tpu.memory_space<hbm>>
        tpu.wait_dma2 semaphore(%dma_wait3A_191 : memref<!tpu.dma_semaphore, #tpu.memory_space<semaphore_mem>>) src(%dma_wait3A_195 : memref<128xi32, #tpu.memory_space<hbm>>) dst(%dma_wait3A_194 : memref<128xi32, #tpu.memory_space<vmem>>)
        %dma_wait3A_196 = arith.constant 0 : i32
        %dma_wait3A_197 = tpu.memref_slice %arg9[%rem3A_179, %dma_wait3A_196] : memref<6x128xi32, #tpu.memory_space<vmem>> -> memref<1x128xi32, #tpu.memory_space<vmem>>
        %dma_wait3A_198 = tpu.memref_squeeze %dma_wait3A_197 : memref<1x128xi32, #tpu.memory_space<vmem>> -> memref<128xi32, #tpu.memory_space<vmem>>
        %dma_wait3A_199 = tpu.memref_slice %arg4[%mul3A_185] : memref<320000xi32, #tpu.memory_space<hbm>> -> memref<128xi32, #tpu.memory_space<hbm>>
        %dma_wait3A_200 = tpu.memref_slice %arg13[%rem3A_179] : memref<6x!tpu.dma_semaphore, #tpu.memory_space<semaphore_mem>> -> memref<1x!tpu.dma_semaphore, #tpu.memory_space<semaphore_mem>>
        %dma_wait3A_201 = tpu.memref_squeeze %dma_wait3A_200 : memref<1x!tpu.dma_semaphore, #tpu.memory_space<semaphore_mem>> -> memref<!tpu.dma_semaphore, #tpu.memory_space<semaphore_mem>>
        %dma_wait3A_202 = arith.constant 0 : i32
        %dma_wait3A_203 = tpu.memref_slice %arg9[%rem3A_179, %dma_wait3A_202] : memref<6x128xi32, #tpu.memory_space<vmem>> -> memref<1x128xi32, #tpu.memory_space<vmem>>
        %dma_wait3A_204 = tpu.memref_squeeze %dma_wait3A_203 : memref<1x128xi32, #tpu.memory_space<vmem>> -> memref<128xi32, #tpu.memory_space<vmem>>
        %dma_wait3A_205 = tpu.memref_slice %arg4[%mul3A_185] : memref<320000xi32, #tpu.memory_space<hbm>> -> memref<128xi32, #tpu.memory_space<hbm>>
        tpu.wait_dma2 semaphore(%dma_wait3A_201 : memref<!tpu.dma_semaphore, #tpu.memory_space<semaphore_mem>>) src(%dma_wait3A_205 : memref<128xi32, #tpu.memory_space<hbm>>) dst(%dma_wait3A_204 : memref<128xi32, #tpu.memory_space<vmem>>)
        %dma_start3A_206 = arith.constant 0 : i32
        %dma_start3A_207 = arith.constant 0 : i32
        %dma_start3A_208 = tpu.memref_slice %arg10[%rem3A_168, %dma_start3A_206, %dma_start3A_207] : memref<3x128x128xf32, #tpu.memory_space<vmem>> -> memref<1x128x128xf32, #tpu.memory_space<vmem>>
        %dma_start3A_209 = tpu.memref_squeeze %dma_start3A_208 : memref<1x128x128xf32, #tpu.memory_space<vmem>> -> memref<128x128xf32, #tpu.memory_space<vmem>>
        %dma_start3A_210 = arith.constant 0 : i32
        %dma_start3A_211 = tpu.memref_slice %arg8[%rem3A_168, %dma_start3A_210] : memref<3x128xi32, #tpu.memory_space<vmem>> -> memref<1x128xi32, #tpu.memory_space<vmem>>
        %dma_start3A_212 = tpu.memref_squeeze %dma_start3A_211 : memref<1x128xi32, #tpu.memory_space<vmem>> -> memref<128xi32, #tpu.memory_space<vmem>>
        %dma_start3A_213 = arith.constant 0 : i32
        %dma_start3A_214 = arith.constant 0 : i32
        %dma_start3A_215 = tpu.memref_slice %arg2[%dma_start3A_213, %dma_start3A_214] : memref<10000x128xf32, #tpu.memory_space<hbm>> -> memref<10000x128xf32, #tpu.memory_space<hbm>>
        %dma_start3A_216 = tpu.memref_slice %arg11[%rem3A_168] : memref<3x!tpu.dma_semaphore, #tpu.memory_space<semaphore_mem>> -> memref<1x!tpu.dma_semaphore, #tpu.memory_space<semaphore_mem>>
        %dma_start3A_217 = tpu.memref_squeeze %dma_start3A_216 : memref<1x!tpu.dma_semaphore, #tpu.memory_space<semaphore_mem>> -> memref<!tpu.dma_semaphore, #tpu.memory_space<semaphore_mem>>
        tpu.enqueue_indirect_dma source(%dma_start3A_215 : memref<10000x128xf32, #tpu.memory_space<hbm>>) target(%dma_start3A_209 : memref<128x128xf32, #tpu.memory_space<vmem>>) offsets(%dma_start3A_212 : memref<128xi32, #tpu.memory_space<vmem>>) semaphore(%dma_start3A_217 : memref<!tpu.dma_semaphore, #tpu.memory_space<semaphore_mem>>)
      } else {
      }
      %add3A_159 = arith.constant 3 : i32
      %add3A_160 = arith.addi %while3A_124, %add3A_159 : i32
      %lt3A_161 = arith.cmpi slt, %add3A_160, %add3A_2 : i32
      %convert_element_type3A_162 = arith.extui %lt3A_161 : i1 to i32
      %cond3A_163 = arith.constant 0 : i32
      %cond3A_164 = arith.cmpi ne, %convert_element_type3A_162, %cond3A_163 : i32
      scf.if %cond3A_164 {
        %add3A_165 = arith.constant 3 : i32
        %add3A_166 = arith.addi %while3A_124, %add3A_165 : i32
        %add3A_167 = arith.constant 3 : i32
        %add3A_168 = arith.addi %while3A_124, %add3A_167 : i32
        %rem3A_169 = arith.constant 6 : i32
        %rem3A_170 = arith.remsi %add3A_168, %rem3A_169 : i32
        %add3A_171 = arith.addi %add3A_8, %add3A_166 : i32
        %mul3A_172 = arith.constant 128 : i32
        %mul3A_173 = arith.muli %add3A_171, %mul3A_172 : i32
        %add3A_174 = arith.addi %add3A_8, %add3A_166 : i32
        %mul3A_175 = arith.constant 128 : i32
        %mul3A_176 = arith.muli %add3A_174, %mul3A_175 : i32
        %dma_start3A_177 = arith.constant 0 : i32
        %dma_start3A_178 = tpu.memref_slice %arg8[%rem3A_126, %dma_start3A_177] : memref<3x128xi32, #tpu.memory_space<vmem>> -> memref<1x128xi32, #tpu.memory_space<vmem>>
        %dma_start3A_179 = tpu.memref_squeeze %dma_start3A_178 : memref<1x128xi32, #tpu.memory_space<vmem>> -> memref<128xi32, #tpu.memory_space<vmem>>
        %dma_start3A_180 = tpu.memref_slice %arg3[%mul3A_173] : memref<320000xi32, #tpu.memory_space<hbm>> -> memref<128xi32, #tpu.memory_space<hbm>>
        %dma_start3A_181 = tpu.memref_slice %arg12[%rem3A_126] : memref<3x!tpu.dma_semaphore, #tpu.memory_space<semaphore_mem>> -> memref<1x!tpu.dma_semaphore, #tpu.memory_space<semaphore_mem>>
        %dma_start3A_182 = tpu.memref_squeeze %dma_start3A_181 : memref<1x!tpu.dma_semaphore, #tpu.memory_space<semaphore_mem>> -> memref<!tpu.dma_semaphore, #tpu.memory_space<semaphore_mem>>
        %dma_start3A_183 = arith.constant 0 : i32
        %dma_start3A_184 = tpu.memref_slice %arg8[%rem3A_126, %dma_start3A_183] : memref<3x128xi32, #tpu.memory_space<vmem>> -> memref<1x128xi32, #tpu.memory_space<vmem>>
        %dma_start3A_185 = tpu.memref_squeeze %dma_start3A_184 : memref<1x128xi32, #tpu.memory_space<vmem>> -> memref<128xi32, #tpu.memory_space<vmem>>
        %dma_start3A_186 = tpu.memref_slice %arg3[%mul3A_173] : memref<320000xi32, #tpu.memory_space<hbm>> -> memref<128xi32, #tpu.memory_space<hbm>>
        tpu.enqueue_dma source(%dma_start3A_186 : memref<128xi32, #tpu.memory_space<hbm>>) target(%dma_start3A_185 : memref<128xi32, #tpu.memory_space<vmem>>) target_semaphore(%dma_start3A_182 : memref<!tpu.dma_semaphore, #tpu.memory_space<semaphore_mem>>)
        %dma_start3A_187 = arith.constant 0 : i32
        %dma_start3A_188 = tpu.memref_slice %arg9[%rem3A_170, %dma_start3A_187] : memref<6x128xi32, #tpu.memory_space<vmem>> -> memref<1x128xi32, #tpu.memory_space<vmem>>
        %dma_start3A_189 = tpu.memref_squeeze %dma_start3A_188 : memref<1x128xi32, #tpu.memory_space<vmem>> -> memref<128xi32, #tpu.memory_space<vmem>>
        %dma_start3A_190 = tpu.memref_slice %arg4[%mul3A_176] : memref<320000xi32, #tpu.memory_space<hbm>> -> memref<128xi32, #tpu.memory_space<hbm>>
        %dma_start3A_191 = tpu.memref_slice %arg13[%rem3A_170] : memref<6x!tpu.dma_semaphore, #tpu.memory_space<semaphore_mem>> -> memref<1x!tpu.dma_semaphore, #tpu.memory_space<semaphore_mem>>
        %dma_start3A_192 = tpu.memref_squeeze %dma_start3A_191 : memref<1x!tpu.dma_semaphore, #tpu.memory_space<semaphore_mem>> -> memref<!tpu.dma_semaphore, #tpu.memory_space<semaphore_mem>>
        %dma_start3A_193 = arith.constant 0 : i32
        %dma_start3A_194 = tpu.memref_slice %arg9[%rem3A_170, %dma_start3A_193] : memref<6x128xi32, #tpu.memory_space<vmem>> -> memref<1x128xi32, #tpu.memory_space<vmem>>
        %dma_start3A_195 = tpu.memref_squeeze %dma_start3A_194 : memref<1x128xi32, #tpu.memory_space<vmem>> -> memref<128xi32, #tpu.memory_space<vmem>>
        %dma_start3A_196 = tpu.memref_slice %arg4[%mul3A_176] : memref<320000xi32, #tpu.memory_space<hbm>> -> memref<128xi32, #tpu.memory_space<hbm>>
        tpu.enqueue_dma source(%dma_start3A_196 : memref<128xi32, #tpu.memory_space<hbm>>) target(%dma_start3A_195 : memref<128xi32, #tpu.memory_space<vmem>>) target_semaphore(%dma_start3A_192 : memref<!tpu.dma_semaphore, #tpu.memory_space<semaphore_mem>>)
      } else {
      }
    }
    %while3A_88 = arith.constant 1 : i32
    scf.for %while3A_124 = %while3A_86 to %while3A_82 step %while3A_88  : i32 {
      %rem3A_125 = arith.constant 3 : i32
      %rem3A_126 = arith.remsi %while3A_124, %rem3A_125 : i32
      %rem3A_127 = arith.constant 6 : i32
      %rem3A_128 = arith.remsi %while3A_124, %rem3A_127 : i32
      %dma_wait3A_129 = arith.constant 0 : i32
      %dma_wait3A_130 = arith.constant 0 : i32
      %dma_wait3A_131 = tpu.memref_slice %arg10[%rem3A_126, %dma_wait3A_129, %dma_wait3A_130] : memref<3x128x128xf32, #tpu.memory_space<vmem>> -> memref<1x128x128xf32, #tpu.memory_space<vmem>>
      %dma_wait3A_132 = tpu.memref_squeeze %dma_wait3A_131 : memref<1x128x128xf32, #tpu.memory_space<vmem>> -> memref<128x128xf32, #tpu.memory_space<vmem>>
      %dma_wait3A_133 = arith.constant 0 : i32
      %dma_wait3A_134 = tpu.memref_slice %arg8[%rem3A_126, %dma_wait3A_133] : memref<3x128xi32, #tpu.memory_space<vmem>> -> memref<1x128xi32, #tpu.memory_space<vmem>>
      %dma_wait3A_135 = tpu.memref_squeeze %dma_wait3A_134 : memref<1x128xi32, #tpu.memory_space<vmem>> -> memref<128xi32, #tpu.memory_space<vmem>>
      %dma_wait3A_136 = arith.constant 0 : i32
      %dma_wait3A_137 = arith.constant 0 : i32
      %dma_wait3A_138 = tpu.memref_slice %arg2[%dma_wait3A_136, %dma_wait3A_137] : memref<10000x128xf32, #tpu.memory_space<hbm>> -> memref<10000x128xf32, #tpu.memory_space<hbm>>
      %dma_wait3A_139 = tpu.memref_slice %arg11[%rem3A_126] : memref<3x!tpu.dma_semaphore, #tpu.memory_space<semaphore_mem>> -> memref<1x!tpu.dma_semaphore, #tpu.memory_space<semaphore_mem>>
      %dma_wait3A_140 = tpu.memref_squeeze %dma_wait3A_139 : memref<1x!tpu.dma_semaphore, #tpu.memory_space<semaphore_mem>> -> memref<!tpu.dma_semaphore, #tpu.memory_space<semaphore_mem>>
      tpu.wait_indirect_dma semaphore(%dma_wait3A_140 : memref<!tpu.dma_semaphore, #tpu.memory_space<semaphore_mem>>) src(%dma_wait3A_138 : memref<10000x128xf32, #tpu.memory_space<hbm>>) dst(%dma_wait3A_132 : memref<128x128xf32, #tpu.memory_space<vmem>>)
      %dma_start3A_141 = arith.constant 0 : i32
      %dma_start3A_142 = arith.constant 0 : i32
      %dma_start3A_143 = tpu.memref_slice %arg10[%rem3A_126, %dma_start3A_141, %dma_start3A_142] : memref<3x128x128xf32, #tpu.memory_space<vmem>> -> memref<1x128x128xf32, #tpu.memory_space<vmem>>
      %dma_start3A_144 = tpu.memref_squeeze %dma_start3A_143 : memref<1x128x128xf32, #tpu.memory_space<vmem>> -> memref<128x128xf32, #tpu.memory_space<vmem>>
      %dma_start3A_145 = arith.constant 0 : i32
      %dma_start3A_146 = tpu.memref_slice %arg9[%rem3A_128, %dma_start3A_145] : memref<6x128xi32, #tpu.memory_space<vmem>> -> memref<1x128xi32, #tpu.memory_space<vmem>>
      %dma_start3A_147 = tpu.memref_squeeze %dma_start3A_146 : memref<1x128xi32, #tpu.memory_space<vmem>> -> memref<128xi32, #tpu.memory_space<vmem>>
      %dma_start3A_148 = arith.constant 0 : i32
      %dma_start3A_149 = arith.constant 0 : i32
      %dma_start3A_150 = tpu.memref_slice %arg7[%dma_start3A_148, %dma_start3A_149] : memref<10000x128xf32, #tpu.memory_space<vmem_shared>> -> memref<10000x128xf32, #tpu.memory_space<vmem_shared>>
      %dma_start3A_151 = tpu.memref_slice %arg14[%rem3A_126] : memref<3x!tpu.dma_semaphore, #tpu.memory_space<semaphore_mem>> -> memref<1x!tpu.dma_semaphore, #tpu.memory_space<semaphore_mem>>
      %dma_start3A_152 = tpu.memref_squeeze %dma_start3A_151 : memref<1x!tpu.dma_semaphore, #tpu.memory_space<semaphore_mem>> -> memref<!tpu.dma_semaphore, #tpu.memory_space<semaphore_mem>>
      tpu.enqueue_indirect_dma source(%dma_start3A_144 : memref<128x128xf32, #tpu.memory_space<vmem>>) target(%dma_start3A_150 : memref<10000x128xf32, #tpu.memory_space<vmem_shared>>) offsets(%dma_start3A_147 : memref<128xi32, #tpu.memory_space<vmem>>) semaphore(%dma_start3A_152 : memref<!tpu.dma_semaphore, #tpu.memory_space<semaphore_mem>>) {add = true}
      %add3A_153 = arith.constant 2 : i32
      %add3A_154 = arith.addi %while3A_124, %add3A_153 : i32
      %lt3A_155 = arith.cmpi slt, %add3A_154, %add3A_2 : i32
      %convert_element_type3A_156 = arith.extui %lt3A_155 : i1 to i32
      %cond3A_157 = arith.constant 0 : i32
      %cond3A_158 = arith.cmpi ne, %convert_element_type3A_156, %cond3A_157 : i32
      scf.if %cond3A_158 {
        %add3A_165 = arith.constant 2 : i32
        %add3A_166 = arith.addi %while3A_124, %add3A_165 : i32
        %rem3A_167 = arith.constant 3 : i32
        %rem3A_168 = arith.remsi %add3A_166, %rem3A_167 : i32
        %ge3A_169 = arith.constant 1 : i32
        %ge3A_170 = arith.cmpi sge, %while3A_124, %ge3A_169 : i32
        %convert_element_type3A_171 = arith.extui %ge3A_170 : i1 to i32
        %cond3A_172 = arith.constant 0 : i32
        %cond3A_173 = arith.cmpi ne, %convert_element_type3A_171, %cond3A_172 : i32
        scf.if %cond3A_173 {
          %dma_wait3A_218 = arith.constant 0 : i32
          %dma_wait3A_219 = arith.constant 0 : i32
          %dma_wait3A_220 = arith.constant 0 : i32
          %dma_wait3A_221 = tpu.memref_slice %arg10[%rem3A_168, %dma_wait3A_219, %dma_wait3A_220] : memref<3x128x128xf32, #tpu.memory_space<vmem>> -> memref<1x128x128xf32, #tpu.memory_space<vmem>>
          %dma_wait3A_222 = tpu.memref_squeeze %dma_wait3A_221 : memref<1x128x128xf32, #tpu.memory_space<vmem>> -> memref<128x128xf32, #tpu.memory_space<vmem>>
          %dma_wait3A_223 = arith.constant 0 : i32
          %dma_wait3A_224 = tpu.memref_slice %arg9[%dma_wait3A_218, %dma_wait3A_223] : memref<6x128xi32, #tpu.memory_space<vmem>> -> memref<1x128xi32, #tpu.memory_space<vmem>>
          %dma_wait3A_225 = tpu.memref_squeeze %dma_wait3A_224 : memref<1x128xi32, #tpu.memory_space<vmem>> -> memref<128xi32, #tpu.memory_space<vmem>>
          %dma_wait3A_226 = arith.constant 0 : i32
          %dma_wait3A_227 = arith.constant 0 : i32
          %dma_wait3A_228 = tpu.memref_slice %arg7[%dma_wait3A_226, %dma_wait3A_227] : memref<10000x128xf32, #tpu.memory_space<vmem_shared>> -> memref<10000x128xf32, #tpu.memory_space<vmem_shared>>
          %dma_wait3A_229 = tpu.memref_slice %arg14[%rem3A_168] : memref<3x!tpu.dma_semaphore, #tpu.memory_space<semaphore_mem>> -> memref<1x!tpu.dma_semaphore, #tpu.memory_space<semaphore_mem>>
          %dma_wait3A_230 = tpu.memref_squeeze %dma_wait3A_229 : memref<1x!tpu.dma_semaphore, #tpu.memory_space<semaphore_mem>> -> memref<!tpu.dma_semaphore, #tpu.memory_space<semaphore_mem>>
          tpu.wait_indirect_dma semaphore(%dma_wait3A_230 : memref<!tpu.dma_semaphore, #tpu.memory_space<semaphore_mem>>) src(%dma_wait3A_222 : memref<128x128xf32, #tpu.memory_space<vmem>>) dst(%dma_wait3A_228 : memref<10000x128xf32, #tpu.memory_space<vmem_shared>>)
        } else {
        }
        %add3A_174 = arith.constant 2 : i32
        %add3A_175 = arith.addi %while3A_124, %add3A_174 : i32
        %add3A_176 = arith.constant 2 : i32
        %add3A_177 = arith.addi %while3A_124, %add3A_176 : i32
        %rem3A_178 = arith.constant 6 : i32
        %rem3A_179 = arith.remsi %add3A_177, %rem3A_178 : i32
        %add3A_180 = arith.addi %add3A_8, %add3A_175 : i32
        %mul3A_181 = arith.constant 128 : i32
        %mul3A_182 = arith.muli %add3A_180, %mul3A_181 : i32
        %add3A_183 = arith.addi %add3A_8, %add3A_175 : i32
        %mul3A_184 = arith.constant 128 : i32
        %mul3A_185 = arith.muli %add3A_183, %mul3A_184 : i32
        %dma_wait3A_186 = arith.constant 0 : i32
        %dma_wait3A_187 = tpu.memref_slice %arg8[%rem3A_168, %dma_wait3A_186] : memref<3x128xi32, #tpu.memory_space<vmem>> -> memref<1x128xi32, #tpu.memory_space<vmem>>
        %dma_wait3A_188 = tpu.memref_squeeze %dma_wait3A_187 : memref<1x128xi32, #tpu.memory_space<vmem>> -> memref<128xi32, #tpu.memory_space<vmem>>
        %dma_wait3A_189 = tpu.memref_slice %arg3[%mul3A_182] : memref<320000xi32, #tpu.memory_space<hbm>> -> memref<128xi32, #tpu.memory_space<hbm>>
        %dma_wait3A_190 = tpu.memref_slice %arg12[%rem3A_168] : memref<3x!tpu.dma_semaphore, #tpu.memory_space<semaphore_mem>> -> memref<1x!tpu.dma_semaphore, #tpu.memory_space<semaphore_mem>>
        %dma_wait3A_191 = tpu.memref_squeeze %dma_wait3A_190 : memref<1x!tpu.dma_semaphore, #tpu.memory_space<semaphore_mem>> -> memref<!tpu.dma_semaphore, #tpu.memory_space<semaphore_mem>>
        %dma_wait3A_192 = arith.constant 0 : i32
        %dma_wait3A_193 = tpu.memref_slice %arg8[%rem3A_168, %dma_wait3A_192] : memref<3x128xi32, #tpu.memory_space<vmem>> -> memref<1x128xi32, #tpu.memory_space<vmem>>
        %dma_wait3A_194 = tpu.memref_squeeze %dma_wait3A_193 : memref<1x128xi32, #tpu.memory_space<vmem>> -> memref<128xi32, #tpu.memory_space<vmem>>
        %dma_wait3A_195 = tpu.memref_slice %arg3[%mul3A_182] : memref<320000xi32, #tpu.memory_space<hbm>> -> memref<128xi32, #tpu.memory_space<hbm>>
        tpu.wait_dma2 semaphore(%dma_wait3A_191 : memref<!tpu.dma_semaphore, #tpu.memory_space<semaphore_mem>>) src(%dma_wait3A_195 : memref<128xi32, #tpu.memory_space<hbm>>) dst(%dma_wait3A_194 : memref<128xi32, #tpu.memory_space<vmem>>)
        %dma_wait3A_196 = arith.constant 0 : i32
        %dma_wait3A_197 = tpu.memref_slice %arg9[%rem3A_179, %dma_wait3A_196] : memref<6x128xi32, #tpu.memory_space<vmem>> -> memref<1x128xi32, #tpu.memory_space<vmem>>
        %dma_wait3A_198 = tpu.memref_squeeze %dma_wait3A_197 : memref<1x128xi32, #tpu.memory_space<vmem>> -> memref<128xi32, #tpu.memory_space<vmem>>
        %dma_wait3A_199 = tpu.memref_slice %arg4[%mul3A_185] : memref<320000xi32, #tpu.memory_space<hbm>> -> memref<128xi32, #tpu.memory_space<hbm>>
        %dma_wait3A_200 = tpu.memref_slice %arg13[%rem3A_179] : memref<6x!tpu.dma_semaphore, #tpu.memory_space<semaphore_mem>> -> memref<1x!tpu.dma_semaphore, #tpu.memory_space<semaphore_mem>>
        %dma_wait3A_201 = tpu.memref_squeeze %dma_wait3A_200 : memref<1x!tpu.dma_semaphore, #tpu.memory_space<semaphore_mem>> -> memref<!tpu.dma_semaphore, #tpu.memory_space<semaphore_mem>>
        %dma_wait3A_202 = arith.constant 0 : i32
        %dma_wait3A_203 = tpu.memref_slice %arg9[%rem3A_179, %dma_wait3A_202] : memref<6x128xi32, #tpu.memory_space<vmem>> -> memref<1x128xi32, #tpu.memory_space<vmem>>
        %dma_wait3A_204 = tpu.memref_squeeze %dma_wait3A_203 : memref<1x128xi32, #tpu.memory_space<vmem>> -> memref<128xi32, #tpu.memory_space<vmem>>
        %dma_wait3A_205 = tpu.memref_slice %arg4[%mul3A_185] : memref<320000xi32, #tpu.memory_space<hbm>> -> memref<128xi32, #tpu.memory_space<hbm>>
        tpu.wait_dma2 semaphore(%dma_wait3A_201 : memref<!tpu.dma_semaphore, #tpu.memory_space<semaphore_mem>>) src(%dma_wait3A_205 : memref<128xi32, #tpu.memory_space<hbm>>) dst(%dma_wait3A_204 : memref<128xi32, #tpu.memory_space<vmem>>)
        %dma_start3A_206 = arith.constant 0 : i32
        %dma_start3A_207 = arith.constant 0 : i32
        %dma_start3A_208 = tpu.memref_slice %arg10[%rem3A_168, %dma_start3A_206, %dma_start3A_207] : memref<3x128x128xf32, #tpu.memory_space<vmem>> -> memref<1x128x128xf32, #tpu.memory_space<vmem>>
        %dma_start3A_209 = tpu.memref_squeeze %dma_start3A_208 : memref<1x128x128xf32, #tpu.memory_space<vmem>> -> memref<128x128xf32, #tpu.memory_space<vmem>>
        %dma_start3A_210 = arith.constant 0 : i32
        %dma_start3A_211 = tpu.memref_slice %arg8[%rem3A_168, %dma_start3A_210] : memref<3x128xi32, #tpu.memory_space<vmem>> -> memref<1x128xi32, #tpu.memory_space<vmem>>
        %dma_start3A_212 = tpu.memref_squeeze %dma_start3A_211 : memref<1x128xi32, #tpu.memory_space<vmem>> -> memref<128xi32, #tpu.memory_space<vmem>>
        %dma_start3A_213 = arith.constant 0 : i32
        %dma_start3A_214 = arith.constant 0 : i32
        %dma_start3A_215 = tpu.memref_slice %arg2[%dma_start3A_213, %dma_start3A_214] : memref<10000x128xf32, #tpu.memory_space<hbm>> -> memref<10000x128xf32, #tpu.memory_space<hbm>>
        %dma_start3A_216 = tpu.memref_slice %arg11[%rem3A_168] : memref<3x!tpu.dma_semaphore, #tpu.memory_space<semaphore_mem>> -> memref<1x!tpu.dma_semaphore, #tpu.memory_space<semaphore_mem>>
        %dma_start3A_217 = tpu.memref_squeeze %dma_start3A_216 : memref<1x!tpu.dma_semaphore, #tpu.memory_space<semaphore_mem>> -> memref<!tpu.dma_semaphore, #tpu.memory_space<semaphore_mem>>
        tpu.enqueue_indirect_dma source(%dma_start3A_215 : memref<10000x128xf32, #tpu.memory_space<hbm>>) target(%dma_start3A_209 : memref<128x128xf32, #tpu.memory_space<vmem>>) offsets(%dma_start3A_212 : memref<128xi32, #tpu.memory_space<vmem>>) semaphore(%dma_start3A_217 : memref<!tpu.dma_semaphore, #tpu.memory_space<semaphore_mem>>)
      } else {
      }
      %add3A_159 = arith.constant 3 : i32
      %add3A_160 = arith.addi %while3A_124, %add3A_159 : i32
      %lt3A_161 = arith.cmpi slt, %add3A_160, %add3A_2 : i32
      %convert_element_type3A_162 = arith.extui %lt3A_161 : i1 to i32
      %cond3A_163 = arith.constant 0 : i32
      %cond3A_164 = arith.cmpi ne, %convert_element_type3A_162, %cond3A_163 : i32
      scf.if %cond3A_164 {
        %add3A_165 = arith.constant 3 : i32
        %add3A_166 = arith.addi %while3A_124, %add3A_165 : i32
        %add3A_167 = arith.constant 3 : i32
        %add3A_168 = arith.addi %while3A_124, %add3A_167 : i32
        %rem3A_169 = arith.constant 6 : i32
        %rem3A_170 = arith.remsi %add3A_168, %rem3A_169 : i32
        %add3A_171 = arith.addi %add3A_8, %add3A_166 : i32
        %mul3A_172 = arith.constant 128 : i32
        %mul3A_173 = arith.muli %add3A_171, %mul3A_172 : i32
        %add3A_174 = arith.addi %add3A_8, %add3A_166 : i32
        %mul3A_175 = arith.constant 128 : i32
        %mul3A_176 = arith.muli %add3A_174, %mul3A_175 : i32
        %dma_start3A_177 = arith.constant 0 : i32
        %dma_start3A_178 = tpu.memref_slice %arg8[%rem3A_126, %dma_start3A_177] : memref<3x128xi32, #tpu.memory_space<vmem>> -> memref<1x128xi32, #tpu.memory_space<vmem>>
        %dma_start3A_179 = tpu.memref_squeeze %dma_start3A_178 : memref<1x128xi32, #tpu.memory_space<vmem>> -> memref<128xi32, #tpu.memory_space<vmem>>
        %dma_start3A_180 = tpu.memref_slice %arg3[%mul3A_173] : memref<320000xi32, #tpu.memory_space<hbm>> -> memref<128xi32, #tpu.memory_space<hbm>>
        %dma_start3A_181 = tpu.memref_slice %arg12[%rem3A_126] : memref<3x!tpu.dma_semaphore, #tpu.memory_space<semaphore_mem>> -> memref<1x!tpu.dma_semaphore, #tpu.memory_space<semaphore_mem>>
        %dma_start3A_182 = tpu.memref_squeeze %dma_start3A_181 : memref<1x!tpu.dma_semaphore, #tpu.memory_space<semaphore_mem>> -> memref<!tpu.dma_semaphore, #tpu.memory_space<semaphore_mem>>
        %dma_start3A_183 = arith.constant 0 : i32
        %dma_start3A_184 = tpu.memref_slice %arg8[%rem3A_126, %dma_start3A_183] : memref<3x128xi32, #tpu.memory_space<vmem>> -> memref<1x128xi32, #tpu.memory_space<vmem>>
        %dma_start3A_185 = tpu.memref_squeeze %dma_start3A_184 : memref<1x128xi32, #tpu.memory_space<vmem>> -> memref<128xi32, #tpu.memory_space<vmem>>
        %dma_start3A_186 = tpu.memref_slice %arg3[%mul3A_173] : memref<320000xi32, #tpu.memory_space<hbm>> -> memref<128xi32, #tpu.memory_space<hbm>>
        tpu.enqueue_dma source(%dma_start3A_186 : memref<128xi32, #tpu.memory_space<hbm>>) target(%dma_start3A_185 : memref<128xi32, #tpu.memory_space<vmem>>) target_semaphore(%dma_start3A_182 : memref<!tpu.dma_semaphore, #tpu.memory_space<semaphore_mem>>)
        %dma_start3A_187 = arith.constant 0 : i32
        %dma_start3A_188 = tpu.memref_slice %arg9[%rem3A_170, %dma_start3A_187] : memref<6x128xi32, #tpu.memory_space<vmem>> -> memref<1x128xi32, #tpu.memory_space<vmem>>
        %dma_start3A_189 = tpu.memref_squeeze %dma_start3A_188 : memref<1x128xi32, #tpu.memory_space<vmem>> -> memref<128xi32, #tpu.memory_space<vmem>>
        %dma_start3A_190 = tpu.memref_slice %arg4[%mul3A_176] : memref<320000xi32, #tpu.memory_space<hbm>> -> memref<128xi32, #tpu.memory_space<hbm>>
        %dma_start3A_191 = tpu.memref_slice %arg13[%rem3A_170] : memref<6x!tpu.dma_semaphore, #tpu.memory_space<semaphore_mem>> -> memref<1x!tpu.dma_semaphore, #tpu.memory_space<semaphore_mem>>
        %dma_start3A_192 = tpu.memref_squeeze %dma_start3A_191 : memref<1x!tpu.dma_semaphore, #tpu.memory_space<semaphore_mem>> -> memref<!tpu.dma_semaphore, #tpu.memory_space<semaphore_mem>>
        %dma_start3A_193 = arith.constant 0 : i32
        %dma_start3A_194 = tpu.memref_slice %arg9[%rem3A_170, %dma_start3A_193] : memref<6x128xi32, #tpu.memory_space<vmem>> -> memref<1x128xi32, #tpu.memory_space<vmem>>
        %dma_start3A_195 = tpu.memref_squeeze %dma_start3A_194 : memref<1x128xi32, #tpu.memory_space<vmem>> -> memref<128xi32, #tpu.memory_space<vmem>>
        %dma_start3A_196 = tpu.memref_slice %arg4[%mul3A_176] : memref<320000xi32, #tpu.memory_space<hbm>> -> memref<128xi32, #tpu.memory_space<hbm>>
        tpu.enqueue_dma source(%dma_start3A_196 : memref<128xi32, #tpu.memory_space<hbm>>) target(%dma_start3A_195 : memref<128xi32, #tpu.memory_space<vmem>>) target_semaphore(%dma_start3A_192 : memref<!tpu.dma_semaphore, #tpu.memory_space<semaphore_mem>>)
      } else {
      }
    }
    %ge3A = arith.constant 3 : i32
    %ge3A_89 = arith.cmpi sge, %add3A_2, %ge3A : i32
    %convert_element_type3A_90 = arith.extui %ge3A_89 : i1 to i32
    %cond3A_91 = arith.constant 0 : i32
    %cond3A_92 = arith.cmpi ne, %convert_element_type3A_90, %cond3A_91 : i32
    scf.if %cond3A_92 {
      %sub3A_124 = arith.constant 3 : i32
      %sub3A_125 = arith.subi %add3A_2, %sub3A_124 : i32
      %rem3A_126 = arith.constant 3 : i32
      %rem3A_127 = arith.remsi %sub3A_125, %rem3A_126 : i32
      %dma_wait3A_128 = arith.constant 0 : i32
      %dma_wait3A_129 = arith.constant 0 : i32
      %dma_wait3A_130 = arith.constant 0 : i32
      %dma_wait3A_131 = tpu.memref_slice %arg10[%rem3A_127, %dma_wait3A_129, %dma_wait3A_130] : memref<3x128x128xf32, #tpu.memory_space<vmem>> -> memref<1x128x128xf32, #tpu.memory_space<vmem>>
      %dma_wait3A_132 = tpu.memref_squeeze %dma_wait3A_131 : memref<1x128x128xf32, #tpu.memory_space<vmem>> -> memref<128x128xf32, #tpu.memory_space<vmem>>
      %dma_wait3A_133 = arith.constant 0 : i32
      %dma_wait3A_134 = tpu.memref_slice %arg9[%dma_wait3A_128, %dma_wait3A_133] : memref<6x128xi32, #tpu.memory_space<vmem>> -> memref<1x128xi32, #tpu.memory_space<vmem>>
      %dma_wait3A_135 = tpu.memref_squeeze %dma_wait3A_134 : memref<1x128xi32, #tpu.memory_space<vmem>> -> memref<128xi32, #tpu.memory_space<vmem>>
      %dma_wait3A_136 = arith.constant 0 : i32
      %dma_wait3A_137 = arith.constant 0 : i32
      %dma_wait3A_138 = tpu.memref_slice %arg7[%dma_wait3A_136, %dma_wait3A_137] : memref<10000x128xf32, #tpu.memory_space<vmem_shared>> -> memref<10000x128xf32, #tpu.memory_space<vmem_shared>>
      %dma_wait3A_139 = tpu.memref_slice %arg14[%rem3A_127] : memref<3x!tpu.dma_semaphore, #tpu.memory_space<semaphore_mem>> -> memref<1x!tpu.dma_semaphore, #tpu.memory_space<semaphore_mem>>
      %dma_wait3A_140 = tpu.memref_squeeze %dma_wait3A_139 : memref<1x!tpu.dma_semaphore, #tpu.memory_space<semaphore_mem>> -> memref<!tpu.dma_semaphore, #tpu.memory_space<semaphore_mem>>
      tpu.wait_indirect_dma semaphore(%dma_wait3A_140 : memref<!tpu.dma_semaphore, #tpu.memory_space<semaphore_mem>>) src(%dma_wait3A_132 : memref<128x128xf32, #tpu.memory_space<vmem>>) dst(%dma_wait3A_138 : memref<10000x128xf32, #tpu.memory_space<vmem_shared>>)
    } else {
    }
    %ge3A_93 = arith.constant 2 : i32
    %ge3A_94 = arith.cmpi sge, %add3A_2, %ge3A_93 : i32
    %convert_element_type3A_95 = arith.extui %ge3A_94 : i1 to i32
    %cond3A_96 = arith.constant 0 : i32
    %cond3A_97 = arith.cmpi ne, %convert_element_type3A_95, %cond3A_96 : i32
    scf.if %cond3A_97 {
      %sub3A_124 = arith.constant 2 : i32
      %sub3A_125 = arith.subi %add3A_2, %sub3A_124 : i32
      %rem3A_126 = arith.constant 3 : i32
      %rem3A_127 = arith.remsi %sub3A_125, %rem3A_126 : i32
      %dma_wait3A_128 = arith.constant 0 : i32
      %dma_wait3A_129 = arith.constant 0 : i32
      %dma_wait3A_130 = arith.constant 0 : i32
      %dma_wait3A_131 = tpu.memref_slice %arg10[%rem3A_127, %dma_wait3A_129, %dma_wait3A_130] : memref<3x128x128xf32, #tpu.memory_space<vmem>> -> memref<1x128x128xf32, #tpu.memory_space<vmem>>
      %dma_wait3A_132 = tpu.memref_squeeze %dma_wait3A_131 : memref<1x128x128xf32, #tpu.memory_space<vmem>> -> memref<128x128xf32, #tpu.memory_space<vmem>>
      %dma_wait3A_133 = arith.constant 0 : i32
      %dma_wait3A_134 = tpu.memref_slice %arg9[%dma_wait3A_128, %dma_wait3A_133] : memref<6x128xi32, #tpu.memory_space<vmem>> -> memref<1x128xi32, #tpu.memory_space<vmem>>
      %dma_wait3A_135 = tpu.memref_squeeze %dma_wait3A_134 : memref<1x128xi32, #tpu.memory_space<vmem>> -> memref<128xi32, #tpu.memory_space<vmem>>
      %dma_wait3A_136 = arith.constant 0 : i32
      %dma_wait3A_137 = arith.constant 0 : i32
      %dma_wait3A_138 = tpu.memref_slice %arg7[%dma_wait3A_136, %dma_wait3A_137] : memref<10000x128xf32, #tpu.memory_space<vmem_shared>> -> memref<10000x128xf32, #tpu.memory_space<vmem_shared>>
      %dma_wait3A_139 = tpu.memref_slice %arg14[%rem3A_127] : memref<3x!tpu.dma_semaphore, #tpu.memory_space<semaphore_mem>> -> memref<1x!tpu.dma_semaphore, #tpu.memory_space<semaphore_mem>>
      %dma_wait3A_140 = tpu.memref_squeeze %dma_wait3A_139 : memref<1x!tpu.dma_semaphore, #tpu.memory_space<semaphore_mem>> -> memref<!tpu.dma_semaphore, #tpu.memory_space<semaphore_mem>>
      tpu.wait_indirect_dma semaphore(%dma_wait3A_140 : memref<!tpu.dma_semaphore, #tpu.memory_space<semaphore_mem>>) src(%dma_wait3A_132 : memref<128x128xf32, #tpu.memory_space<vmem>>) dst(%dma_wait3A_138 : memref<10000x128xf32, #tpu.memory_space<vmem_shared>>)
    } else {
    }
    %sub3A = arith.constant 1 : i32
    %sub3A_98 = arith.subi %add3A_2, %sub3A : i32
    %rem3A = arith.constant 3 : i32
    %rem3A_99 = arith.remsi %sub3A_98, %rem3A : i32
    %dma_wait3A_100 = arith.constant 0 : i32
    %dma_wait3A_101 = arith.constant 0 : i32
    %dma_wait3A_102 = arith.constant 0 : i32
    %dma_wait3A_103 = tpu.memref_slice %arg10[%rem3A_99, %dma_wait3A_101, %dma_wait3A_102] : memref<3x128x128xf32, #tpu.memory_space<vmem>> -> memref<1x128x128xf32, #tpu.memory_space<vmem>>
    %dma_wait3A_104 = tpu.memref_squeeze %dma_wait3A_103 : memref<1x128x128xf32, #tpu.memory_space<vmem>> -> memref<128x128xf32, #tpu.memory_space<vmem>>
    %dma_wait3A_105 = arith.constant 0 : i32
    %dma_wait3A_106 = tpu.memref_slice %arg9[%dma_wait3A_100, %dma_wait3A_105] : memref<6x128xi32, #tpu.memory_space<vmem>> -> memref<1x128xi32, #tpu.memory_space<vmem>>
    %dma_wait3A_107 = tpu.memref_squeeze %dma_wait3A_106 : memref<1x128xi32, #tpu.memory_space<vmem>> -> memref<128xi32, #tpu.memory_space<vmem>>
    %dma_wait3A_108 = arith.constant 0 : i32
    %dma_wait3A_109 = arith.constant 0 : i32
    %dma_wait3A_110 = tpu.memref_slice %arg7[%dma_wait3A_108, %dma_wait3A_109] : memref<10000x128xf32, #tpu.memory_space<vmem_shared>> -> memref<10000x128xf32, #tpu.memory_space<vmem_shared>>
    %dma_wait3A_111 = tpu.memref_slice %arg14[%rem3A_99] : memref<3x!tpu.dma_semaphore, #tpu.memory_space<semaphore_mem>> -> memref<1x!tpu.dma_semaphore, #tpu.memory_space<semaphore_mem>>
    %dma_wait3A_112 = tpu.memref_squeeze %dma_wait3A_111 : memref<1x!tpu.dma_semaphore, #tpu.memory_space<semaphore_mem>> -> memref<!tpu.dma_semaphore, #tpu.memory_space<semaphore_mem>>
    tpu.wait_indirect_dma semaphore(%dma_wait3A_112 : memref<!tpu.dma_semaphore, #tpu.memory_space<semaphore_mem>>) src(%dma_wait3A_104 : memref<128x128xf32, #tpu.memory_space<vmem>>) dst(%dma_wait3A_110 : memref<10000x128xf32, #tpu.memory_space<vmem_shared>>)
    %barrier3A_113 = arith.constant 0 : index
    tpu.barrier barrier_id(%barrier3A_113)
    %lt3A_114 = arith.constant 15 : i32
    %lt3A_115 = arith.cmpi slt, %arg1, %lt3A_114 : i32
    %convert_element_type3A_116 = arith.extui %lt3A_115 : i1 to i32
    %cond3A_117 = arith.constant 0 : i32
    %cond3A_118 = arith.cmpi ne, %convert_element_type3A_116, %cond3A_117 : i32
    scf.if %cond3A_118 {
      %mul3A_124 = arith.constant 624 : i32
      %mul3A_125 = arith.muli %arg1, %mul3A_124 : i32
      %mul3A_126 = arith.constant 10000 : i32
      %mul3A_127 = arith.muli %arg0, %mul3A_126 : i32
      %mul3A_128 = arith.constant 624 : i32
      %mul3A_129 = arith.muli %arg1, %mul3A_128 : i32
      %add3A_130 = arith.addi %mul3A_127, %mul3A_129 : i32
      "tpu.region"() ({
        %run_scoped3A = tpu.sem_alloc : memref<!tpu.dma_semaphore, #tpu.memory_space<semaphore_mem>>
        %dma_start3A_131 = arith.constant 0 : i32
        %dma_start3A_132 = tpu.memref_slice %arg6[%add3A_130, %dma_start3A_131] : memref<20000x128xf32, #tpu.memory_space<hbm>> -> memref<624x128xf32, #tpu.memory_space<hbm>>
        %dma_start3A_133 = arith.constant 0 : i32
        %dma_start3A_134 = tpu.memref_slice %arg7[%mul3A_125, %dma_start3A_133] : memref<10000x128xf32, #tpu.memory_space<vmem_shared>> -> memref<624x128xf32, #tpu.memory_space<vmem_shared>>
        tpu.enqueue_dma source(%dma_start3A_134 : memref<624x128xf32, #tpu.memory_space<vmem_shared>>) target(%dma_start3A_132 : memref<624x128xf32, #tpu.memory_space<hbm>>) target_semaphore(%run_scoped3A : memref<!tpu.dma_semaphore, #tpu.memory_space<semaphore_mem>>)
        %dma_wait3A_135 = arith.constant 0 : i32
        %dma_wait3A_136 = tpu.memref_slice %arg6[%add3A_130, %dma_wait3A_135] : memref<20000x128xf32, #tpu.memory_space<hbm>> -> memref<624x128xf32, #tpu.memory_space<hbm>>
        %dma_wait3A_137 = arith.constant 0 : i32
        %dma_wait3A_138 = tpu.memref_slice %arg7[%mul3A_125, %dma_wait3A_137] : memref<10000x128xf32, #tpu.memory_space<vmem_shared>> -> memref<624x128xf32, #tpu.memory_space<vmem_shared>>
        tpu.wait_dma2 semaphore(%run_scoped3A : memref<!tpu.dma_semaphore, #tpu.memory_space<semaphore_mem>>) src(%dma_wait3A_138 : memref<624x128xf32, #tpu.memory_space<vmem_shared>>) dst(%dma_wait3A_136 : memref<624x128xf32, #tpu.memory_space<hbm>>)
        tpu.yield
      }) : () -> ()
    } else {
    }
    %eq3A_119 = arith.constant 15 : i32
    %eq3A_120 = arith.cmpi eq, %arg1, %eq3A_119 : i32
    %convert_element_type3A_121 = arith.extui %eq3A_120 : i1 to i32
    %cond3A_122 = arith.constant 0 : i32
    %cond3A_123 = arith.cmpi ne, %convert_element_type3A_121, %cond3A_122 : i32
    scf.if %cond3A_123 {
      %mul3A_124 = arith.constant 10000 : i32
      %mul3A_125 = arith.muli %arg0, %mul3A_124 : i32
      %add3A_126 = arith.constant 9360 : i32
      %add3A_127 = arith.addi %mul3A_125, %add3A_126 : i32
      "tpu.region"() ({
        %run_scoped3A = tpu.sem_alloc : memref<!tpu.dma_semaphore, #tpu.memory_space<semaphore_mem>>
        %dma_start3A_128 = arith.constant 0 : i32
        %dma_start3A_129 = tpu.memref_slice %arg6[%add3A_127, %dma_start3A_128] : memref<20000x128xf32, #tpu.memory_space<hbm>> -> memref<640x128xf32, #tpu.memory_space<hbm>>
        %dma_start3A_130 = arith.constant 9360 : i32
        %dma_start3A_131 = arith.constant 0 : i32
        %dma_start3A_132 = tpu.memref_slice %arg7[%dma_start3A_130, %dma_start3A_131] : memref<10000x128xf32, #tpu.memory_space<vmem_shared>> -> memref<640x128xf32, #tpu.memory_space<vmem_shared>>
        tpu.enqueue_dma source(%dma_start3A_132 : memref<640x128xf32, #tpu.memory_space<vmem_shared>>) target(%dma_start3A_129 : memref<640x128xf32, #tpu.memory_space<hbm>>) target_semaphore(%run_scoped3A : memref<!tpu.dma_semaphore, #tpu.memory_space<semaphore_mem>>)
        %dma_wait3A_133 = arith.constant 0 : i32
        %dma_wait3A_134 = tpu.memref_slice %arg6[%add3A_127, %dma_wait3A_133] : memref<20000x128xf32, #tpu.memory_space<hbm>> -> memref<640x128xf32, #tpu.memory_space<hbm>>
        %dma_wait3A_135 = arith.constant 9360 : i32
        %dma_wait3A_136 = arith.constant 0 : i32
        %dma_wait3A_137 = tpu.memref_slice %arg7[%dma_wait3A_135, %dma_wait3A_136] : memref<10000x128xf32, #tpu.memory_space<vmem_shared>> -> memref<640x128xf32, #tpu.memory_space<vmem_shared>>
        tpu.wait_dma2 semaphore(%run_scoped3A : memref<!tpu.dma_semaphore, #tpu.memory_space<semaphore_mem>>) src(%dma_wait3A_137 : memref<640x128xf32, #tpu.memory_space<vmem_shared>>) dst(%dma_wait3A_134 : memref<640x128xf32, #tpu.memory_space<hbm>>)
        tpu.yield
      }) : () -> ()
    } else {
    }
    return
  }
}

module attributes {stable_mosaic.version = 14 : i64} {
  func.func @body(%arg0: i32, %arg1: memref<5000x128xf32, #tpu.memory_space<vmem>>, %arg2: memref<5000x128xf32, #tpu.memory_space<vmem>>, %arg3: memref<128x128xf32, #tpu.memory_space<vmem>>, %arg4: memref<1x128xf32, #tpu.memory_space<vmem>>, %arg5: memref<5000x128xf32, #tpu.memory_space<vmem>>) attributes {dimension_semantics = [#tpu.dimension_semantics<arbitrary>], iteration_bounds = array<i64: 2>, scalar_prefetch = 0 : i64, scratch_operands = 0 : i64, tpu.core_type = #tpu.core_type<tc>, window_params = [{transform_indices = @transform_0, window_bounds = array<i64: 5000, 128>}, {transform_indices = @transform_1, window_bounds = array<i64: 5000, 128>}, {pipeline_mode = #tpu.pipeline_mode<synchronous>, transform_indices = @transform_2, window_bounds = array<i64: 128, 128>}, {pipeline_mode = #tpu.pipeline_mode<synchronous>, transform_indices = @transform_3, window_bounds = array<i64: 1, 128>}, {transform_indices = @transform_4, window_bounds = array<i64: 5000, 128>}]} {
    %get3A = arith.constant 0 : index
    %get3A_0 = arith.constant 0 : index
    %get3A_1 = vector.load %arg1[%get3A, %get3A_0] : memref<5000x128xf32, #tpu.memory_space<vmem>>, vector<5000x128xf32>
    %get3A_2 = arith.constant 0 : index
    %get3A_3 = arith.constant 0 : index
    %get3A_4 = vector.load %arg2[%get3A_2, %get3A_3] : memref<5000x128xf32, #tpu.memory_space<vmem>>, vector<5000x128xf32>
    %add3A = arith.addf %get3A_1, %get3A_4 : vector<5000x128xf32>
    %get3A_5 = arith.constant 0 : index
    %get3A_6 = arith.constant 0 : index
    %get3A_7 = vector.load %arg3[%get3A_5, %get3A_6] : memref<128x128xf32, #tpu.memory_space<vmem>>, vector<128x128xf32>
    %dot_general3A = arith.constant dense<0.000000e+00> : vector<5000x128xf32>
    %dot_general3A_8 = tpu.matmul %add3A, %get3A_7, %dot_general3A {dimension_numbers = #tpu.dot_dimension_numbers<[1], [0], [0], [1], [0, 0, 1, 1], [], []>, transpose_lhs_hint = false} : vector<5000x128xf32>, vector<128x128xf32>, vector<5000x128xf32> -> vector<5000x128xf32>
    %get3A_9 = arith.constant 0 : index
    %get3A_10 = arith.constant 0 : index
    %get3A_11 = vector.load %arg4[%get3A_9, %get3A_10] : memref<1x128xf32, #tpu.memory_space<vmem>>, vector<1x128xf32>
    %add3A_12 = vector.broadcast %get3A_11 : vector<1x128xf32> to vector<5000x128xf32>
    %add3A_13 = arith.addf %dot_general3A_8, %add3A_12 : vector<5000x128xf32>
    %reduce_max3A = arith.constant dense<0xFF800000> : vector<5000xf32>
    %reduce_max3A_14 = vector.multi_reduction <maximumf>, %add3A_13, %reduce_max3A [1] : vector<5000x128xf32> to vector<5000xf32>
    %broadcast_in_dim3A = vector.shape_cast %reduce_max3A_14 : vector<5000xf32> to vector<5000x1xf32>
    %sub3A = vector.broadcast %broadcast_in_dim3A : vector<5000x1xf32> to vector<5000x128xf32>
    %sub3A_15 = arith.subf %add3A_13, %sub3A : vector<5000x128xf32>
    %exp3A = math.exp %sub3A_15 : vector<5000x128xf32>
    %reduce_sum3A = arith.constant dense<0.000000e+00> : vector<5000xf32>
    %reduce_sum3A_16 = vector.multi_reduction <add>, %exp3A, %reduce_sum3A [1] : vector<5000x128xf32> to vector<5000xf32>
    %broadcast_in_dim3A_17 = vector.shape_cast %reduce_sum3A_16 : vector<5000xf32> to vector<5000x1xf32>
    %log3A = math.log %broadcast_in_dim3A_17 : vector<5000x1xf32>
    %add3A_18 = arith.addf %log3A, %broadcast_in_dim3A : vector<5000x1xf32>
    %sub3A_19 = vector.broadcast %add3A_18 : vector<5000x1xf32> to vector<5000x128xf32>
    %sub3A_20 = arith.subf %add3A_13, %sub3A_19 : vector<5000x128xf32>
    %swap3A = arith.constant 0 : index
    %swap3A_21 = arith.constant 0 : index
    %swap3A_22 = vector.load %arg5[%swap3A, %swap3A_21] : memref<5000x128xf32, #tpu.memory_space<vmem>>, vector<5000x128xf32>
    tpu.vector_store %arg5[%swap3A, %swap3A_21], %sub3A_20 {strides = array<i32>} : memref<5000x128xf32, #tpu.memory_space<vmem>>, vector<5000x128xf32>,
    return
  }
  func.func @transform_0(%arg0: i32) -> (i32, i32) {
    %c0_i32 = arith.constant 0 : i32
    %c0_i32_0 = arith.constant 0 : i32
    return %arg0, %c0_i32 : i32, i32
  }
  func.func @transform_1(%arg0: i32) -> (i32, i32) {
    %add3A = arith.constant 2 : i32
    %add3A_0 = arith.addi %arg0, %add3A : i32
    %c0_i32 = arith.constant 0 : i32
    %c0_i32_1 = arith.constant 0 : i32
    return %add3A_0, %c0_i32 : i32, i32
  }
  func.func @transform_2(%arg0: i32) -> (i32, i32) {
    %c0_i32 = arith.constant 0 : i32
    %c0_i32_0 = arith.constant 0 : i32
    %c0_i32_1 = arith.constant 0 : i32
    return %c0_i32, %c0_i32_0 : i32, i32
  }
  func.func @transform_3(%arg0: i32) -> (i32, i32) {
    %c0_i32 = arith.constant 0 : i32
    %c0_i32_0 = arith.constant 0 : i32
    %c0_i32_1 = arith.constant 0 : i32
    return %c0_i32, %c0_i32_0 : i32, i32
  }
  func.func @transform_4(%arg0: i32) -> (i32, i32) {
    %c0_i32 = arith.constant 0 : i32
    %c0_i32_0 = arith.constant 0 : i32
    return %arg0, %c0_i32 : i32, i32
  }
}

module attributes {stable_mosaic.version = 14 : i64} {
  func.func @body(%arg0: i32, %arg1: memref<5000x128xf32, #tpu.memory_space<vmem>>, %arg2: memref<5000x128xf32, #tpu.memory_space<vmem>>, %arg3: memref<128x128xf32, #tpu.memory_space<vmem>>, %arg4: memref<1x128xf32, #tpu.memory_space<vmem>>, %arg5: memref<5000x128xf32, #tpu.memory_space<vmem>>) attributes {dimension_semantics = [#tpu.dimension_semantics<arbitrary>], iteration_bounds = array<i64: 2>, scalar_prefetch = 0 : i64, scratch_operands = 0 : i64, tpu.core_type = #tpu.core_type<tc>, window_params = [{transform_indices = @transform_0, window_bounds = array<i64: 5000, 128>}, {transform_indices = @transform_1, window_bounds = array<i64: 5000, 128>}, {pipeline_mode = #tpu.pipeline_mode<synchronous>, transform_indices = @transform_2, window_bounds = array<i64: 128, 128>}, {pipeline_mode = #tpu.pipeline_mode<synchronous>, transform_indices = @transform_3, window_bounds = array<i64: 1, 128>}, {transform_indices = @transform_4, window_bounds = array<i64: 5000, 128>}]} {
    %get3A = arith.constant 0 : index
    %get3A_0 = arith.constant 0 : index
    %get3A_1 = vector.load %arg1[%get3A, %get3A_0] : memref<5000x128xf32, #tpu.memory_space<vmem>>, vector<5000x128xf32>
    %get3A_2 = arith.constant 0 : index
    %get3A_3 = arith.constant 0 : index
    %get3A_4 = vector.load %arg2[%get3A_2, %get3A_3] : memref<5000x128xf32, #tpu.memory_space<vmem>>, vector<5000x128xf32>
    %add3A = arith.addf %get3A_1, %get3A_4 : vector<5000x128xf32>
    %get3A_5 = arith.constant 0 : index
    %get3A_6 = arith.constant 0 : index
    %get3A_7 = vector.load %arg3[%get3A_5, %get3A_6] : memref<128x128xf32, #tpu.memory_space<vmem>>, vector<128x128xf32>
    %dot_general3A = arith.constant dense<0.000000e+00> : vector<5000x128xf32>
    %dot_general3A_8 = tpu.matmul %add3A, %get3A_7, %dot_general3A {dimension_numbers = #tpu.dot_dimension_numbers<[1], [0], [0], [1], [0, 0, 1, 1], [], []>, transpose_lhs_hint = false} : vector<5000x128xf32>, vector<128x128xf32>, vector<5000x128xf32> -> vector<5000x128xf32>
    %get3A_9 = arith.constant 0 : index
    %get3A_10 = arith.constant 0 : index
    %get3A_11 = vector.load %arg4[%get3A_9, %get3A_10] : memref<1x128xf32, #tpu.memory_space<vmem>>, vector<1x128xf32>
    %add3A_12 = vector.broadcast %get3A_11 : vector<1x128xf32> to vector<5000x128xf32>
    %add3A_13 = arith.addf %dot_general3A_8, %add3A_12 : vector<5000x128xf32>
    %max3A = arith.constant 0.000000e+00 : f32
    %max3A_14 = vector.broadcast %max3A : f32 to vector<5000x128xf32>
    %max3A_15 = arith.maximumf %add3A_13, %max3A_14 : vector<5000x128xf32>
    %swap3A = arith.constant 0 : index
    %swap3A_16 = arith.constant 0 : index
    %swap3A_17 = vector.load %arg5[%swap3A, %swap3A_16] : memref<5000x128xf32, #tpu.memory_space<vmem>>, vector<5000x128xf32>
    tpu.vector_store %arg5[%swap3A, %swap3A_16], %max3A_15 {strides = array<i32>} : memref<5000x128xf32, #tpu.memory_space<vmem>>, vector<5000x128xf32>,
    return
  }
  func.func @transform_0(%arg0: i32) -> (i32, i32) {
    %c0_i32 = arith.constant 0 : i32
    %c0_i32_0 = arith.constant 0 : i32
    return %arg0, %c0_i32 : i32, i32
  }
  func.func @transform_1(%arg0: i32) -> (i32, i32) {
    %add3A = arith.constant 2 : i32
    %add3A_0 = arith.addi %arg0, %add3A : i32
    %c0_i32 = arith.constant 0 : i32
    %c0_i32_1 = arith.constant 0 : i32
    return %add3A_0, %c0_i32 : i32, i32
  }
  func.func @transform_2(%arg0: i32) -> (i32, i32) {
    %c0_i32 = arith.constant 0 : i32
    %c0_i32_0 = arith.constant 0 : i32
    %c0_i32_1 = arith.constant 0 : i32
    return %c0_i32, %c0_i32_0 : i32, i32
  }
  func.func @transform_3(%arg0: i32) -> (i32, i32) {
    %c0_i32 = arith.constant 0 : i32
    %c0_i32_0 = arith.constant 0 : i32
    %c0_i32_1 = arith.constant 0 : i32
    return %c0_i32, %c0_i32_0 : i32, i32
  }
  func.func @transform_4(%arg0: i32) -> (i32, i32) {
    %c0_i32 = arith.constant 0 : i32
    %c0_i32_0 = arith.constant 0 : i32
    return %arg0, %c0_i32 : i32, i32
  }
}

</mosaic_0001>

<sc_bundles>
// kernel: kernel.11.cloned.1.call-start
scs
__scs_entry_jumppad:
0x0: {  	(pc) =	sbr.rel $0x88, $3  }
0x1: {  	(tag) =	ssettag $0x0;
	lr =	simm.s32 $0x1  }
0x2: {  	[smem:$0x3F99] =	sst lr;
	_ =	strace $0xD0000000  }
0x3: {  	_ = 	snop  }
0x4: {  	_ = 	snop  }
0x5: {  	_ = 	snop  }
0x6: {  	_ = 	snop  }
0x7: {  	_ = 	snop  }
__scs_overlays_trampoline_lowered:
0x8: {  	[smem:$0x3FA8] =	sst s0  }
0x9: {  	[smem:$0x3FA9] =	sst s1  }
0xa: {  	[smem:$0x3FAA] =	sst s2  }
0xb: {  	[smem:$0x3FAB] =	sst s3  }
0xc: {  	[smem:$0x3FAC] =	sst s4  }
0xd: {  	[smem:$0x3FAD] =	sst s5  }
0xe: {  	[smem:$0x3FAE] =	sst s6  }
0xf: {  	[smem:$0x3FAF] =	sst s7  }
0x10: {  	[smem:$0x3FB0] =	sst s8  }
0x11: {  	[smem:$0x3FB1] =	sst s9;
	s0 =	simm.s32 @!p0 $0x0  }
0x12: {  	s1 =	sld [smem:$0x3F97];
	s0 =	simm.s32 @p0 $0x1  }
0x13: {  	[smem:$0x3FB2] =	sst s0;
	s0 =	simm.s32 @!p1 $0x0  }
0x14: {  	s2 =	sld [smem:$0x3F96];
	s0 =	simm.s32 @p1 $0x1  }
0x15: {  	[smem:$0x3FB3] =	sst s0;
	s0 =	simm.s32 @!p2 $0x0  }
0x16: {  	s3 =	sld [smem:$0x3FDB];
	s0 =	simm.s32 @p2 $0x1  }
0x17: {  	s4 =	simm.s32 $0x1BF5;
	[smem:$0x3FB5] =	sst s0  }
0x18: {  	s0 =	sld [smem:$0x3F98];
	_ =	swait.ge [sflag:s4], $0x0  }
0x19: {  	s7 =	sld [smem:$0x3F99]  }
0x1a: {  	s8 =	sadd.s32 $0xFFFFE003, lr  }
0x1b: {  	s9 =	sadd.s32 $0xFFFFFEF7, lr;
	s5 =	simm.s32 $0xFFFFFFFF;
	p2 =	slt.u32 s8, $0xFFFFF086  }
0x1c: {  	p1 =	slt.u32 s9, $0xF7A;
	s5 =	simm.s32 @!p2 $0x0  }
0x1d: {  	s5 =	simm.s32 @p1 $0x1;
	p0 =	seq.s32 s7, s2  }
0x1e: {  	s7 =	smul.u32 @!p0 $0xF7A, s2;
	p2 =	seq.s32 @!p0 s5, $0x0  }
0x1f: {  	s9 =	smul.u32 $0xF7A, s1;
	s8 =	simm.s32 @!p0 $0x1BF5;
	p2 =	por !p2, p0  }
0x20: {  	[sflag:s8] =	ssyncset.s32 @!p0 $0xFFFFF086;
	s6 =	sadd.s32 @!p0 s3, s7;
	s7 =	simm.s32 @!p0 $0x108  }
0x21: {  	s3 =	sadd.s32 s3, s9;
	s6 =	sadd.s32 @!p0 $0x88, s6;
	s7 =	simm.s32 @p2 $0x1082  }
0x22: {  	[simem:s7], [sflag:s8] =	dma.local @!p0 [hbm:s6], $0xF7A  }
0x23: {  	s9 =	sor.u32 $0xD0000000, s2;
	s6 =	simm.s32 $0x108;
	_ =	swait.ge @!p0 [sflag:s8], $0x0  }
0x24: {  	s3 =	sadd.s32 $0x88, s3;
	s6 =	simm.s32 @!p1 $0x1082;
	[sflag:s4] =	ssyncset.s32 $0xFFFFF086  }
0x25: {  	[simem:s6], [sflag:s4] =	dma.local [hbm:s3], $0xF7A  }
0x26: {  	[smem:$0x3F99] =	sst s1;
	(tag) =	ssettag s2;
	_ =	strace s9  }
0x27: {  	s1 =	sld [smem:$0x3FA9]  }
0x28: {  	s2 =	sld [smem:$0x3FAA]  }
0x29: {  	s4 =	sld [smem:$0x3FAC]  }
0x2a: {  	p0 =	seq.s32 s5, $0x0;
	s5 =	sld [smem:$0x3FAD]  }
0x2b: {  	s6 =	sld [smem:$0x3FAE]  }
0x2c: {  	s7 =	sld [smem:$0x3FAF]  }
0x2d: {  	s3 =	simm.s32 $0x108;
	s8 =	sld [smem:$0x3FB0]  }
0x2e: {  	s3 =	simm.s32 @!p0 $0x1082;
	s9 =	sld [smem:$0x3FB1]  }
0x2f: {  	lr =	sadd.s32 s0, s3;
	s0 =	sld [smem:$0x3FA8]  }
0x30: {  	s3 =	sld [smem:$0x3FAB]  }
0x31: {  	[smem:$0x3FB4] =	sst s10  }
0x32: {  	s10 =	sld [smem:$0x3FB2];
	_ =	sdelay $0x3  }
0x33: {  	p0 =	seq.s32 s10, $0x1;
	s10 =	sld [smem:$0x3FB4];
	_ =	sdelay $0x3  }
0x34: {  	[smem:$0x3FB4] =	sst s10  }
0x35: {  	s10 =	sld [smem:$0x3FB3];
	_ =	sdelay $0x3  }
0x36: {  	p1 =	seq.s32 s10, $0x1;
	s10 =	sld [smem:$0x3FB4];
	_ =	sdelay $0x3  }
0x37: {  	[smem:$0x3FB4] =	sst s10  }
0x38: {  	s10 =	sld [smem:$0x3FB5]  }
0x39: {  	_ = 	snop;
	(pc) =	sbr.ind lr, $3  }
0x3a: {  	_ = 	snop  }
0x3b: {  	_ = 	snop  }
0x3c: {  	p2 =	seq.s32 s10, $0x1;
	s10 =	sld [smem:$0x3FB4]  }
0x3d: {  	_ =	shalt  }
0x3e: {  	_ =	shalt  }
0x3f: {  	_ =	shalt  }
0x40: {  	_ =	shalt  }
0x41: {  	_ =	shalt  }
0x42: {  	_ =	shalt  }
0x43: {  	_ =	shalt  }
0x44: {  	_ =	shalt  }
0x45: {  	_ =	shalt  }
0x46: {  	_ =	shalt  }
0x47: {  	_ =	shalt  }
0x48: {  	_ =	shalt  }
0x49: {  	_ =	shalt  }
0x4a: {  	_ =	shalt  }
0x4b: {  	_ =	shalt  }
0x4c: {  	_ =	shalt  }
0x4d: {  	_ =	shalt  }
0x4e: {  	_ =	shalt  }
0x4f: {  	_ =	shalt  }
0x50: {  	_ =	shalt  }
0x51: {  	_ =	shalt  }
0x52: {  	_ =	shalt  }
0x53: {  	_ =	shalt  }
0x54: {  	_ =	shalt  }
0x55: {  	_ =	shalt  }
0x56: {  	_ =	shalt  }
0x57: {  	_ =	shalt  }
0x58: {  	_ =	shalt  }
0x59: {  	_ =	shalt  }
0x5a: {  	_ =	shalt  }
0x5b: {  	_ =	shalt  }
0x5c: {  	_ =	shalt  }
0x5d: {  	_ =	shalt  }
0x5e: {  	_ =	shalt  }
0x5f: {  	_ =	shalt  }
0x60: {  	_ =	shalt  }
0x61: {  	_ =	shalt  }
0x62: {  	_ =	shalt  }
0x63: {  	_ =	shalt  }
0x64: {  	_ =	shalt  }
0x65: {  	_ =	shalt  }
0x66: {  	_ =	shalt  }
0x67: {  	_ =	shalt  }
0x68: {  	_ =	shalt  }
0x69: {  	_ =	shalt  }
0x6a: {  	_ =	shalt  }
0x6b: {  	_ =	shalt  }
0x6c: {  	_ =	shalt  }
0x6d: {  	_ =	shalt  }
0x6e: {  	_ =	shalt  }
0x6f: {  	_ =	shalt  }
0x70: {  	_ =	shalt  }
0x71: {  	_ =	shalt  }
0x72: {  	_ =	shalt  }
0x73: {  	_ =	shalt  }
0x74: {  	_ =	shalt  }
0x75: {  	_ =	shalt  }
0x76: {  	_ =	shalt  }
0x77: {  	_ =	shalt  }
0x78: {  	_ =	shalt  }
0x79: {  	_ =	shalt  }
0x7a: {  	_ =	shalt  }
0x7b: {  	_ =	shalt  }
0x7c: {  	_ =	shalt  }
0x7d: {  	_ =	shalt  }
0x7e: {  	_ =	shalt  }
0x7f: {  	_ =	shalt  }
0x80: {  	_ =	shalt  }
0x81: {  	_ =	shalt  }
0x82: {  	_ =	shalt  }
0x83: {  	_ =	shalt  }
0x84: {  	_ =	shalt  }
0x85: {  	_ =	shalt  }
0x86: {  	_ =	shalt  }
0x87: {  	_ =	shalt  }
.Lfunc_end0:
.L_simem_size_0:
called_computation.1_lowered:
.L_overlay_start_0:
0x88: {  	s2 =	sld [smem:$0x3FD9]  }
0x89: {  	s3 =	sld [smem:$0x3FFE];
	_ =	sdelay $0x1  }
0x8a: {  	s1 =	srdreg.scid  }
0x8b: {  	s0 =	sand.u32 $0x1, s1  }
0x8c: {  	s17 =	sshll.u32 s0, $0xA;
	s2 =	sadd.s32 s3, s2  }
0x8d: {  	s2 =	sadd.s32 s2, s17  }
0x8e: {  	[smem:$0x3FC0] =	sst s2  }
0x8f: {  	_ = 	snop  }
0x90: {  	s2 =	sld [smem:$0x3FD0];
	(tm) =	ssettm $0x1  }
0x91: {  	s18 =	sld [smem:$0x3FFB];
	_ =	sdelay $0x3  }
0x92: {  	_ =	strace s18  }
0x93: {  	s3 =	sld [smem:$0x3FFC];
	_ =	sdelay $0x3  }
0x94: {  	_ =	strace s3  }
0x95: {  	s3 =	sld [smem:$0x3FFD];
	_ =	sdelay $0x3  }
0x96: {  	_ =	strace s3  }
0x97: {  	_ =	strace $0x8FFFFFFF  }
0x98: {  	s19 =	sld [smem:$0x3FDB];
	_ =	sdelay $0x1  }
0x99: {  	s4 =	simm.s32 $_scs_section_size  }
0x9a: {  	s5 =	simm.s32 $_size__tile_overlayer_lowered;
	s6 =	simm.s32 $_tile_overlayer_lowered  }
0x9b: {  	s22 =	simm.s32 $0x1BFF;
	s21 =	sshll.u32 s6, $0x1;
	s3 =	sadd.s32 s4, s19  }
0x9c: {  	s7 =	simm.s32 $0x0;
	s20 =	sshll.u32 s5, $0x1;
	s5 =	sadd.s32 s21, s3  }
0x9d: {  	[timem:s7], [sflag:s22] =	dma.local [hbm:s5], s20  }
0x9e: {  	_ =	swait.ge [sflag:s22], s20  }
0x9f: {  	s4 =	ssub.s32 $0x0, s20;
	[sflag:s22] =	ssyncset.done $0x0  }
0xa0: {  	[sflag:s22] =	ssyncadd.s32 s4;
	_ =	sdelay $0x1  }
0xa1: {  	s23 =	simm.s32 $0x1B8B  }
0xa2: {  	_ =	swait.ge [sflag:s23], $0x1  }
0xa3: {  	[sflag:s23] =	ssyncset.done $0x0  }
0xa4: {  	s25 =	simm.s32 $0x1B8E;
	s24 =	sld [smem:$0x3FFE];
	[sflag:s23] =	ssyncadd.s32 $0xFFFFFFFF  }
0xa5: {  	s26 =	simm.s32 $execute0_lowered;
	[smem:$0x3FD2] =	sst s25  }
0xa6: {  	s5 =	sshll.u32 s26, $0x1;
	_ =	strace $0x80000049;
	[dreg:$0x1] =	wrdreg $0xFFFFFFFF  }
0xa7: {  	s28 =	simm.s32 $_size_execute0_lowered;
	s3 =	sadd.s32 s3, s5;
	[dreg:$0x0] =	wrdreg $0x0  }
0xa8: {  	s5 =	sshll.u32 s28, $0x1;
	[dreg:$0x2] =	wrdreg s3  }
0xa9: {  	[dreg:$0x3] =	wrdreg s5  }
0xaa: {  	[dreg:$0x4] =	wrdreg $0xC0  }
0xab: {  	_ =	task [dreg:s7], $0x5FFFF  }
0xac: {  	[dreg:$0x1] =	wrdreg $0xFFFFFFFF  }
0xad: {  	[dreg:$0x0] =	wrdreg $0x60  }
0xae: {  	[dreg:$0x2] =	wrdreg s2  }
0xaf: {  	[dreg:$0x3] =	wrdreg s24  }
0xb0: {  	[dreg:$0x4] =	wrdreg $0x0  }
0xb1: {  	[dreg:$0x5] =	wrdreg $0x9  }
0xb2: {  	_ =	task.clear_ibuf [dreg:s7], $0x6FFFF;
	_ =	strace $0x90000049  }
0xb3: {  	s29 =	simm.s32 $0x9;
	_ =	strace $0x8000004B  }
0xb4: {  	_ =	swait.ge [sflag:s29], $0x1  }
0xb5: {  	[sflag:s29] =	ssyncadd.s32 $0xFFFFFFFF  }
0xb6: {  	_ =	strace $0x9000004B  }
0xb7: {  	_ =	sfence  }
0xb8: {  	s30 =	sld [smem:$0x0];
	_ =	sdelay $0x2  }
0xb9: {  	s31 =	sshll.u32 s1, $0xD;
	s1 =	sshrl.u32 s1, $0x2  }
0xba: {  	s3 =	sand.u32 $0x4000, s31;
	s1 =	sadd.s32 s1, s30  }
0xbb: {  	s0 =	sor.u32 s3, s0;
	s1 =	sshll.u32 s1, $0x11  }
0xbc: {  	s0 =	sor.u32 s1, s0  }
0xbd: {  	s0 =	sadd.s32 $0x8F2B, s0  }
0xbe: {  	[sflag:s0] =	ssyncadd.remote.s32 $0x1  }
0xbf: {  	_ =	sfence.sel $0xFFFF  }
0xc0: {  	[dreg:$0x0] =	wrdreg $0xFFFFFFFF;
	(pc) =	sbr.abs _section_cstart, $3  }
0xc1: {  	[dreg:$0x1] =	wrdreg $0xFFFFFFFF  }
0xc2: {  	_ =	task.clear_ibuf [dreg:s7], $0x2FFFF;
	_ =	strace $0x9FFFFFFF  }
0xc3: {  	(tm) =	ssettm $0x7FFFFFFF  }
tec
execute0_lowered:
.L_overlay_start_1:
0x0: {  	(tag) =	ssettag $0x1  }
0x1: {  	s1 =	rddreg [dreg:$0x0]  }
0x2: {  	s0 =	rddreg [dreg:$0x1]  }
0x3: {  	s2 =	rddreg [dreg:$0x2]  }
0x4: {  	s4 =	simm.s32 $0x0;
	s3 =	srdreg.scid;
	s5 =	stileid.u32  }
0x5: {  	s28 =	simm.s32 $0x0;
	[smem:$0x7FF] =	sst s4;
	s8 =	smul.u32 $0x4E, s5  }
0x6: {  	s3 =	sand.u32 $0x1, s3;
	s7 =	sadd.s32 $0xB800, s0;
	s13 =	smul.u32 $0x4E000, s5  }
0x7: {  	s9 =	sadd.s32 $0x1A00, s0;
	s10 =	sadd.s32 $0x15600, s0;
	s23 =	smul.u32 $0x2700, s5  }
0x8: {  	s15 =	smin.u32 s5, $0x2;
	s0 =	sadd.s32 $0x17E00, s0;
	s6 =	smul.u32 $0x4E2, s3  }
0x9: {  	p0 =	slt.u32 s5, $0x2;
	_ =	strace $0x8000004A;
	s22 =	smul.u32 $0x27100, s3  }
0xa: {  	[dreg:$0x5] =	wrdreg s10;
	s14 =	ssub.s32 $0x2, s3;
	s3 =	smul.u32 $0x138800, s3  }
0xb: {  	s11 =	sshrl.u32 s14, $0x1;
	s21 =	sshrl.u32 s13, $0x2;
	s6 =	sadd.s32 s8, s6  }
0xc: {  	s10 =	ssub.s32 s14, s11;
	s8 =	sadd.s32 s15, s6;
	s15 =	sadd.s32 $0x124800, s2  }
0xd: {  	s29 =	smax.u32 s10, $0x1;
	s8 =	sshll.u32 s8, $0x4;
	[dreg:$0xd] =	wrdreg s15  }
0xe: {  	s6 =	simm.s32 $0x4F;
	[dreg:$0x10] =	wrdreg s29;
	s16 =	sadd.s32 s7, s8  }
0xf: {  	s6 =	simm.s32 @!p0 $0x4E;
	s17 =	sadd.s32 s9, s8;
	[dreg:$0x6] =	wrdreg s16  }
0x10: {  	s18 =	sadd.s32 $0x10, s8;
	s25 =	sshll.u32 s6, $0x2;
	[dreg:$0x7] =	wrdreg s17  }
0x11: {  	s24 =	sadd.s32 s23, s22;
	s14 =	sadd.s32 s7, s18;
	[dreg:$0x4] =	wrdreg s25  }
0x12: {  	s12 =	sadd.s32 $0x20, s8;
	s11 =	sadd.s32 s9, s18;
	[dreg:$0x8] =	wrdreg s14  }
0x13: {  	s3 =	sshrl.u32 s3, $0x3;
	s19 =	sadd.s32 s7, s12;
	[dreg:$0x9] =	wrdreg s11  }
0x14: {  	s26 =	sadd.s32 $0x30, s8;
	s20 =	sadd.s32 s9, s12;
	[dreg:$0xa] =	wrdreg s19  }
0x15: {  	s17 =	simm.s32 $0xD;
	s30 =	sadd.s32 s26, s7;
	[dreg:$0xb] =	wrdreg s20  }
0x16: {  	s31 =	sadd.s32 s26, s9;
	s11 =	sadd.s32 s21, s2;
	[dreg:$0x11] =	wrdreg s30  }
0x17: {  	s14 =	simm.s32 $0xF;
	[dreg:$0xc] =	wrdreg s11;
	s11 =	simm.s32 $0x1  }
0x18: {  	s17 =	simm.s32 @!p0 $0xF;
	[dreg:$0x12] =	wrdreg s31;
	s11 =	simm.s32 @!p0 $0x0  }
0x19: {  	s16 =	sadd.s32 $0xD, s11;
	s11 =	sadd.s32 s0, s24;
	s0 =	sadd.s32 s0, s3  }
0x1a: {  	s14 =	simm.s32 @!p0 $0xE;
	[dreg:$0xe] =	wrdreg s11;
	s0 =	sadd.s32 $0x24900, s0  }
0x1b: {  	p0 =	seq.s32 s5, $0xF;
	[dreg:$0xf] =	wrdreg s0;
	s0 =	simm.s32 $0x80  }
.LBB2_1:
0x1c: {  	s3 =	rddreg [dreg:$0x6]  }
0x1d: {  	s12 =	rddreg [dreg:$0x7]  }
0x1e: {  	s9 =	simm.s32 $0x13880;
	s13 =	rddreg [dreg:$0x8]  }
0x1f: {  	[tilespmem:s9], [sflag:$0x4] =	stream.linear.gather [hbm4b:s3+s4], $0x80, $0x38;
	[tilespmem:$0x1FE80] =	vst v63  }
0x20: {  	s5 =	simm.s32 $0x13A80;
	s15 =	rddreg [dreg:$0x9]  }
0x21: {  	[tilespmem:s5], [sflag:$0x7] =	stream.linear.gather [hbm4b:s12+s4], $0x80, $0x38;
	[tilespmem:$0x1FE80] =	vst v63  }
0x22: {  	s10 =	simm.s32 $0x13900;
	s19 =	rddreg [dreg:$0xa]  }
0x23: {  	[tilespmem:s10], [sflag:$0x5] =	stream.linear.gather [hbm4b:s13+s4], $0x80, $0x38;
	[tilespmem:$0x1FE80] =	vst v63  }
0x24: {  	s18 =	simm.s32 $0x13B00;
	s21 =	rddreg [dreg:$0xb]  }
0x25: {  	[tilespmem:s18], [sflag:$0x8] =	stream.linear.gather [hbm4b:s15+s4], $0x80, $0x38;
	[tilespmem:$0x1FE80] =	vst v63  }
0x26: {  	s20 =	simm.s32 $0x13980;
	s22 =	simm.s32 $0x13B80;
	s3 =	rddreg [dreg:$0xd]  }
0x27: {  	[tilespmem:s20], [sflag:$0x6] =	stream.linear.gather [hbm4b:s19+s4], $0x80, $0x38;
	[tilespmem:$0x1FE80] =	vst v63  }
0x28: {  	s7 =	simm.s32 @p0 $0x1FD0;
	s29 =	sshrl.u32 @p0 s3, $0x3;
	s5 =	rddreg [dreg:$0x5]  }
0x29: {  	[tilespmem:s22], [sflag:$0x9] =	stream.linear.gather [hbm4b:s21+s4], $0x80, $0x38;
	[tilespmem:$0x1FE80] =	vst v63  }
0x2a: {  	[spmem:s29], [sflag:s7] =	dma.local @p0 [hbm:s5], $0x2800  }
0x2b: {  	s3 =	stileid.u32;
	s7 =	simm.s32 @p0 $0x10  }
0x2c: {  	s8 =	sshll.u32 @!p0 s3, $0x6;
	_ =	swait.ge @p0 [sflag:s7], $0x2800  }
0x2d: {  	s26 =	sor.u32 @!p0 $0x1C10, s8;
	[sflag:s7] =	ssyncset.done @p0 $0x0;
	s3 =	rddreg [dreg:$0xc]  }
0x2e: {  	s8 =	simm.s32 @!p0 $0x10;
	[sflag:s7] =	ssyncadd.s32 @p0 $0xFFFFD800;
	s7 =	sshrl.u32 @!p0 s3, $0x3  }
0x2f: {  	[spmem:s7], [sflag:s26] =	dma.local @!p0 [hbm:s5], $0x2700  }
0x30: {  	_ =	swait.ge @!p0 [sflag:s8], $0x2700  }
0x31: {  	[sflag:s8] =	ssyncset.done @!p0 $0x0  }
0x32: {  	[sflag:s8] =	ssyncadd.s32 @!p0 $0xFFFFD900  }
0x33: {  	s23 =	simm.s32 $0x4;
	[bflag:$0x0] =	sbarrier.arrive $0xFFFF  }
0x34: {  	_ =	swait.ge [sflag:s23], $0x80  }
0x35: {  	[sflag:s23] =	ssyncset.done $0x0  }
0x36: {  	s24 =	simm.s32 $0x7;
	[sflag:s23] =	ssyncadd.s32 $0xFFFFFF80  }
0x37: {  	_ =	swait.ge [sflag:s24], $0x80  }
0x38: {  	[sflag:s24] =	ssyncset.done $0x0  }
0x39: {  	s25 =	simm.s32 $0x5;
	s8 =	simm.s32 $0x13E80;
	[sflag:s24] =	ssyncadd.s32 $0xFFFFFF80  }
0x3a: {  	[tilespmem:s8], [sflag:$0x1] =	stream.indirect.gather [hbm4b:s1+s0], $0x80, s9, s0, $0xb8;
	[tilespmem:$0x1FE80] =	vst v63  }
0x3b: {  	_ =	swait.ge [sflag:s25], $0x80  }
0x3c: {  	[sflag:s25] =	ssyncset.done $0x0  }
0x3d: {  	s30 =	simm.s32 $0x8;
	[sflag:s25] =	ssyncadd.s32 $0xFFFFFF80  }
0x3e: {  	s31 =	simm.s32 $0x17E80;
	s11 =	simm.s32 $0x1BE80;
	_ =	swait.ge [sflag:s30], $0x80  }
0x3f: {  	s12 =	simm.s32 $0x0;
	s18 =	simm.s32 $0x0;
	[sflag:s30] =	ssyncset.done $0x0  }
0x40: {  	s19 =	simm.s32 $0x0;
	s22 =	rddreg [dreg:$0x12];
	[sflag:s30] =	ssyncadd.s32 $0xFFFFFF80  }
0x41: {  	[tilespmem:s31], [sflag:$0x2] =	stream.indirect.gather [hbm4b:s1+s0], $0x80, s10, s0, $0xb8;
	[tilespmem:$0x1FE80] =	vst v63  }
0x42: {  	s9 =	simm.s32 $0x3;
	s21 =	rddreg [dreg:$0x11];
	s10 =	simm.s32 $0x2  }
.LBB2_2:
0x43: {  	s23 =	smulhi.u32 $0xAAAAAAAB, s19  }
0x44: {  	s15 =	smulhi.u32 $0xAAAAAAAB, s9  }
0x45: {  	s31 =	smulhi.u32 $0xAAAAAAAB, s10;
	s25 =	sshrl.u32 s23, $0x1  }
0x46: {  	s23 =	sshrl.u32 s23, $0x2;
	s20 =	smul.u32 $0xFFFFFFF4, s25  }
0x47: {  	s13 =	sshra.s32 s18, $0x2;
	s23 =	smul.u32 $0xFFFFF400, s23  }
0x48: {  	s24 =	sshra.s32 s12, $0x2;
	s30 =	smul.u32 $0xFFFD0000, s25;
	s20 =	sshra.s32 s20, $0x2  }
0x49: {  	s25 =	smul.u32 $0xFFFFFA00, s25;
	s23 =	sshra.s32 s23, $0x2;
	s13 =	sadd.s32 s13, s20  }
0x4a: {  	s30 =	sshra.s32 s30, $0x2;
	s23 =	sadd.s32 s24, s23;
	s3 =	sadd.s32 $0x1, s13  }
0x4b: {  	s30 =	sadd.s32 s30, s8;
	s5 =	sadd.s32 $0x13A80, s23;
	_ =	swait.ge [sflag:s3], $0x4000  }
0x4c: {  	s13 =	sadd.s32 $0xD, s13;
	s23 =	sadd.s32 $0xFFFFFFFF, s9;
	[sflag:s3] =	ssyncset.done $0x0  }
0x4d: {  	p1 =	sge.u32 s23, s6;
	[sflag:s3] =	ssyncadd.s32 $0xFFFFC000;
	s3 =	sshrl.u32 s31, $0x1  }
0x4e: {  	[spmem:s2] =	stream.indirect.scatter.add.f32 [tilespmem:s30], [sflag:s13], $0x80, s5, s0, $0xb8;
	[tilespmem:$0x1FE80] =	vst v63  }
0x4f: {  	s15 =	sshrl.u32 s15, $0x2;
	p2 =	seq.s32 @!p1 s18, $0x0;
	s24 =	smul.u32 $0xC, s3  }
0x50: {  	p2 =	por p2, p1;
	s30 =	smul.u32 $0xFFFFFFE8, s15  }
0x51: {  	s31 =	sshrl.u32 s31, $0x2;
	s15 =	smul.u32 $0xFFFFF400, s15;
	s23 =	ssub.s32 $0x8, s24  }
0x52: {  	s5 =	smul.u32 $0xFFFFFA00, s3;
	s13 =	sshra.s32 s30, $0x2;
	s30 =	sadd.s32 @!p2 s23, s18  }
0x53: {  	s31 =	smul.u32 $0xFFFFFFE8, s31;
	s30 =	sshra.s32 @!p2 s30, $0x2  }
0x54: {  	s3 =	smul.u32 $0xFFFD0000, s3;
	s15 =	sshra.s32 s15, $0x2;
	s30 =	sadd.s32 @!p2 $0xD, s30  }
0x55: {  	s24 =	sshra.s32 s5, $0x2;
	s23 =	sadd.s32 @!p1 s23, s18;
	_ =	swait.ge @!p2 [sflag:s30], $0x4000  }
0x56: {  	s31 =	sshra.s32 s31, $0x2;
	s23 =	sshra.s32 @!p1 s23, $0x2;
	[sflag:s30] =	ssyncset.done @!p2 $0x0  }
0x57: {  	s5 =	sshra.s32 @!p1 s18, $0x2;
	[sflag:s30] =	ssyncadd.s32 @!p2 $0xFFFFC000;
	s30 =	sadd.s32 @!p1 $0x4, s23  }
0x58: {  	s3 =	sshra.s32 s3, $0x2;
	s13 =	sadd.s32 $0xA, s13;
	_ =	swait.ge @!p1 [sflag:s30], $0x80  }
0x59: {  	s15 =	sadd.s32 $0x13C00, s15;
	s31 =	sadd.s32 $0x9, s31;
	[sflag:s30] =	ssyncset.done @!p1 $0x0  }
0x5a: {  	s24 =	sadd.s32 $0x13980, s24;
	s5 =	sadd.s32 @!p1 s5, s31;
	[sflag:s30] =	ssyncadd.s32 @!p1 $0xFFFFFF80  }
0x5b: {  	s3 =	sadd.s32 s3, s11;
	s30 =	sshra.s32 @!p1 s12, $0x2;
	_ =	swait.ge @!p1 [sflag:s5], $0x80  }
0x5c: {  	s24 =	sadd.s32 @!p1 s30, s24;
	s30 =	sshra.s32 s25, $0x2;
	[sflag:s5] =	ssyncset.done @!p1 $0x0  }
0x5d: {  	[sflag:s5] =	ssyncadd.s32 @!p1 $0xFFFFFF80;
	s5 =	sadd.s32 @!p1 $0x1, s23;
	s23 =	simm.s32 @!p1 $0x80  }
0x5e: {  	[tilespmem:s3], [sflag:s5] =	stream.indirect.gather @!p1 [hbm4b:s1+s23], $0x80, s24, s23, $0xb8;
	[tilespmem:$0x1FE80] =	vst v63  }
0x5f: {  	s31 =	rddreg [dreg:$0x4];
	s3 =	sadd.s32 $0x4, s20;
	p1 =	sge.u32 s9, s6  }
0x60: {  	s5 =	sadd.s32 $0x13880, s30;
	s20 =	sshra.s32 @!p1 s12, $0x2;
	s23 =	sshra.s32 @!p1 s18, $0x2  }
0x61: {  	s24 =	simm.s32 @!p1 $0x0;
	s5 =	sadd.s32 @!p1 s20, s5;
	s3 =	sadd.s32 @!p1 s23, s3  }
0x62: {  	[tilespmem:s5], [sflag:s3] =	stream.linear.gather @!p1 [hbm4b:s21+s24], $0x80, $0x38;
	[tilespmem:$0x1FE80] =	vst v63  }
0x63: {  	s18 =	sadd.s32 $0x4, s18;
	s3 =	sadd.s32 @!p1 s20, s15;
	s5 =	sadd.s32 @!p1 s23, s13  }
0x64: {  	[tilespmem:s3], [sflag:s5] =	stream.linear.gather @!p1 [hbm4b:s22+s24], $0x80, $0x38;
	[tilespmem:$0x1FE80] =	vst v63  }
0x65: {  	p1 =	sne.s32 s31, s18  }
.Ltmp0:
0x66: {  	_ = 	snop;
	(pc) =	sbr.rel @p1 .LBB2_2-.Ltmp0, $4  }
0x67: {  	_ = 	snop  }
0x68: {  	s19 =	sadd.s32 $0x1, s19;
	s10 =	sadd.s32 $0x1, s10  }
0x69: {  	s8 =	sadd.s32 $0x4000, s8;
	s11 =	sadd.s32 $0x4000, s11;
	s9 =	sadd.s32 $0x1, s9  }
0x6a: {  	s12 =	sadd.s32 $0x200, s12;
	s21 =	sadd.s32 $0x10, s21;
	s22 =	sadd.s32 $0x10, s22  }
0x6b: {  	_ =	swait.ge [sflag:s16], $0x4000  }
0x6c: {  	[sflag:s16] =	ssyncset.done $0x0  }
0x6d: {  	[sflag:s16] =	ssyncadd.s32 $0xFFFFC000  }
0x6e: {  	_ =	swait.ge [sflag:s14], $0x4000  }
0x6f: {  	[sflag:s14] =	ssyncset.done $0x0  }
0x70: {  	[sflag:s14] =	ssyncadd.s32 $0xFFFFC000  }
0x71: {  	_ =	swait.ge [sflag:s17], $0x4000  }
0x72: {  	[sflag:s17] =	ssyncset.done $0x0  }
0x73: {  	[sflag:s17] =	ssyncadd.s32 $0xFFFFC000  }
0x74: {  	[bflag:$0x0] =	sbarrier.arrive $0xFFFF  }
0x75: {  	s3 =	simm.s32 @p0 $0x1FD0;
	s5 =	rddreg [dreg:$0xf]  }
0x76: {  	[hbm:s5], [sflag:s3] =	dma.local @p0 [spmem:s29], $0x2800  }
0x77: {  	s3 =	simm.s32 @p0 $0x10  }
0x78: {  	_ =	swait.ge @p0 [sflag:s3], $0x2800  }
0x79: {  	[sflag:s3] =	ssyncset.done @p0 $0x0  }
0x7a: {  	[sflag:s3] =	ssyncadd.s32 @p0 $0xFFFFD800;
	s3 =	rddreg [dreg:$0xe]  }
0x7b: {  	[hbm:s3], [sflag:s26] =	dma.local @!p0 [spmem:s7], $0x2700  }
0x7c: {  	s3 =	simm.s32 @!p0 $0x10  }
0x7d: {  	_ =	swait.ge @!p0 [sflag:s3], $0x2700  }
0x7e: {  	s28 =	sadd.s32 $0x1, s28;
	s31 =	rddreg [dreg:$0x10]  }
0x7f: {  	p1 =	sne.s32 s28, s31  }
.Ltmp1:
0x80: {  	_ = 	snop;
	(pc) =	sbr.rel @p1 .LBB2_1-.Ltmp1, $3  }
0x81: {  	_ =	sdelay $0x1  }
0x82: {  	[sflag:s3] =	ssyncset.done @!p0 $0x0  }
0x83: {  	[sflag:s3] =	ssyncadd.s32 @!p0 $0xFFFFD900  }
0x84: {  	_ =	sfence.sel $0x180000  }
0x85: {  	[bflag:$0x0] =	sbarrier.arrive $0xFFFF  }
0x86: {  	_ =	strace $0x9000004A  }
0x87: {  	s0 =	stileid.u32;
	[bflag:$0x2] =	sbarrier.arrive $0xFFFF  }
0x88: {  	p0 =	sne.s32 s0, $0x0;
	s0 =	rddreg [dreg:$0x3]  }
0x89: {  	s0 =	sadd.s32 @!p0 $0x100000, s0  }
0x8a: {  	[sflag:s0] =	ssyncadd.tile.s32 @!p0 $0x1;
	_ =	shalt  }
.Lfunc_end2:
_tile_overlayer_lowered:
.L_overlay_start_2:
0x8b: {  	(tag) =	ssettag $0x2  }
0x8c: {  	s0 =	rddreg [dreg:$0x0];
	s2 =	stileid.u32  }
0x8d: {  	s1 =	rddreg [dreg:$0x1];
	p0 =	sne.s32 s2, $0x0  }
0x8e: {  	s3 =	rddreg [dreg:$0x2];
	[bflag:$0x3] =	sbarrier.arrive $0xFFFF;
	s2 =	simm.s32 @!p0 $0x1C10  }
0x8f: {  	[timem:s3], [sflag:s2] =	dma.local @!p0 [hbm:s0], s1  }
0x90: {  	s0 =	simm.s32 @!p0 $0x10  }
0x91: {  	_ =	swait.ge @!p0 [sflag:s0], s1  }
0x92: {  	s1 =	ssub.s32 @!p0 $0x0, s1;
	[sflag:s0] =	ssyncset.done @!p0 $0x0  }
0x93: {  	[sflag:s0] =	ssyncadd.s32 @!p0 s1  }
0x94: {  	[bflag:$0x3] =	sbarrier.arrive $0xFFFF  }
0x95: {  	_ =	shalt  }

// kernel: kernel.14.cloned.1.call-start
scs
__scs_entry_jumppad:
0x0: {  	(pc) =	sbr.rel $0x88, $3  }
0x1: {  	(tag) =	ssettag $0x0;
	lr =	simm.s32 $0x1  }
0x2: {  	[smem:$0x3F99] =	sst lr;
	_ =	strace $0xD0000000  }
0x3: {  	_ = 	snop  }
0x4: {  	_ = 	snop  }
0x5: {  	_ = 	snop  }
0x6: {  	_ = 	snop  }
0x7: {  	_ = 	snop  }
__scs_overlays_trampoline_lowered:
0x8: {  	[smem:$0x3FA8] =	sst s0  }
0x9: {  	[smem:$0x3FA9] =	sst s1  }
0xa: {  	[smem:$0x3FAA] =	sst s2  }
0xb: {  	[smem:$0x3FAB] =	sst s3  }
0xc: {  	[smem:$0x3FAC] =	sst s4  }
0xd: {  	[smem:$0x3FAD] =	sst s5  }
0xe: {  	[smem:$0x3FAE] =	sst s6  }
0xf: {  	[smem:$0x3FAF] =	sst s7  }
0x10: {  	[smem:$0x3FB0] =	sst s8  }
0x11: {  	[smem:$0x3FB1] =	sst s9;
	s0 =	simm.s32 @!p0 $0x0  }
0x12: {  	s1 =	sld [smem:$0x3F97];
	s0 =	simm.s32 @p0 $0x1  }
0x13: {  	[smem:$0x3FB2] =	sst s0;
	s0 =	simm.s32 @!p1 $0x0  }
0x14: {  	s2 =	sld [smem:$0x3F96];
	s0 =	simm.s32 @p1 $0x1  }
0x15: {  	[smem:$0x3FB3] =	sst s0;
	s0 =	simm.s32 @!p2 $0x0  }
0x16: {  	s3 =	sld [smem:$0x3FDB];
	s0 =	simm.s32 @p2 $0x1  }
0x17: {  	s4 =	simm.s32 $0x1BF5;
	[smem:$0x3FB5] =	sst s0  }
0x18: {  	s0 =	sld [smem:$0x3F98];
	_ =	swait.ge [sflag:s4], $0x0  }
0x19: {  	s7 =	sld [smem:$0x3F99]  }
0x1a: {  	s8 =	sadd.s32 $0xFFFFE003, lr  }
0x1b: {  	s9 =	sadd.s32 $0xFFFFFEF7, lr;
	s5 =	simm.s32 $0xFFFFFFFF;
	p2 =	slt.u32 s8, $0xFFFFF086  }
0x1c: {  	p1 =	slt.u32 s9, $0xF7A;
	s5 =	simm.s32 @!p2 $0x0  }
0x1d: {  	s5 =	simm.s32 @p1 $0x1;
	p0 =	seq.s32 s7, s2  }
0x1e: {  	s7 =	smul.u32 @!p0 $0xF7A, s2;
	p2 =	seq.s32 @!p0 s5, $0x0  }
0x1f: {  	s9 =	smul.u32 $0xF7A, s1;
	s8 =	simm.s32 @!p0 $0x1BF5;
	p2 =	por !p2, p0  }
0x20: {  	[sflag:s8] =	ssyncset.s32 @!p0 $0xFFFFF086;
	s6 =	sadd.s32 @!p0 s3, s7;
	s7 =	simm.s32 @!p0 $0x108  }
0x21: {  	s3 =	sadd.s32 s3, s9;
	s6 =	sadd.s32 @!p0 $0x88, s6;
	s7 =	simm.s32 @p2 $0x1082  }
0x22: {  	[simem:s7], [sflag:s8] =	dma.local @!p0 [hbm:s6], $0xF7A  }
0x23: {  	s9 =	sor.u32 $0xD0000000, s2;
	s6 =	simm.s32 $0x108;
	_ =	swait.ge @!p0 [sflag:s8], $0x0  }
0x24: {  	s3 =	sadd.s32 $0x88, s3;
	s6 =	simm.s32 @!p1 $0x1082;
	[sflag:s4] =	ssyncset.s32 $0xFFFFF086  }
0x25: {  	[simem:s6], [sflag:s4] =	dma.local [hbm:s3], $0xF7A  }
0x26: {  	[smem:$0x3F99] =	sst s1;
	(tag) =	ssettag s2;
	_ =	strace s9  }
0x27: {  	s1 =	sld [smem:$0x3FA9]  }
0x28: {  	s2 =	sld [smem:$0x3FAA]  }
0x29: {  	s4 =	sld [smem:$0x3FAC]  }
0x2a: {  	p0 =	seq.s32 s5, $0x0;
	s5 =	sld [smem:$0x3FAD]  }
0x2b: {  	s6 =	sld [smem:$0x3FAE]  }
0x2c: {  	s7 =	sld [smem:$0x3FAF]  }
0x2d: {  	s3 =	simm.s32 $0x108;
	s8 =	sld [smem:$0x3FB0]  }
0x2e: {  	s3 =	simm.s32 @!p0 $0x1082;
	s9 =	sld [smem:$0x3FB1]  }
0x2f: {  	lr =	sadd.s32 s0, s3;
	s0 =	sld [smem:$0x3FA8]  }
0x30: {  	s3 =	sld [smem:$0x3FAB]  }
0x31: {  	[smem:$0x3FB4] =	sst s10  }
0x32: {  	s10 =	sld [smem:$0x3FB2];
	_ =	sdelay $0x3  }
0x33: {  	p0 =	seq.s32 s10, $0x1;
	s10 =	sld [smem:$0x3FB4];
	_ =	sdelay $0x3  }
0x34: {  	[smem:$0x3FB4] =	sst s10  }
0x35: {  	s10 =	sld [smem:$0x3FB3];
	_ =	sdelay $0x3  }
0x36: {  	p1 =	seq.s32 s10, $0x1;
	s10 =	sld [smem:$0x3FB4];
	_ =	sdelay $0x3  }
0x37: {  	[smem:$0x3FB4] =	sst s10  }
0x38: {  	s10 =	sld [smem:$0x3FB5]  }
0x39: {  	_ = 	snop;
	(pc) =	sbr.ind lr, $3  }
0x3a: {  	_ = 	snop  }
0x3b: {  	_ = 	snop  }
0x3c: {  	p2 =	seq.s32 s10, $0x1;
	s10 =	sld [smem:$0x3FB4]  }
0x3d: {  	_ =	shalt  }
0x3e: {  	_ =	shalt  }
0x3f: {  	_ =	shalt  }
0x40: {  	_ =	shalt  }
0x41: {  	_ =	shalt  }
0x42: {  	_ =	shalt  }
0x43: {  	_ =	shalt  }
0x44: {  	_ =	shalt  }
0x45: {  	_ =	shalt  }
0x46: {  	_ =	shalt  }
0x47: {  	_ =	shalt  }
0x48: {  	_ =	shalt  }
0x49: {  	_ =	shalt  }
0x4a: {  	_ =	shalt  }
0x4b: {  	_ =	shalt  }
0x4c: {  	_ =	shalt  }
0x4d: {  	_ =	shalt  }
0x4e: {  	_ =	shalt  }
0x4f: {  	_ =	shalt  }
0x50: {  	_ =	shalt  }
0x51: {  	_ =	shalt  }
0x52: {  	_ =	shalt  }
0x53: {  	_ =	shalt  }
0x54: {  	_ =	shalt  }
0x55: {  	_ =	shalt  }
0x56: {  	_ =	shalt  }
0x57: {  	_ =	shalt  }
0x58: {  	_ =	shalt  }
0x59: {  	_ =	shalt  }
0x5a: {  	_ =	shalt  }
0x5b: {  	_ =	shalt  }
0x5c: {  	_ =	shalt  }
0x5d: {  	_ =	shalt  }
0x5e: {  	_ =	shalt  }
0x5f: {  	_ =	shalt  }
0x60: {  	_ =	shalt  }
0x61: {  	_ =	shalt  }
0x62: {  	_ =	shalt  }
0x63: {  	_ =	shalt  }
0x64: {  	_ =	shalt  }
0x65: {  	_ =	shalt  }
0x66: {  	_ =	shalt  }
0x67: {  	_ =	shalt  }
0x68: {  	_ =	shalt  }
0x69: {  	_ =	shalt  }
0x6a: {  	_ =	shalt  }
0x6b: {  	_ =	shalt  }
0x6c: {  	_ =	shalt  }
0x6d: {  	_ =	shalt  }
0x6e: {  	_ =	shalt  }
0x6f: {  	_ =	shalt  }
0x70: {  	_ =	shalt  }
0x71: {  	_ =	shalt  }
0x72: {  	_ =	shalt  }
0x73: {  	_ =	shalt  }
0x74: {  	_ =	shalt  }
0x75: {  	_ =	shalt  }
0x76: {  	_ =	shalt  }
0x77: {  	_ =	shalt  }
0x78: {  	_ =	shalt  }
0x79: {  	_ =	shalt  }
0x7a: {  	_ =	shalt  }
0x7b: {  	_ =	shalt  }
0x7c: {  	_ =	shalt  }
0x7d: {  	_ =	shalt  }
0x7e: {  	_ =	shalt  }
0x7f: {  	_ =	shalt  }
0x80: {  	_ =	shalt  }
0x81: {  	_ =	shalt  }
0x82: {  	_ =	shalt  }
0x83: {  	_ =	shalt  }
0x84: {  	_ =	shalt  }
0x85: {  	_ =	shalt  }
0x86: {  	_ =	shalt  }
0x87: {  	_ =	shalt  }
.Lfunc_end0:
.L_simem_size_0:
called_computation.2_lowered:
.L_overlay_start_0:
0x88: {  	s2 =	sld [smem:$0x3FD9]  }
0x89: {  	s3 =	sld [smem:$0x3FFE];
	_ =	sdelay $0x1  }
0x8a: {  	s1 =	srdreg.scid  }
0x8b: {  	s0 =	sand.u32 $0x1, s1  }
0x8c: {  	s17 =	sshll.u32 s0, $0xA;
	s2 =	sadd.s32 s3, s2  }
0x8d: {  	s2 =	sadd.s32 s2, s17  }
0x8e: {  	[smem:$0x3FC0] =	sst s2  }
0x8f: {  	_ = 	snop  }
0x90: {  	s2 =	sld [smem:$0x3FD0];
	(tm) =	ssettm $0x1  }
0x91: {  	s18 =	sld [smem:$0x3FFB];
	_ =	sdelay $0x3  }
0x92: {  	_ =	strace s18  }
0x93: {  	s3 =	sld [smem:$0x3FFC];
	_ =	sdelay $0x3  }
0x94: {  	_ =	strace s3  }
0x95: {  	s3 =	sld [smem:$0x3FFD];
	_ =	sdelay $0x3  }
0x96: {  	_ =	strace s3  }
0x97: {  	_ =	strace $0x8FFFFFFF  }
0x98: {  	s19 =	sld [smem:$0x3FDB];
	_ =	sdelay $0x1  }
0x99: {  	s4 =	simm.s32 $_scs_section_size  }
0x9a: {  	s5 =	simm.s32 $_size__tile_overlayer_lowered;
	s6 =	simm.s32 $_tile_overlayer_lowered  }
0x9b: {  	s22 =	simm.s32 $0x1BFF;
	s21 =	sshll.u32 s6, $0x1;
	s3 =	sadd.s32 s4, s19  }
0x9c: {  	s7 =	simm.s32 $0x0;
	s20 =	sshll.u32 s5, $0x1;
	s5 =	sadd.s32 s21, s3  }
0x9d: {  	[timem:s7], [sflag:s22] =	dma.local [hbm:s5], s20  }
0x9e: {  	_ =	swait.ge [sflag:s22], s20  }
0x9f: {  	s4 =	ssub.s32 $0x0, s20;
	[sflag:s22] =	ssyncset.done $0x0  }
0xa0: {  	[sflag:s22] =	ssyncadd.s32 s4;
	_ =	sdelay $0x1  }
0xa1: {  	s23 =	simm.s32 $0x1B8B  }
0xa2: {  	_ =	swait.ge [sflag:s23], $0x1  }
0xa3: {  	[sflag:s23] =	ssyncset.done $0x0  }
0xa4: {  	s25 =	simm.s32 $0x1B8E;
	s24 =	sld [smem:$0x3FFE];
	[sflag:s23] =	ssyncadd.s32 $0xFFFFFFFF  }
0xa5: {  	s26 =	simm.s32 $execute0_lowered;
	[smem:$0x3FD2] =	sst s25  }
0xa6: {  	s5 =	sshll.u32 s26, $0x1;
	_ =	strace $0x8000004C;
	[dreg:$0x1] =	wrdreg $0xFFFFFFFF  }
0xa7: {  	s28 =	simm.s32 $_size_execute0_lowered;
	s3 =	sadd.s32 s3, s5;
	[dreg:$0x0] =	wrdreg $0x0  }
0xa8: {  	s5 =	sshll.u32 s28, $0x1;
	[dreg:$0x2] =	wrdreg s3  }
0xa9: {  	[dreg:$0x3] =	wrdreg s5  }
0xaa: {  	[dreg:$0x4] =	wrdreg $0xC0  }
0xab: {  	_ =	task [dreg:s7], $0x5FFFF  }
0xac: {  	[dreg:$0x1] =	wrdreg $0xFFFFFFFF  }
0xad: {  	[dreg:$0x0] =	wrdreg $0x60  }
0xae: {  	[dreg:$0x2] =	wrdreg s2  }
0xaf: {  	[dreg:$0x3] =	wrdreg s24  }
0xb0: {  	[dreg:$0x4] =	wrdreg $0x0  }
0xb1: {  	[dreg:$0x5] =	wrdreg $0x9  }
0xb2: {  	_ =	task.clear_ibuf [dreg:s7], $0x6FFFF;
	_ =	strace $0x9000004C  }
0xb3: {  	s29 =	simm.s32 $0x9;
	_ =	strace $0x8000004E  }
0xb4: {  	_ =	swait.ge [sflag:s29], $0x1  }
0xb5: {  	[sflag:s29] =	ssyncadd.s32 $0xFFFFFFFF  }
0xb6: {  	_ =	strace $0x9000004E  }
0xb7: {  	_ =	sfence  }
0xb8: {  	s30 =	sld [smem:$0x0];
	_ =	sdelay $0x2  }
0xb9: {  	s31 =	sshll.u32 s1, $0xD;
	s1 =	sshrl.u32 s1, $0x2  }
0xba: {  	s3 =	sand.u32 $0x4000, s31;
	s1 =	sadd.s32 s1, s30  }
0xbb: {  	s0 =	sor.u32 s3, s0;
	s1 =	sshll.u32 s1, $0x11  }
0xbc: {  	s0 =	sor.u32 s1, s0  }
0xbd: {  	s0 =	sadd.s32 $0x8F2B, s0  }
0xbe: {  	[sflag:s0] =	ssyncadd.remote.s32 $0x1  }
0xbf: {  	_ =	sfence.sel $0xFFFF  }
0xc0: {  	[dreg:$0x0] =	wrdreg $0xFFFFFFFF;
	(pc) =	sbr.abs _section_cstart, $3  }
0xc1: {  	[dreg:$0x1] =	wrdreg $0xFFFFFFFF  }
0xc2: {  	_ =	task.clear_ibuf [dreg:s7], $0x2FFFF;
	_ =	strace $0x9FFFFFFF  }
0xc3: {  	(tm) =	ssettm $0x7FFFFFFF  }
tec
execute0_lowered:
.L_overlay_start_1:
0x0: {  	(tag) =	ssettag $0x1  }
0x1: {  	s1 =	rddreg [dreg:$0x0]  }
0x2: {  	s0 =	rddreg [dreg:$0x1]  }
0x3: {  	s2 =	rddreg [dreg:$0x2]  }
0x4: {  	s4 =	simm.s32 $0x0;
	s3 =	srdreg.scid;
	s5 =	stileid.u32  }
0x5: {  	s28 =	simm.s32 $0x0;
	[smem:$0x7FF] =	sst s4;
	s8 =	smul.u32 $0x4E, s5  }
0x6: {  	s3 =	sand.u32 $0x1, s3;
	s7 =	sadd.s32 $0xB800, s0;
	s13 =	smul.u32 $0x4E000, s5  }
0x7: {  	s9 =	sadd.s32 $0x1A00, s0;
	s10 =	sadd.s32 $0x15600, s0;
	s23 =	smul.u32 $0x2700, s5  }
0x8: {  	s15 =	smin.u32 s5, $0x2;
	s0 =	sadd.s32 $0x17E00, s0;
	s6 =	smul.u32 $0x4E2, s3  }
0x9: {  	p0 =	slt.u32 s5, $0x2;
	_ =	strace $0x8000004D;
	s22 =	smul.u32 $0x27100, s3  }
0xa: {  	[dreg:$0x5] =	wrdreg s10;
	s14 =	ssub.s32 $0x2, s3;
	s3 =	smul.u32 $0x138800, s3  }
0xb: {  	s11 =	sshrl.u32 s14, $0x1;
	s21 =	sshrl.u32 s13, $0x2;
	s6 =	sadd.s32 s8, s6  }
0xc: {  	s10 =	ssub.s32 s14, s11;
	s8 =	sadd.s32 s15, s6;
	s15 =	sadd.s32 $0x124800, s2  }
0xd: {  	s29 =	smax.u32 s10, $0x1;
	s8 =	sshll.u32 s8, $0x4;
	[dreg:$0xd] =	wrdreg s15  }
0xe: {  	s6 =	simm.s32 $0x4F;
	[dreg:$0x10] =	wrdreg s29;
	s16 =	sadd.s32 s7, s8  }
0xf: {  	s6 =	simm.s32 @!p0 $0x4E;
	s17 =	sadd.s32 s9, s8;
	[dreg:$0x6] =	wrdreg s16  }
0x10: {  	s18 =	sadd.s32 $0x10, s8;
	s25 =	sshll.u32 s6, $0x2;
	[dreg:$0x7] =	wrdreg s17  }
0x11: {  	s24 =	sadd.s32 s23, s22;
	s14 =	sadd.s32 s7, s18;
	[dreg:$0x4] =	wrdreg s25  }
0x12: {  	s12 =	sadd.s32 $0x20, s8;
	s11 =	sadd.s32 s9, s18;
	[dreg:$0x8] =	wrdreg s14  }
0x13: {  	s3 =	sshrl.u32 s3, $0x3;
	s19 =	sadd.s32 s7, s12;
	[dreg:$0x9] =	wrdreg s11  }
0x14: {  	s26 =	sadd.s32 $0x30, s8;
	s20 =	sadd.s32 s9, s12;
	[dreg:$0xa] =	wrdreg s19  }
0x15: {  	s17 =	simm.s32 $0xD;
	s30 =	sadd.s32 s26, s7;
	[dreg:$0xb] =	wrdreg s20  }
0x16: {  	s31 =	sadd.s32 s26, s9;
	s11 =	sadd.s32 s21, s2;
	[dreg:$0x11] =	wrdreg s30  }
0x17: {  	s14 =	simm.s32 $0xF;
	[dreg:$0xc] =	wrdreg s11;
	s11 =	simm.s32 $0x1  }
0x18: {  	s17 =	simm.s32 @!p0 $0xF;
	[dreg:$0x12] =	wrdreg s31;
	s11 =	simm.s32 @!p0 $0x0  }
0x19: {  	s16 =	sadd.s32 $0xD, s11;
	s11 =	sadd.s32 s0, s24;
	s0 =	sadd.s32 s0, s3  }
0x1a: {  	s14 =	simm.s32 @!p0 $0xE;
	[dreg:$0xe] =	wrdreg s11;
	s0 =	sadd.s32 $0x24900, s0  }
0x1b: {  	p0 =	seq.s32 s5, $0xF;
	[dreg:$0xf] =	wrdreg s0;
	s0 =	simm.s32 $0x80  }
.LBB2_1:
0x1c: {  	s3 =	rddreg [dreg:$0x6]  }
0x1d: {  	s12 =	rddreg [dreg:$0x7]  }
0x1e: {  	s9 =	simm.s32 $0x13880;
	s13 =	rddreg [dreg:$0x8]  }
0x1f: {  	[tilespmem:s9], [sflag:$0x4] =	stream.linear.gather [hbm4b:s3+s4], $0x80, $0x38;
	[tilespmem:$0x1FE80] =	vst v63  }
0x20: {  	s5 =	simm.s32 $0x13A80;
	s15 =	rddreg [dreg:$0x9]  }
0x21: {  	[tilespmem:s5], [sflag:$0x7] =	stream.linear.gather [hbm4b:s12+s4], $0x80, $0x38;
	[tilespmem:$0x1FE80] =	vst v63  }
0x22: {  	s10 =	simm.s32 $0x13900;
	s19 =	rddreg [dreg:$0xa]  }
0x23: {  	[tilespmem:s10], [sflag:$0x5] =	stream.linear.gather [hbm4b:s13+s4], $0x80, $0x38;
	[tilespmem:$0x1FE80] =	vst v63  }
0x24: {  	s18 =	simm.s32 $0x13B00;
	s21 =	rddreg [dreg:$0xb]  }
0x25: {  	[tilespmem:s18], [sflag:$0x8] =	stream.linear.gather [hbm4b:s15+s4], $0x80, $0x38;
	[tilespmem:$0x1FE80] =	vst v63  }
0x26: {  	s20 =	simm.s32 $0x13980;
	s22 =	simm.s32 $0x13B80;
	s3 =	rddreg [dreg:$0xd]  }
0x27: {  	[tilespmem:s20], [sflag:$0x6] =	stream.linear.gather [hbm4b:s19+s4], $0x80, $0x38;
	[tilespmem:$0x1FE80] =	vst v63  }
0x28: {  	s7 =	simm.s32 @p0 $0x1FD0;
	s29 =	sshrl.u32 @p0 s3, $0x3;
	s5 =	rddreg [dreg:$0x5]  }
0x29: {  	[tilespmem:s22], [sflag:$0x9] =	stream.linear.gather [hbm4b:s21+s4], $0x80, $0x38;
	[tilespmem:$0x1FE80] =	vst v63  }
0x2a: {  	[spmem:s29], [sflag:s7] =	dma.local @p0 [hbm:s5], $0x2800  }
0x2b: {  	s3 =	stileid.u32;
	s7 =	simm.s32 @p0 $0x10  }
0x2c: {  	s8 =	sshll.u32 @!p0 s3, $0x6;
	_ =	swait.ge @p0 [sflag:s7], $0x2800  }
0x2d: {  	s26 =	sor.u32 @!p0 $0x1C10, s8;
	[sflag:s7] =	ssyncset.done @p0 $0x0;
	s3 =	rddreg [dreg:$0xc]  }
0x2e: {  	s8 =	simm.s32 @!p0 $0x10;
	[sflag:s7] =	ssyncadd.s32 @p0 $0xFFFFD800;
	s7 =	sshrl.u32 @!p0 s3, $0x3  }
0x2f: {  	[spmem:s7], [sflag:s26] =	dma.local @!p0 [hbm:s5], $0x2700  }
0x30: {  	_ =	swait.ge @!p0 [sflag:s8], $0x2700  }
0x31: {  	[sflag:s8] =	ssyncset.done @!p0 $0x0  }
0x32: {  	[sflag:s8] =	ssyncadd.s32 @!p0 $0xFFFFD900  }
0x33: {  	s23 =	simm.s32 $0x4;
	[bflag:$0x0] =	sbarrier.arrive $0xFFFF  }
0x34: {  	_ =	swait.ge [sflag:s23], $0x80  }
0x35: {  	[sflag:s23] =	ssyncset.done $0x0  }
0x36: {  	s24 =	simm.s32 $0x7;
	[sflag:s23] =	ssyncadd.s32 $0xFFFFFF80  }
0x37: {  	_ =	swait.ge [sflag:s24], $0x80  }
0x38: {  	[sflag:s24] =	ssyncset.done $0x0  }
0x39: {  	s25 =	simm.s32 $0x5;
	s8 =	simm.s32 $0x13E80;
	[sflag:s24] =	ssyncadd.s32 $0xFFFFFF80  }
0x3a: {  	[tilespmem:s8], [sflag:$0x1] =	stream.indirect.gather [hbm4b:s1+s0], $0x80, s9, s0, $0xb8;
	[tilespmem:$0x1FE80] =	vst v63  }
0x3b: {  	_ =	swait.ge [sflag:s25], $0x80  }
0x3c: {  	[sflag:s25] =	ssyncset.done $0x0  }
0x3d: {  	s30 =	simm.s32 $0x8;
	[sflag:s25] =	ssyncadd.s32 $0xFFFFFF80  }
0x3e: {  	s31 =	simm.s32 $0x17E80;
	s11 =	simm.s32 $0x1BE80;
	_ =	swait.ge [sflag:s30], $0x80  }
0x3f: {  	s12 =	simm.s32 $0x0;
	s18 =	simm.s32 $0x0;
	[sflag:s30] =	ssyncset.done $0x0  }
0x40: {  	s19 =	simm.s32 $0x0;
	s22 =	rddreg [dreg:$0x12];
	[sflag:s30] =	ssyncadd.s32 $0xFFFFFF80  }
0x41: {  	[tilespmem:s31], [sflag:$0x2] =	stream.indirect.gather [hbm4b:s1+s0], $0x80, s10, s0, $0xb8;
	[tilespmem:$0x1FE80] =	vst v63  }
0x42: {  	s9 =	simm.s32 $0x3;
	s21 =	rddreg [dreg:$0x11];
	s10 =	simm.s32 $0x2  }
.LBB2_2:
0x43: {  	s23 =	smulhi.u32 $0xAAAAAAAB, s19  }
0x44: {  	s15 =	smulhi.u32 $0xAAAAAAAB, s9  }
0x45: {  	s31 =	smulhi.u32 $0xAAAAAAAB, s10;
	s25 =	sshrl.u32 s23, $0x1  }
0x46: {  	s23 =	sshrl.u32 s23, $0x2;
	s20 =	smul.u32 $0xFFFFFFF4, s25  }
0x47: {  	s13 =	sshra.s32 s18, $0x2;
	s23 =	smul.u32 $0xFFFFF400, s23  }
0x48: {  	s24 =	sshra.s32 s12, $0x2;
	s30 =	smul.u32 $0xFFFD0000, s25;
	s20 =	sshra.s32 s20, $0x2  }
0x49: {  	s25 =	smul.u32 $0xFFFFFA00, s25;
	s23 =	sshra.s32 s23, $0x2;
	s13 =	sadd.s32 s13, s20  }
0x4a: {  	s30 =	sshra.s32 s30, $0x2;
	s23 =	sadd.s32 s24, s23;
	s3 =	sadd.s32 $0x1, s13  }
0x4b: {  	s30 =	sadd.s32 s30, s8;
	s5 =	sadd.s32 $0x13A80, s23;
	_ =	swait.ge [sflag:s3], $0x4000  }
0x4c: {  	s13 =	sadd.s32 $0xD, s13;
	s23 =	sadd.s32 $0xFFFFFFFF, s9;
	[sflag:s3] =	ssyncset.done $0x0  }
0x4d: {  	p1 =	sge.u32 s23, s6;
	[sflag:s3] =	ssyncadd.s32 $0xFFFFC000;
	s3 =	sshrl.u32 s31, $0x1  }
0x4e: {  	[spmem:s2] =	stream.indirect.scatter.add.f32 [tilespmem:s30], [sflag:s13], $0x80, s5, s0, $0xb8;
	[tilespmem:$0x1FE80] =	vst v63  }
0x4f: {  	s15 =	sshrl.u32 s15, $0x2;
	p2 =	seq.s32 @!p1 s18, $0x0;
	s24 =	smul.u32 $0xC, s3  }
0x50: {  	p2 =	por p2, p1;
	s30 =	smul.u32 $0xFFFFFFE8, s15  }
0x51: {  	s31 =	sshrl.u32 s31, $0x2;
	s15 =	smul.u32 $0xFFFFF400, s15;
	s23 =	ssub.s32 $0x8, s24  }
0x52: {  	s5 =	smul.u32 $0xFFFFFA00, s3;
	s13 =	sshra.s32 s30, $0x2;
	s30 =	sadd.s32 @!p2 s23, s18  }
0x53: {  	s31 =	smul.u32 $0xFFFFFFE8, s31;
	s30 =	sshra.s32 @!p2 s30, $0x2  }
0x54: {  	s3 =	smul.u32 $0xFFFD0000, s3;
	s15 =	sshra.s32 s15, $0x2;
	s30 =	sadd.s32 @!p2 $0xD, s30  }
0x55: {  	s24 =	sshra.s32 s5, $0x2;
	s23 =	sadd.s32 @!p1 s23, s18;
	_ =	swait.ge @!p2 [sflag:s30], $0x4000  }
0x56: {  	s31 =	sshra.s32 s31, $0x2;
	s23 =	sshra.s32 @!p1 s23, $0x2;
	[sflag:s30] =	ssyncset.done @!p2 $0x0  }
0x57: {  	s5 =	sshra.s32 @!p1 s18, $0x2;
	[sflag:s30] =	ssyncadd.s32 @!p2 $0xFFFFC000;
	s30 =	sadd.s32 @!p1 $0x4, s23  }
0x58: {  	s3 =	sshra.s32 s3, $0x2;
	s13 =	sadd.s32 $0xA, s13;
	_ =	swait.ge @!p1 [sflag:s30], $0x80  }
0x59: {  	s15 =	sadd.s32 $0x13C00, s15;
	s31 =	sadd.s32 $0x9, s31;
	[sflag:s30] =	ssyncset.done @!p1 $0x0  }
0x5a: {  	s24 =	sadd.s32 $0x13980, s24;
	s5 =	sadd.s32 @!p1 s5, s31;
	[sflag:s30] =	ssyncadd.s32 @!p1 $0xFFFFFF80  }
0x5b: {  	s3 =	sadd.s32 s3, s11;
	s30 =	sshra.s32 @!p1 s12, $0x2;
	_ =	swait.ge @!p1 [sflag:s5], $0x80  }
0x5c: {  	s24 =	sadd.s32 @!p1 s30, s24;
	s30 =	sshra.s32 s25, $0x2;
	[sflag:s5] =	ssyncset.done @!p1 $0x0  }
0x5d: {  	[sflag:s5] =	ssyncadd.s32 @!p1 $0xFFFFFF80;
	s5 =	sadd.s32 @!p1 $0x1, s23;
	s23 =	simm.s32 @!p1 $0x80  }
0x5e: {  	[tilespmem:s3], [sflag:s5] =	stream.indirect.gather @!p1 [hbm4b:s1+s23], $0x80, s24, s23, $0xb8;
	[tilespmem:$0x1FE80] =	vst v63  }
0x5f: {  	s31 =	rddreg [dreg:$0x4];
	s3 =	sadd.s32 $0x4, s20;
	p1 =	sge.u32 s9, s6  }
0x60: {  	s5 =	sadd.s32 $0x13880, s30;
	s20 =	sshra.s32 @!p1 s12, $0x2;
	s23 =	sshra.s32 @!p1 s18, $0x2  }
0x61: {  	s24 =	simm.s32 @!p1 $0x0;
	s5 =	sadd.s32 @!p1 s20, s5;
	s3 =	sadd.s32 @!p1 s23, s3  }
0x62: {  	[tilespmem:s5], [sflag:s3] =	stream.linear.gather @!p1 [hbm4b:s21+s24], $0x80, $0x38;
	[tilespmem:$0x1FE80] =	vst v63  }
0x63: {  	s18 =	sadd.s32 $0x4, s18;
	s3 =	sadd.s32 @!p1 s20, s15;
	s5 =	sadd.s32 @!p1 s23, s13  }
0x64: {  	[tilespmem:s3], [sflag:s5] =	stream.linear.gather @!p1 [hbm4b:s22+s24], $0x80, $0x38;
	[tilespmem:$0x1FE80] =	vst v63  }
0x65: {  	p1 =	sne.s32 s31, s18  }
.Ltmp0:
0x66: {  	_ = 	snop;
	(pc) =	sbr.rel @p1 .LBB2_2-.Ltmp0, $4  }
0x67: {  	_ = 	snop  }
0x68: {  	s19 =	sadd.s32 $0x1, s19;
	s10 =	sadd.s32 $0x1, s10  }
0x69: {  	s8 =	sadd.s32 $0x4000, s8;
	s11 =	sadd.s32 $0x4000, s11;
	s9 =	sadd.s32 $0x1, s9  }
0x6a: {  	s12 =	sadd.s32 $0x200, s12;
	s21 =	sadd.s32 $0x10, s21;
	s22 =	sadd.s32 $0x10, s22  }
0x6b: {  	_ =	swait.ge [sflag:s16], $0x4000  }
0x6c: {  	[sflag:s16] =	ssyncset.done $0x0  }
0x6d: {  	[sflag:s16] =	ssyncadd.s32 $0xFFFFC000  }
0x6e: {  	_ =	swait.ge [sflag:s14], $0x4000  }
0x6f: {  	[sflag:s14] =	ssyncset.done $0x0  }
0x70: {  	[sflag:s14] =	ssyncadd.s32 $0xFFFFC000  }
0x71: {  	_ =	swait.ge [sflag:s17], $0x4000  }
0x72: {  	[sflag:s17] =	ssyncset.done $0x0  }
0x73: {  	[sflag:s17] =	ssyncadd.s32 $0xFFFFC000  }
0x74: {  	[bflag:$0x0] =	sbarrier.arrive $0xFFFF  }
0x75: {  	s3 =	simm.s32 @p0 $0x1FD0;
	s5 =	rddreg [dreg:$0xf]  }
0x76: {  	[hbm:s5], [sflag:s3] =	dma.local @p0 [spmem:s29], $0x2800  }
0x77: {  	s3 =	simm.s32 @p0 $0x10  }
0x78: {  	_ =	swait.ge @p0 [sflag:s3], $0x2800  }
0x79: {  	[sflag:s3] =	ssyncset.done @p0 $0x0  }
0x7a: {  	[sflag:s3] =	ssyncadd.s32 @p0 $0xFFFFD800;
	s3 =	rddreg [dreg:$0xe]  }
0x7b: {  	[hbm:s3], [sflag:s26] =	dma.local @!p0 [spmem:s7], $0x2700  }
0x7c: {  	s3 =	simm.s32 @!p0 $0x10  }
0x7d: {  	_ =	swait.ge @!p0 [sflag:s3], $0x2700  }
0x7e: {  	s28 =	sadd.s32 $0x1, s28;
	s31 =	rddreg [dreg:$0x10]  }
0x7f: {  	p1 =	sne.s32 s28, s31  }
.Ltmp1:
0x80: {  	_ = 	snop;
	(pc) =	sbr.rel @p1 .LBB2_1-.Ltmp1, $3  }
0x81: {  	_ =	sdelay $0x1  }
0x82: {  	[sflag:s3] =	ssyncset.done @!p0 $0x0  }
0x83: {  	[sflag:s3] =	ssyncadd.s32 @!p0 $0xFFFFD900  }
0x84: {  	_ =	sfence.sel $0x180000  }
0x85: {  	[bflag:$0x0] =	sbarrier.arrive $0xFFFF  }
0x86: {  	_ =	strace $0x9000004D  }
0x87: {  	s0 =	stileid.u32;
	[bflag:$0x2] =	sbarrier.arrive $0xFFFF  }
0x88: {  	p0 =	sne.s32 s0, $0x0;
	s0 =	rddreg [dreg:$0x3]  }
0x89: {  	s0 =	sadd.s32 @!p0 $0x100000, s0  }
0x8a: {  	[sflag:s0] =	ssyncadd.tile.s32 @!p0 $0x1;
	_ =	shalt  }
.Lfunc_end2:
_tile_overlayer_lowered:
.L_overlay_start_2:
0x8b: {  	(tag) =	ssettag $0x2  }
0x8c: {  	s0 =	rddreg [dreg:$0x0];
	s2 =	stileid.u32  }
0x8d: {  	s1 =	rddreg [dreg:$0x1];
	p0 =	sne.s32 s2, $0x0  }
0x8e: {  	s3 =	rddreg [dreg:$0x2];
	[bflag:$0x3] =	sbarrier.arrive $0xFFFF;
	s2 =	simm.s32 @!p0 $0x1C10  }
0x8f: {  	[timem:s3], [sflag:s2] =	dma.local @!p0 [hbm:s0], s1  }
0x90: {  	s0 =	simm.s32 @!p0 $0x10  }
0x91: {  	_ =	swait.ge @!p0 [sflag:s0], s1  }
0x92: {  	s1 =	ssub.s32 @!p0 $0x0, s1;
	[sflag:s0] =	ssyncset.done @!p0 $0x0  }
0x93: {  	[sflag:s0] =	ssyncadd.s32 @!p0 s1  }
0x94: {  	[bflag:$0x3] =	sbarrier.arrive $0xFFFF  }
0x95: {  	_ =	shalt  }

// kernel: kernel.8.cloned.1.call-start
scs
__scs_entry_jumppad:
0x0: {  	(pc) =	sbr.rel $0x88, $3  }
0x1: {  	(tag) =	ssettag $0x0;
	lr =	simm.s32 $0x1  }
0x2: {  	[smem:$0x3F99] =	sst lr;
	_ =	strace $0xD0000000  }
0x3: {  	_ = 	snop  }
0x4: {  	_ = 	snop  }
0x5: {  	_ = 	snop  }
0x6: {  	_ = 	snop  }
0x7: {  	_ = 	snop  }
__scs_overlays_trampoline_lowered:
0x8: {  	[smem:$0x3FA8] =	sst s0  }
0x9: {  	[smem:$0x3FA9] =	sst s1  }
0xa: {  	[smem:$0x3FAA] =	sst s2  }
0xb: {  	[smem:$0x3FAB] =	sst s3  }
0xc: {  	[smem:$0x3FAC] =	sst s4  }
0xd: {  	[smem:$0x3FAD] =	sst s5  }
0xe: {  	[smem:$0x3FAE] =	sst s6  }
0xf: {  	[smem:$0x3FAF] =	sst s7  }
0x10: {  	[smem:$0x3FB0] =	sst s8  }
0x11: {  	[smem:$0x3FB1] =	sst s9;
	s0 =	simm.s32 @!p0 $0x0  }
0x12: {  	s1 =	sld [smem:$0x3F97];
	s0 =	simm.s32 @p0 $0x1  }
0x13: {  	[smem:$0x3FB2] =	sst s0;
	s0 =	simm.s32 @!p1 $0x0  }
0x14: {  	s2 =	sld [smem:$0x3F96];
	s0 =	simm.s32 @p1 $0x1  }
0x15: {  	[smem:$0x3FB3] =	sst s0;
	s0 =	simm.s32 @!p2 $0x0  }
0x16: {  	s3 =	sld [smem:$0x3FDB];
	s0 =	simm.s32 @p2 $0x1  }
0x17: {  	s4 =	simm.s32 $0x1BF5;
	[smem:$0x3FB5] =	sst s0  }
0x18: {  	s0 =	sld [smem:$0x3F98];
	_ =	swait.ge [sflag:s4], $0x0  }
0x19: {  	s7 =	sld [smem:$0x3F99]  }
0x1a: {  	s8 =	sadd.s32 $0xFFFFE003, lr  }
0x1b: {  	s9 =	sadd.s32 $0xFFFFFEF7, lr;
	s5 =	simm.s32 $0xFFFFFFFF;
	p2 =	slt.u32 s8, $0xFFFFF086  }
0x1c: {  	p1 =	slt.u32 s9, $0xF7A;
	s5 =	simm.s32 @!p2 $0x0  }
0x1d: {  	s5 =	simm.s32 @p1 $0x1;
	p0 =	seq.s32 s7, s2  }
0x1e: {  	s7 =	smul.u32 @!p0 $0xF7A, s2;
	p2 =	seq.s32 @!p0 s5, $0x0  }
0x1f: {  	s9 =	smul.u32 $0xF7A, s1;
	s8 =	simm.s32 @!p0 $0x1BF5;
	p2 =	por !p2, p0  }
0x20: {  	[sflag:s8] =	ssyncset.s32 @!p0 $0xFFFFF086;
	s6 =	sadd.s32 @!p0 s3, s7;
	s7 =	simm.s32 @!p0 $0x108  }
0x21: {  	s3 =	sadd.s32 s3, s9;
	s6 =	sadd.s32 @!p0 $0x88, s6;
	s7 =	simm.s32 @p2 $0x1082  }
0x22: {  	[simem:s7], [sflag:s8] =	dma.local @!p0 [hbm:s6], $0xF7A  }
0x23: {  	s9 =	sor.u32 $0xD0000000, s2;
	s6 =	simm.s32 $0x108;
	_ =	swait.ge @!p0 [sflag:s8], $0x0  }
0x24: {  	s3 =	sadd.s32 $0x88, s3;
	s6 =	simm.s32 @!p1 $0x1082;
	[sflag:s4] =	ssyncset.s32 $0xFFFFF086  }
0x25: {  	[simem:s6], [sflag:s4] =	dma.local [hbm:s3], $0xF7A  }
0x26: {  	[smem:$0x3F99] =	sst s1;
	(tag) =	ssettag s2;
	_ =	strace s9  }
0x27: {  	s1 =	sld [smem:$0x3FA9]  }
0x28: {  	s2 =	sld [smem:$0x3FAA]  }
0x29: {  	s4 =	sld [smem:$0x3FAC]  }
0x2a: {  	p0 =	seq.s32 s5, $0x0;
	s5 =	sld [smem:$0x3FAD]  }
0x2b: {  	s6 =	sld [smem:$0x3FAE]  }
0x2c: {  	s7 =	sld [smem:$0x3FAF]  }
0x2d: {  	s3 =	simm.s32 $0x108;
	s8 =	sld [smem:$0x3FB0]  }
0x2e: {  	s3 =	simm.s32 @!p0 $0x1082;
	s9 =	sld [smem:$0x3FB1]  }
0x2f: {  	lr =	sadd.s32 s0, s3;
	s0 =	sld [smem:$0x3FA8]  }
0x30: {  	s3 =	sld [smem:$0x3FAB]  }
0x31: {  	[smem:$0x3FB4] =	sst s10  }
0x32: {  	s10 =	sld [smem:$0x3FB2];
	_ =	sdelay $0x3  }
0x33: {  	p0 =	seq.s32 s10, $0x1;
	s10 =	sld [smem:$0x3FB4];
	_ =	sdelay $0x3  }
0x34: {  	[smem:$0x3FB4] =	sst s10  }
0x35: {  	s10 =	sld [smem:$0x3FB3];
	_ =	sdelay $0x3  }
0x36: {  	p1 =	seq.s32 s10, $0x1;
	s10 =	sld [smem:$0x3FB4];
	_ =	sdelay $0x3  }
0x37: {  	[smem:$0x3FB4] =	sst s10  }
0x38: {  	s10 =	sld [smem:$0x3FB5]  }
0x39: {  	_ = 	snop;
	(pc) =	sbr.ind lr, $3  }
0x3a: {  	_ = 	snop  }
0x3b: {  	_ = 	snop  }
0x3c: {  	p2 =	seq.s32 s10, $0x1;
	s10 =	sld [smem:$0x3FB4]  }
0x3d: {  	_ =	shalt  }
0x3e: {  	_ =	shalt  }
0x3f: {  	_ =	shalt  }
0x40: {  	_ =	shalt  }
0x41: {  	_ =	shalt  }
0x42: {  	_ =	shalt  }
0x43: {  	_ =	shalt  }
0x44: {  	_ =	shalt  }
0x45: {  	_ =	shalt  }
0x46: {  	_ =	shalt  }
0x47: {  	_ =	shalt  }
0x48: {  	_ =	shalt  }
0x49: {  	_ =	shalt  }
0x4a: {  	_ =	shalt  }
0x4b: {  	_ =	shalt  }
0x4c: {  	_ =	shalt  }
0x4d: {  	_ =	shalt  }
0x4e: {  	_ =	shalt  }
0x4f: {  	_ =	shalt  }
0x50: {  	_ =	shalt  }
0x51: {  	_ =	shalt  }
0x52: {  	_ =	shalt  }
0x53: {  	_ =	shalt  }
0x54: {  	_ =	shalt  }
0x55: {  	_ =	shalt  }
0x56: {  	_ =	shalt  }
0x57: {  	_ =	shalt  }
0x58: {  	_ =	shalt  }
0x59: {  	_ =	shalt  }
0x5a: {  	_ =	shalt  }
0x5b: {  	_ =	shalt  }
0x5c: {  	_ =	shalt  }
0x5d: {  	_ =	shalt  }
0x5e: {  	_ =	shalt  }
0x5f: {  	_ =	shalt  }
0x60: {  	_ =	shalt  }
0x61: {  	_ =	shalt  }
0x62: {  	_ =	shalt  }
0x63: {  	_ =	shalt  }
0x64: {  	_ =	shalt  }
0x65: {  	_ =	shalt  }
0x66: {  	_ =	shalt  }
0x67: {  	_ =	shalt  }
0x68: {  	_ =	shalt  }
0x69: {  	_ =	shalt  }
0x6a: {  	_ =	shalt  }
0x6b: {  	_ =	shalt  }
0x6c: {  	_ =	shalt  }
0x6d: {  	_ =	shalt  }
0x6e: {  	_ =	shalt  }
0x6f: {  	_ =	shalt  }
0x70: {  	_ =	shalt  }
0x71: {  	_ =	shalt  }
0x72: {  	_ =	shalt  }
0x73: {  	_ =	shalt  }
0x74: {  	_ =	shalt  }
0x75: {  	_ =	shalt  }
0x76: {  	_ =	shalt  }
0x77: {  	_ =	shalt  }
0x78: {  	_ =	shalt  }
0x79: {  	_ =	shalt  }
0x7a: {  	_ =	shalt  }
0x7b: {  	_ =	shalt  }
0x7c: {  	_ =	shalt  }
0x7d: {  	_ =	shalt  }
0x7e: {  	_ =	shalt  }
0x7f: {  	_ =	shalt  }
0x80: {  	_ =	shalt  }
0x81: {  	_ =	shalt  }
0x82: {  	_ =	shalt  }
0x83: {  	_ =	shalt  }
0x84: {  	_ =	shalt  }
0x85: {  	_ =	shalt  }
0x86: {  	_ =	shalt  }
0x87: {  	_ =	shalt  }
.Lfunc_end0:
.L_simem_size_0:
called_computation_lowered:
.L_overlay_start_0:
0x88: {  	s2 =	sld [smem:$0x3FD9]  }
0x89: {  	s3 =	sld [smem:$0x3FFE];
	_ =	sdelay $0x1  }
0x8a: {  	s1 =	srdreg.scid  }
0x8b: {  	s0 =	sand.u32 $0x1, s1  }
0x8c: {  	s17 =	sshll.u32 s0, $0xA;
	s2 =	sadd.s32 s3, s2  }
0x8d: {  	s2 =	sadd.s32 s2, s17  }
0x8e: {  	[smem:$0x3FC0] =	sst s2  }
0x8f: {  	_ = 	snop  }
0x90: {  	s2 =	sld [smem:$0x3FC9];
	(tm) =	ssettm $0x1  }
0x91: {  	s18 =	sld [smem:$0x3FFB];
	_ =	sdelay $0x3  }
0x92: {  	_ =	strace s18  }
0x93: {  	s3 =	sld [smem:$0x3FFC];
	_ =	sdelay $0x3  }
0x94: {  	_ =	strace s3  }
0x95: {  	s3 =	sld [smem:$0x3FFD];
	_ =	sdelay $0x3  }
0x96: {  	_ =	strace s3  }
0x97: {  	_ =	strace $0x8FFFFFFF  }
0x98: {  	s19 =	sld [smem:$0x3FDB];
	_ =	sdelay $0x1  }
0x99: {  	s4 =	simm.s32 $_scs_section_size  }
0x9a: {  	s5 =	simm.s32 $_size__tile_overlayer_lowered;
	s6 =	simm.s32 $_tile_overlayer_lowered  }
0x9b: {  	s22 =	simm.s32 $0x1BFF;
	s21 =	sshll.u32 s6, $0x1;
	s3 =	sadd.s32 s4, s19  }
0x9c: {  	s7 =	simm.s32 $0x0;
	s20 =	sshll.u32 s5, $0x1;
	s5 =	sadd.s32 s21, s3  }
0x9d: {  	[timem:s7], [sflag:s22] =	dma.local [hbm:s5], s20  }
0x9e: {  	_ =	swait.ge [sflag:s22], s20  }
0x9f: {  	s4 =	ssub.s32 $0x0, s20;
	[sflag:s22] =	ssyncset.done $0x0  }
0xa0: {  	[sflag:s22] =	ssyncadd.s32 s4;
	_ =	sdelay $0x1  }
0xa1: {  	s23 =	simm.s32 $0x1B8B  }
0xa2: {  	_ =	swait.ge [sflag:s23], $0x1  }
0xa3: {  	[sflag:s23] =	ssyncset.done $0x0  }
0xa4: {  	s25 =	simm.s32 $0x1B8E;
	s24 =	sld [smem:$0x3FFE];
	[sflag:s23] =	ssyncadd.s32 $0xFFFFFFFF  }
0xa5: {  	s26 =	simm.s32 $execute0_lowered;
	[smem:$0x3FD2] =	sst s25  }
0xa6: {  	s5 =	sshll.u32 s26, $0x1;
	_ =	strace $0x80000046;
	[dreg:$0x1] =	wrdreg $0xFFFFFFFF  }
0xa7: {  	s28 =	simm.s32 $_size_execute0_lowered;
	s3 =	sadd.s32 s3, s5;
	[dreg:$0x0] =	wrdreg $0x0  }
0xa8: {  	s5 =	sshll.u32 s28, $0x1;
	[dreg:$0x2] =	wrdreg s3  }
0xa9: {  	[dreg:$0x3] =	wrdreg s5  }
0xaa: {  	[dreg:$0x4] =	wrdreg $0xC0  }
0xab: {  	_ =	task [dreg:s7], $0x5FFFF  }
0xac: {  	[dreg:$0x1] =	wrdreg $0xFFFFFFFF  }
0xad: {  	[dreg:$0x0] =	wrdreg $0x60  }
0xae: {  	[dreg:$0x2] =	wrdreg s2  }
0xaf: {  	[dreg:$0x3] =	wrdreg s24  }
0xb0: {  	[dreg:$0x4] =	wrdreg $0x0  }
0xb1: {  	[dreg:$0x5] =	wrdreg $0x9  }
0xb2: {  	_ =	task.clear_ibuf [dreg:s7], $0x6FFFF;
	_ =	strace $0x90000046  }
0xb3: {  	s29 =	simm.s32 $0x9;
	_ =	strace $0x80000048  }
0xb4: {  	_ =	swait.ge [sflag:s29], $0x1  }
0xb5: {  	[sflag:s29] =	ssyncadd.s32 $0xFFFFFFFF  }
0xb6: {  	_ =	strace $0x90000048  }
0xb7: {  	_ =	sfence  }
0xb8: {  	s30 =	sld [smem:$0x0];
	_ =	sdelay $0x2  }
0xb9: {  	s31 =	sshll.u32 s1, $0xD;
	s1 =	sshrl.u32 s1, $0x2  }
0xba: {  	s3 =	sand.u32 $0x4000, s31;
	s1 =	sadd.s32 s1, s30  }
0xbb: {  	s0 =	sor.u32 s3, s0;
	s1 =	sshll.u32 s1, $0x11  }
0xbc: {  	s0 =	sor.u32 s1, s0  }
0xbd: {  	s0 =	sadd.s32 $0x8F2B, s0  }
0xbe: {  	[sflag:s0] =	ssyncadd.remote.s32 $0x1  }
0xbf: {  	_ =	sfence.sel $0xFFFF  }
0xc0: {  	[dreg:$0x0] =	wrdreg $0xFFFFFFFF;
	(pc) =	sbr.abs _section_cstart, $3  }
0xc1: {  	[dreg:$0x1] =	wrdreg $0xFFFFFFFF  }
0xc2: {  	_ =	task.clear_ibuf [dreg:s7], $0x2FFFF;
	_ =	strace $0x9FFFFFFF  }
0xc3: {  	(tm) =	ssettm $0x7FFFFFFF  }
tec
execute0_lowered:
.L_overlay_start_1:
0x0: {  	(tag) =	ssettag $0x1  }
0x1: {  	s1 =	rddreg [dreg:$0x0]  }
0x2: {  	s0 =	rddreg [dreg:$0x1]  }
0x3: {  	s2 =	rddreg [dreg:$0x2]  }
0x4: {  	s4 =	simm.s32 $0x0;
	s3 =	srdreg.scid;
	s5 =	stileid.u32  }
0x5: {  	s28 =	simm.s32 $0x0;
	[smem:$0x7FF] =	sst s4;
	s8 =	smul.u32 $0x4E, s5  }
0x6: {  	s3 =	sand.u32 $0x1, s3;
	s7 =	sadd.s32 $0xB800, s0;
	s13 =	smul.u32 $0x4E000, s5  }
0x7: {  	s9 =	sadd.s32 $0x1A00, s0;
	s10 =	sadd.s32 $0x15600, s0;
	s23 =	smul.u32 $0x2700, s5  }
0x8: {  	s15 =	smin.u32 s5, $0x2;
	s0 =	sadd.s32 $0x17E00, s0;
	s6 =	smul.u32 $0x4E2, s3  }
0x9: {  	p0 =	slt.u32 s5, $0x2;
	_ =	strace $0x80000047;
	s22 =	smul.u32 $0x27100, s3  }
0xa: {  	[dreg:$0x5] =	wrdreg s10;
	s14 =	ssub.s32 $0x2, s3;
	s3 =	smul.u32 $0x138800, s3  }
0xb: {  	s11 =	sshrl.u32 s14, $0x1;
	s21 =	sshrl.u32 s13, $0x2;
	s6 =	sadd.s32 s8, s6  }
0xc: {  	s10 =	ssub.s32 s14, s11;
	s8 =	sadd.s32 s15, s6;
	s15 =	sadd.s32 $0x124800, s2  }
0xd: {  	s29 =	smax.u32 s10, $0x1;
	s8 =	sshll.u32 s8, $0x4;
	[dreg:$0xd] =	wrdreg s15  }
0xe: {  	s6 =	simm.s32 $0x4F;
	[dreg:$0x10] =	wrdreg s29;
	s16 =	sadd.s32 s7, s8  }
0xf: {  	s6 =	simm.s32 @!p0 $0x4E;
	s17 =	sadd.s32 s9, s8;
	[dreg:$0x6] =	wrdreg s16  }
0x10: {  	s18 =	sadd.s32 $0x10, s8;
	s25 =	sshll.u32 s6, $0x2;
	[dreg:$0x7] =	wrdreg s17  }
0x11: {  	s24 =	sadd.s32 s23, s22;
	s14 =	sadd.s32 s7, s18;
	[dreg:$0x4] =	wrdreg s25  }
0x12: {  	s12 =	sadd.s32 $0x20, s8;
	s11 =	sadd.s32 s9, s18;
	[dreg:$0x8] =	wrdreg s14  }
0x13: {  	s3 =	sshrl.u32 s3, $0x3;
	s19 =	sadd.s32 s7, s12;
	[dreg:$0x9] =	wrdreg s11  }
0x14: {  	s26 =	sadd.s32 $0x30, s8;
	s20 =	sadd.s32 s9, s12;
	[dreg:$0xa] =	wrdreg s19  }
0x15: {  	s17 =	simm.s32 $0xD;
	s30 =	sadd.s32 s26, s7;
	[dreg:$0xb] =	wrdreg s20  }
0x16: {  	s31 =	sadd.s32 s26, s9;
	s11 =	sadd.s32 s21, s2;
	[dreg:$0x11] =	wrdreg s30  }
0x17: {  	s14 =	simm.s32 $0xF;
	[dreg:$0xc] =	wrdreg s11;
	s11 =	simm.s32 $0x1  }
0x18: {  	s17 =	simm.s32 @!p0 $0xF;
	[dreg:$0x12] =	wrdreg s31;
	s11 =	simm.s32 @!p0 $0x0  }
0x19: {  	s16 =	sadd.s32 $0xD, s11;
	s11 =	sadd.s32 s0, s24;
	s0 =	sadd.s32 s0, s3  }
0x1a: {  	s14 =	simm.s32 @!p0 $0xE;
	[dreg:$0xe] =	wrdreg s11;
	s0 =	sadd.s32 $0x24900, s0  }
0x1b: {  	p0 =	seq.s32 s5, $0xF;
	[dreg:$0xf] =	wrdreg s0;
	s0 =	simm.s32 $0x80  }
.LBB2_1:
0x1c: {  	s3 =	rddreg [dreg:$0x6]  }
0x1d: {  	s12 =	rddreg [dreg:$0x7]  }
0x1e: {  	s9 =	simm.s32 $0x13880;
	s13 =	rddreg [dreg:$0x8]  }
0x1f: {  	[tilespmem:s9], [sflag:$0x4] =	stream.linear.gather [hbm4b:s3+s4], $0x80, $0x38;
	[tilespmem:$0x1FE80] =	vst v63  }
0x20: {  	s5 =	simm.s32 $0x13A80;
	s15 =	rddreg [dreg:$0x9]  }
0x21: {  	[tilespmem:s5], [sflag:$0x7] =	stream.linear.gather [hbm4b:s12+s4], $0x80, $0x38;
	[tilespmem:$0x1FE80] =	vst v63  }
0x22: {  	s10 =	simm.s32 $0x13900;
	s19 =	rddreg [dreg:$0xa]  }
0x23: {  	[tilespmem:s10], [sflag:$0x5] =	stream.linear.gather [hbm4b:s13+s4], $0x80, $0x38;
	[tilespmem:$0x1FE80] =	vst v63  }
0x24: {  	s18 =	simm.s32 $0x13B00;
	s21 =	rddreg [dreg:$0xb]  }
0x25: {  	[tilespmem:s18], [sflag:$0x8] =	stream.linear.gather [hbm4b:s15+s4], $0x80, $0x38;
	[tilespmem:$0x1FE80] =	vst v63  }
0x26: {  	s20 =	simm.s32 $0x13980;
	s22 =	simm.s32 $0x13B80;
	s3 =	rddreg [dreg:$0xd]  }
0x27: {  	[tilespmem:s20], [sflag:$0x6] =	stream.linear.gather [hbm4b:s19+s4], $0x80, $0x38;
	[tilespmem:$0x1FE80] =	vst v63  }
0x28: {  	s7 =	simm.s32 @p0 $0x1FD0;
	s29 =	sshrl.u32 @p0 s3, $0x3;
	s5 =	rddreg [dreg:$0x5]  }
0x29: {  	[tilespmem:s22], [sflag:$0x9] =	stream.linear.gather [hbm4b:s21+s4], $0x80, $0x38;
	[tilespmem:$0x1FE80] =	vst v63  }
0x2a: {  	[spmem:s29], [sflag:s7] =	dma.local @p0 [hbm:s5], $0x2800  }
0x2b: {  	s3 =	stileid.u32;
	s7 =	simm.s32 @p0 $0x10  }
0x2c: {  	s8 =	sshll.u32 @!p0 s3, $0x6;
	_ =	swait.ge @p0 [sflag:s7], $0x2800  }
0x2d: {  	s26 =	sor.u32 @!p0 $0x1C10, s8;
	[sflag:s7] =	ssyncset.done @p0 $0x0;
	s3 =	rddreg [dreg:$0xc]  }
0x2e: {  	s8 =	simm.s32 @!p0 $0x10;
	[sflag:s7] =	ssyncadd.s32 @p0 $0xFFFFD800;
	s7 =	sshrl.u32 @!p0 s3, $0x3  }
0x2f: {  	[spmem:s7], [sflag:s26] =	dma.local @!p0 [hbm:s5], $0x2700  }
0x30: {  	_ =	swait.ge @!p0 [sflag:s8], $0x2700  }
0x31: {  	[sflag:s8] =	ssyncset.done @!p0 $0x0  }
0x32: {  	[sflag:s8] =	ssyncadd.s32 @!p0 $0xFFFFD900  }
0x33: {  	s23 =	simm.s32 $0x4;
	[bflag:$0x0] =	sbarrier.arrive $0xFFFF  }
0x34: {  	_ =	swait.ge [sflag:s23], $0x80  }
0x35: {  	[sflag:s23] =	ssyncset.done $0x0  }
0x36: {  	s24 =	simm.s32 $0x7;
	[sflag:s23] =	ssyncadd.s32 $0xFFFFFF80  }
0x37: {  	_ =	swait.ge [sflag:s24], $0x80  }
0x38: {  	[sflag:s24] =	ssyncset.done $0x0  }
0x39: {  	s25 =	simm.s32 $0x5;
	s8 =	simm.s32 $0x13E80;
	[sflag:s24] =	ssyncadd.s32 $0xFFFFFF80  }
0x3a: {  	[tilespmem:s8], [sflag:$0x1] =	stream.indirect.gather [hbm4b:s1+s0], $0x80, s9, s0, $0xb8;
	[tilespmem:$0x1FE80] =	vst v63  }
0x3b: {  	_ =	swait.ge [sflag:s25], $0x80  }
0x3c: {  	[sflag:s25] =	ssyncset.done $0x0  }
0x3d: {  	s30 =	simm.s32 $0x8;
	[sflag:s25] =	ssyncadd.s32 $0xFFFFFF80  }
0x3e: {  	s31 =	simm.s32 $0x17E80;
	s11 =	simm.s32 $0x1BE80;
	_ =	swait.ge [sflag:s30], $0x80  }
0x3f: {  	s12 =	simm.s32 $0x0;
	s18 =	simm.s32 $0x0;
	[sflag:s30] =	ssyncset.done $0x0  }
0x40: {  	s19 =	simm.s32 $0x0;
	s22 =	rddreg [dreg:$0x12];
	[sflag:s30] =	ssyncadd.s32 $0xFFFFFF80  }
0x41: {  	[tilespmem:s31], [sflag:$0x2] =	stream.indirect.gather [hbm4b:s1+s0], $0x80, s10, s0, $0xb8;
	[tilespmem:$0x1FE80] =	vst v63  }
0x42: {  	s9 =	simm.s32 $0x3;
	s21 =	rddreg [dreg:$0x11];
	s10 =	simm.s32 $0x2  }
.LBB2_2:
0x43: {  	s23 =	smulhi.u32 $0xAAAAAAAB, s19  }
0x44: {  	s15 =	smulhi.u32 $0xAAAAAAAB, s9  }
0x45: {  	s31 =	smulhi.u32 $0xAAAAAAAB, s10;
	s25 =	sshrl.u32 s23, $0x1  }
0x46: {  	s23 =	sshrl.u32 s23, $0x2;
	s20 =	smul.u32 $0xFFFFFFF4, s25  }
0x47: {  	s13 =	sshra.s32 s18, $0x2;
	s23 =	smul.u32 $0xFFFFF400, s23  }
0x48: {  	s24 =	sshra.s32 s12, $0x2;
	s30 =	smul.u32 $0xFFFD0000, s25;
	s20 =	sshra.s32 s20, $0x2  }
0x49: {  	s25 =	smul.u32 $0xFFFFFA00, s25;
	s23 =	sshra.s32 s23, $0x2;
	s13 =	sadd.s32 s13, s20  }
0x4a: {  	s30 =	sshra.s32 s30, $0x2;
	s23 =	sadd.s32 s24, s23;
	s3 =	sadd.s32 $0x1, s13  }
0x4b: {  	s30 =	sadd.s32 s30, s8;
	s5 =	sadd.s32 $0x13A80, s23;
	_ =	swait.ge [sflag:s3], $0x4000  }
0x4c: {  	s13 =	sadd.s32 $0xD, s13;
	s23 =	sadd.s32 $0xFFFFFFFF, s9;
	[sflag:s3] =	ssyncset.done $0x0  }
0x4d: {  	p1 =	sge.u32 s23, s6;
	[sflag:s3] =	ssyncadd.s32 $0xFFFFC000;
	s3 =	sshrl.u32 s31, $0x1  }
0x4e: {  	[spmem:s2] =	stream.indirect.scatter.add.f32 [tilespmem:s30], [sflag:s13], $0x80, s5, s0, $0xb8;
	[tilespmem:$0x1FE80] =	vst v63  }
0x4f: {  	s15 =	sshrl.u32 s15, $0x2;
	p2 =	seq.s32 @!p1 s18, $0x0;
	s24 =	smul.u32 $0xC, s3  }
0x50: {  	p2 =	por p2, p1;
	s30 =	smul.u32 $0xFFFFFFE8, s15  }
0x51: {  	s31 =	sshrl.u32 s31, $0x2;
	s15 =	smul.u32 $0xFFFFF400, s15;
	s23 =	ssub.s32 $0x8, s24  }
0x52: {  	s5 =	smul.u32 $0xFFFFFA00, s3;
	s13 =	sshra.s32 s30, $0x2;
	s30 =	sadd.s32 @!p2 s23, s18  }
0x53: {  	s31 =	smul.u32 $0xFFFFFFE8, s31;
	s30 =	sshra.s32 @!p2 s30, $0x2  }
0x54: {  	s3 =	smul.u32 $0xFFFD0000, s3;
	s15 =	sshra.s32 s15, $0x2;
	s30 =	sadd.s32 @!p2 $0xD, s30  }
0x55: {  	s24 =	sshra.s32 s5, $0x2;
	s23 =	sadd.s32 @!p1 s23, s18;
	_ =	swait.ge @!p2 [sflag:s30], $0x4000  }
0x56: {  	s31 =	sshra.s32 s31, $0x2;
	s23 =	sshra.s32 @!p1 s23, $0x2;
	[sflag:s30] =	ssyncset.done @!p2 $0x0  }
0x57: {  	s5 =	sshra.s32 @!p1 s18, $0x2;
	[sflag:s30] =	ssyncadd.s32 @!p2 $0xFFFFC000;
	s30 =	sadd.s32 @!p1 $0x4, s23  }
0x58: {  	s3 =	sshra.s32 s3, $0x2;
	s13 =	sadd.s32 $0xA, s13;
	_ =	swait.ge @!p1 [sflag:s30], $0x80  }
0x59: {  	s15 =	sadd.s32 $0x13C00, s15;
	s31 =	sadd.s32 $0x9, s31;
	[sflag:s30] =	ssyncset.done @!p1 $0x0  }
0x5a: {  	s24 =	sadd.s32 $0x13980, s24;
	s5 =	sadd.s32 @!p1 s5, s31;
	[sflag:s30] =	ssyncadd.s32 @!p1 $0xFFFFFF80  }
0x5b: {  	s3 =	sadd.s32 s3, s11;
	s30 =	sshra.s32 @!p1 s12, $0x2;
	_ =	swait.ge @!p1 [sflag:s5], $0x80  }
0x5c: {  	s24 =	sadd.s32 @!p1 s30, s24;
	s30 =	sshra.s32 s25, $0x2;
	[sflag:s5] =	ssyncset.done @!p1 $0x0  }
0x5d: {  	[sflag:s5] =	ssyncadd.s32 @!p1 $0xFFFFFF80;
	s5 =	sadd.s32 @!p1 $0x1, s23;
	s23 =	simm.s32 @!p1 $0x80  }
0x5e: {  	[tilespmem:s3], [sflag:s5] =	stream.indirect.gather @!p1 [hbm4b:s1+s23], $0x80, s24, s23, $0xb8;
	[tilespmem:$0x1FE80] =	vst v63  }
0x5f: {  	s31 =	rddreg [dreg:$0x4];
	s3 =	sadd.s32 $0x4, s20;
	p1 =	sge.u32 s9, s6  }
0x60: {  	s5 =	sadd.s32 $0x13880, s30;
	s20 =	sshra.s32 @!p1 s12, $0x2;
	s23 =	sshra.s32 @!p1 s18, $0x2  }
0x61: {  	s24 =	simm.s32 @!p1 $0x0;
	s5 =	sadd.s32 @!p1 s20, s5;
	s3 =	sadd.s32 @!p1 s23, s3  }
0x62: {  	[tilespmem:s5], [sflag:s3] =	stream.linear.gather @!p1 [hbm4b:s21+s24], $0x80, $0x38;
	[tilespmem:$0x1FE80] =	vst v63  }
0x63: {  	s18 =	sadd.s32 $0x4, s18;
	s3 =	sadd.s32 @!p1 s20, s15;
	s5 =	sadd.s32 @!p1 s23, s13  }
0x64: {  	[tilespmem:s3], [sflag:s5] =	stream.linear.gather @!p1 [hbm4b:s22+s24], $0x80, $0x38;
	[tilespmem:$0x1FE80] =	vst v63  }
0x65: {  	p1 =	sne.s32 s31, s18  }
.Ltmp0:
0x66: {  	_ = 	snop;
	(pc) =	sbr.rel @p1 .LBB2_2-.Ltmp0, $4  }
0x67: {  	_ = 	snop  }
0x68: {  	s19 =	sadd.s32 $0x1, s19;
	s10 =	sadd.s32 $0x1, s10  }
0x69: {  	s8 =	sadd.s32 $0x4000, s8;
	s11 =	sadd.s32 $0x4000, s11;
	s9 =	sadd.s32 $0x1, s9  }
0x6a: {  	s12 =	sadd.s32 $0x200, s12;
	s21 =	sadd.s32 $0x10, s21;
	s22 =	sadd.s32 $0x10, s22  }
0x6b: {  	_ =	swait.ge [sflag:s16], $0x4000  }
0x6c: {  	[sflag:s16] =	ssyncset.done $0x0  }
0x6d: {  	[sflag:s16] =	ssyncadd.s32 $0xFFFFC000  }
0x6e: {  	_ =	swait.ge [sflag:s14], $0x4000  }
0x6f: {  	[sflag:s14] =	ssyncset.done $0x0  }
0x70: {  	[sflag:s14] =	ssyncadd.s32 $0xFFFFC000  }
0x71: {  	_ =	swait.ge [sflag:s17], $0x4000  }
0x72: {  	[sflag:s17] =	ssyncset.done $0x0  }
0x73: {  	[sflag:s17] =	ssyncadd.s32 $0xFFFFC000  }
0x74: {  	[bflag:$0x0] =	sbarrier.arrive $0xFFFF  }
0x75: {  	s3 =	simm.s32 @p0 $0x1FD0;
	s5 =	rddreg [dreg:$0xf]  }
0x76: {  	[hbm:s5], [sflag:s3] =	dma.local @p0 [spmem:s29], $0x2800  }
0x77: {  	s3 =	simm.s32 @p0 $0x10  }
0x78: {  	_ =	swait.ge @p0 [sflag:s3], $0x2800  }
0x79: {  	[sflag:s3] =	ssyncset.done @p0 $0x0  }
0x7a: {  	[sflag:s3] =	ssyncadd.s32 @p0 $0xFFFFD800;
	s3 =	rddreg [dreg:$0xe]  }
0x7b: {  	[hbm:s3], [sflag:s26] =	dma.local @!p0 [spmem:s7], $0x2700  }
0x7c: {  	s3 =	simm.s32 @!p0 $0x10  }
0x7d: {  	_ =	swait.ge @!p0 [sflag:s3], $0x2700  }
0x7e: {  	s28 =	sadd.s32 $0x1, s28;
	s31 =	rddreg [dreg:$0x10]  }
0x7f: {  	p1 =	sne.s32 s28, s31  }
.Ltmp1:
0x80: {  	_ = 	snop;
	(pc) =	sbr.rel @p1 .LBB2_1-.Ltmp1, $3  }
0x81: {  	_ =	sdelay $0x1  }
0x82: {  	[sflag:s3] =	ssyncset.done @!p0 $0x0  }
0x83: {  	[sflag:s3] =	ssyncadd.s32 @!p0 $0xFFFFD900  }
0x84: {  	_ =	sfence.sel $0x180000  }
0x85: {  	[bflag:$0x0] =	sbarrier.arrive $0xFFFF  }
0x86: {  	_ =	strace $0x90000047  }
0x87: {  	s0 =	stileid.u32;
	[bflag:$0x2] =	sbarrier.arrive $0xFFFF  }
0x88: {  	p0 =	sne.s32 s0, $0x0;
	s0 =	rddreg [dreg:$0x3]  }
0x89: {  	s0 =	sadd.s32 @!p0 $0x100000, s0  }
0x8a: {  	[sflag:s0] =	ssyncadd.tile.s32 @!p0 $0x1;
	_ =	shalt  }
.Lfunc_end2:
_tile_overlayer_lowered:
.L_overlay_start_2:
0x8b: {  	(tag) =	ssettag $0x2  }
0x8c: {  	s0 =	rddreg [dreg:$0x0];
	s2 =	stileid.u32  }
0x8d: {  	s1 =	rddreg [dreg:$0x1];
	p0 =	sne.s32 s2, $0x0  }
0x8e: {  	s3 =	rddreg [dreg:$0x2];
	[bflag:$0x3] =	sbarrier.arrive $0xFFFF;
	s2 =	simm.s32 @!p0 $0x1C10  }
0x8f: {  	[timem:s3], [sflag:s2] =	dma.local @!p0 [hbm:s0], s1  }
0x90: {  	s0 =	simm.s32 @!p0 $0x10  }
0x91: {  	_ =	swait.ge @!p0 [sflag:s0], s1  }
0x92: {  	s1 =	ssub.s32 @!p0 $0x0, s1;
	[sflag:s0] =	ssyncset.done @!p0 $0x0  }
0x93: {  	[sflag:s0] =	ssyncadd.s32 @!p0 s1  }
0x94: {  	[bflag:$0x3] =	sbarrier.arrive $0xFFFF  }
0x95: {  	_ =	shalt  }

</sc_bundles>
